<compile_context>
chip_gen: v7x
topology: tpu7x:2x2x1
jax: 0.10.2.dev20260603
libtpu: 0.0.44.dev20260713+nightly
codegen_flags: <defaults>
</compile_context>

<pallas_src>
import functools

import jax
import jax.numpy as jnp
from jax import lax
from jax.experimental import pallas as pl
from jax.experimental.pallas import tpu as pltpu
from jax.experimental.pallas import tpu_sc as plsc

_N = 10000
_E = 320000
_D = 128

_NC = 2
_NS = 16
_NW = _NC * _NS
_CH = 80
_EPW = _E // _NW
_NCHT = _EPW // _CH
_NPAD = _N
_RPT = 624
_RREM = _N - _RPT * _NS

_mesh = plsc.VectorSubcoreMesh(core_axis_name="c", subcore_axis_name="s")


@functools.partial(
    pl.kernel,
    mesh=_mesh,
    out_type=jax.ShapeDtypeStruct((_NC, _N, _D), jnp.float32),
    scratch_types=[
        pltpu.VMEM((8, _CH), jnp.int32),
        pltpu.VMEM((8, _CH), jnp.int32),
        pltpu.VMEM((8, _CH), jnp.int32),
        pltpu.VMEM((8, _CH), jnp.int32),
        pltpu.VMEM((8, _CH), jnp.int32),
        pltpu.VMEM((8, _CH), jnp.int32),
        pltpu.VMEM((8, _CH), jnp.int32),
        pltpu.VMEM((8, _CH), jnp.int32),
        pltpu.VMEM((_CH, _D), jnp.float32),
        pltpu.VMEM((_CH, _D), jnp.float32),
        pltpu.VMEM((_CH, _D), jnp.float32),
        pltpu.VMEM((_CH, _D), jnp.float32),
        pltpu.VMEM_SHARED((_NPAD, _D), jnp.float32),
        pltpu.SemaphoreType.DMA,
        pltpu.SemaphoreType.DMA,
        pltpu.SemaphoreType.DMA,
        pltpu.SemaphoreType.DMA,
        pltpu.SemaphoreType.DMA,
        pltpu.SemaphoreType.DMA,
        pltpu.SemaphoreType.DMA,
        pltpu.SemaphoreType.DMA,
        pltpu.SemaphoreType.DMA,
        pltpu.SemaphoreType.DMA,
        pltpu.SemaphoreType.DMA,
        pltpu.SemaphoreType.DMA,
    ],
)
def _sc_agg(x_hbm, edge_hbm, z_hbm, out_hbm,
            si0, si1, si2, si3, di0, di1, di2, di3, b0, b1, b2, b3,
            agg_sh, sg0, sg1, sg2, sg3, ss0, ss1, ss2, ss3,
            sd0, sd1, sd2, sd3):
    c = lax.axis_index("c")
    s = lax.axis_index("s")
    wid = s * _NC + c

    def _init_rows(src_ref):
        pltpu.sync_copy(src_ref.at[pl.ds(s * _RPT, _RPT)],
                        agg_sh.at[pl.ds(s * _RPT, _RPT)])

        @pl.when(s == 0)
        def _tail():
            pltpu.sync_copy(src_ref.at[pl.ds(_RPT * _NS, _RREM)],
                            agg_sh.at[pl.ds(_RPT * _NS, _RREM)])


    sis = (si0, si1, si2, si3)
    dis = (di0, di1, di2, di3)
    bufs = (b0, b1, b2, b3)
    sgs = (sg0, sg1, sg2, sg3)
    sss = (ss0, ss1, ss2, ss3)
    sds = (sd0, sd1, sd2, sd3)

    def _idx_fetch(row, j, dbuf, semx):
        pltpu.async_copy(edge_hbm.at[row, wid, pl.ds(j, 1)],
                         dbuf.at[pl.ds(0, 1)], semx)

    def _idx_wait(row, dbuf, semx):
        pltpu.make_async_copy(edge_hbm.at[row, wid, pl.ds(0, 1)],
                              dbuf.at[pl.ds(0, 1)], semx).wait()

    def _gwait(bufn, semn):
        pltpu.make_async_copy(x_hbm.at[pl.ds(0, _CH)], bufn, semn).wait()

    for k in range(4):
        _idx_fetch(0, k, sis[k], sss[k])
        _idx_fetch(1, k, dis[k], sds[k])
    for k in range(4):
        _idx_wait(0, sis[k], sss[k])
        pltpu.async_copy(x_hbm.at[sis[k].at[0]], bufs[k], sgs[k])

    @pl.when(c == 0)
    def _init_x():
        _init_rows(x_hbm)

    @pl.when(c == 1)
    def _init_z():
        _init_rows(z_hbm)
    plsc.subcore_barrier()

    def body(i, carry):
        c0 = 4 * i
        for k in range(4):
            ck = c0 + k
            nk = jnp.minimum(ck + 4, _NCHT - 1)
            _gwait(bufs[k], sgs[k])
            _idx_fetch(0, nk, sis[k], sss[k])
            _idx_wait(1, dis[k], sds[k])
            pltpu.sync_copy(bufs[k], agg_sh.at[dis[k].at[0]], add=True)
            _idx_fetch(1, nk, dis[k], sds[k])
            _idx_wait(0, sis[k], sss[k])
            pltpu.async_copy(x_hbm.at[sis[k].at[0]], bufs[k], sgs[k])
        return carry

    lax.fori_loop(0, (_NCHT - 1) // 4, body, 0)
    _gwait(bufs[0], sgs[0])
    _idx_wait(1, dis[0], sds[0])
    pltpu.sync_copy(bufs[0], agg_sh.at[dis[0].at[0]], add=True)
    for k in range(1, 4):
        _gwait(bufs[k], sgs[k])
        _idx_wait(1, dis[k], sds[k])
    plsc.subcore_barrier()
    pltpu.sync_copy(agg_sh.at[pl.ds(s * _RPT, _RPT)],
                    out_hbm.at[c, pl.ds(s * _RPT, _RPT)])

    @pl.when(s == 0)
    def _write_tail():
        pltpu.sync_copy(agg_sh.at[pl.ds(_RPT * _NS, _RREM)],
                        out_hbm.at[c, pl.ds(_RPT * _NS, _RREM)])


def _mlp_body(agg_ref, w_ref, b_ref, g_ref, be_ref, out_ref):
    h = agg_ref[0] + agg_ref[1]
    t = lax.dot_general(h, w_ref[...], (((1,), (1,)), ((), ())),
                        preferred_element_type=jnp.float32)
    t = jnp.maximum(t + b_ref[...], 0.0)
    mean = jnp.mean(t, axis=0, keepdims=True)
    ctr = t - mean
    var = jnp.mean(ctr * ctr, axis=0, keepdims=True)
    out_ref[...] = ctr * lax.rsqrt(var + 1e-5) * g_ref[...] + be_ref[...]


def _mlp(agg, w, b, g, be):
    return pl.pallas_call(
        _mlp_body,
        out_shape=jax.ShapeDtypeStruct((_N, _D), jnp.float32),
    )(agg, w, b.reshape(1, _D), g.reshape(1, _D), be.reshape(1, _D))


def kernel(x, edge_index, W1, b1, g1, be1, W2, b2, g2, be2):
    edges = edge_index.astype(jnp.int32).reshape(2, _NW, _NCHT, _CH)
    z = jnp.zeros((_N, _D), jnp.float32)
    agg1 = _sc_agg(x, edges, z)
    h1 = _mlp(agg1, W1, b1, g1, be1)
    agg2 = _sc_agg(h1, edges, z)
    h2 = _mlp(agg2, W2, b2, g2, be2)
    return h2

# --- scband reference (transcript-rebuilt; emitter-appended) ---
"""Pipeline reference for scband-gin-8572754723378 (READ-ONLY COPY).

The authoritative reference and input builder live on the scoring server;
editing this copy changes nothing except your own understanding.
"""

import jax, jax.numpy as jnp
import numpy as np

N_NODES = 10000
N_EDGES = 320000
D = 128

def setup_inputs(seed: int = 0) -> dict:
    key = jax.random.key(seed)
    ks = jax.random.split(key, 12)
    x = jax.random.normal(ks[0], (N_NODES, D), dtype=jnp.float32)
    edge_index = jax.random.randint(ks[1], (2, N_EDGES), 0, N_NODES, dtype=jnp.int64)
    # Layer 1 params: Linear(128->128) + BatchNorm1d(128)
    lim = 1.0 / np.sqrt(D)
    W1 = jax.random.uniform(ks[2], (D, D), minval=-lim, maxval=lim, dtype=jnp.float32)
    b1 = jax.random.uniform(ks[3], (D,), minval=-lim, maxval=lim, dtype=jnp.float32)
    g1 = jnp.ones((D,), dtype=jnp.float32)
    be1 = jnp.zeros((D,), dtype=jnp.float32)
    # Layer 2 params
    W2 = jax.random.uniform(ks[4], (D, D), minval=-lim, maxval=lim, dtype=jnp.float32)
    b2 = jax.random.uniform(ks[5], (D,), minval=-lim, maxval=lim, dtype=jnp.float32)
    g2 = jnp.ones((D,), dtype=jnp.float32)
    be2 = jnp.zeros((D,), dtype=jnp.float32)
    return {"x": x, "edge_index": edge_index, "W1": W1, "b1": b1, "g1": g1, "be1": be1, "W2": W2, "b2": b2, "g2": g2, "be2": be2}

def _gin_layer(x, edge_index, W, b, gamma, beta):
    src = edge_index[0]
    dst = edge_index[1]
    # GINConv aggregation: out[i] = (1 + eps) * x[i] + sum_{j -> i} x[j], eps = 0
    agg = jnp.zeros_like(x).at[dst].add(x[src])
    h = x + agg
    # MLP: Linear -> ReLU -> BatchNorm1d (training-mode batch stats)
    h = h @ W.T + b
    h = jax.nn.relu(h)
    mean = jnp.mean(h, axis=0)
    var = jnp.var(h, axis=0)
    h = (h - mean) / jnp.sqrt(var + 1e-5) * gamma + beta
    return h

def reference(x, edge_index, W1, b1, g1, be1, W2, b2, g2, be2):
    h = _gin_layer(x, edge_index, W1, b1, g1, be1)
    h = _gin_layer(h, edge_index, W2, b2, g2, be2)
    return h

if __name__ == "__main__":
    import jax
    _d = setup_inputs()
    print(jax.jit(kernel)(*tuple(_d.values())))

</pallas_src>

<mosaic_0001>
#map = affine_map<(d0, d1) -> (0, 0)>
#map1 = affine_map<(d0, d1) -> (0, 0, 0, 0)>
#map2 = affine_map<(d0, d1) -> (0, 0, 0)>
module attributes {stable_mosaic.version = 14 : i64} {
  func.func @_sc_agg(%arg0: i32, %arg1: i32, %arg2: memref<10000x128xf32, #tpu.memory_space<hbm>>, %arg3: memref<2x32x125x80xi32, #tpu.memory_space<hbm>>, %arg4: memref<10000x128xf32, #tpu.memory_space<hbm>>, %arg5: memref<2x10000x128xf32, #tpu.memory_space<hbm>>, %arg6: memref<8x80xi32, #tpu.memory_space<vmem>>, %arg7: memref<8x80xi32, #tpu.memory_space<vmem>>, %arg8: memref<8x80xi32, #tpu.memory_space<vmem>>, %arg9: memref<8x80xi32, #tpu.memory_space<vmem>>, %arg10: memref<8x80xi32, #tpu.memory_space<vmem>>, %arg11: memref<8x80xi32, #tpu.memory_space<vmem>>, %arg12: memref<8x80xi32, #tpu.memory_space<vmem>>, %arg13: memref<8x80xi32, #tpu.memory_space<vmem>>, %arg14: memref<80x128xf32, #tpu.memory_space<vmem>>, %arg15: memref<80x128xf32, #tpu.memory_space<vmem>>, %arg16: memref<80x128xf32, #tpu.memory_space<vmem>>, %arg17: memref<80x128xf32, #tpu.memory_space<vmem>>, %arg18: memref<10000x128xf32, #tpu.memory_space<vmem_shared>>, %arg19: memref<!tpu.dma_semaphore, #tpu.memory_space<semaphore_mem>>, %arg20: memref<!tpu.dma_semaphore, #tpu.memory_space<semaphore_mem>>, %arg21: memref<!tpu.dma_semaphore, #tpu.memory_space<semaphore_mem>>, %arg22: memref<!tpu.dma_semaphore, #tpu.memory_space<semaphore_mem>>, %arg23: memref<!tpu.dma_semaphore, #tpu.memory_space<semaphore_mem>>, %arg24: memref<!tpu.dma_semaphore, #tpu.memory_space<semaphore_mem>>, %arg25: memref<!tpu.dma_semaphore, #tpu.memory_space<semaphore_mem>>, %arg26: memref<!tpu.dma_semaphore, #tpu.memory_space<semaphore_mem>>, %arg27: memref<!tpu.dma_semaphore, #tpu.memory_space<semaphore_mem>>, %arg28: memref<!tpu.dma_semaphore, #tpu.memory_space<semaphore_mem>>, %arg29: memref<!tpu.dma_semaphore, #tpu.memory_space<semaphore_mem>>, %arg30: memref<!tpu.dma_semaphore, #tpu.memory_space<semaphore_mem>>) attributes {dimension_semantics = [#tpu.dimension_semantics<core_parallel>, #tpu.dimension_semantics<subcore_parallel>], iteration_bounds = array<i64: 2, 16>, scalar_prefetch = 0 : i64, scratch_operands = 25 : i64, tpu.core_type = #tpu.core_type<sc_vector_subcore>, window_params = [{transform_indices = #map}, {transform_indices = #map1}, {transform_indices = #map}, {transform_indices = #map2}]} {
    %mul3A = arith.constant 2 : i32
    %mul3A_0 = arith.muli %arg1, %mul3A : i32
    %add3A = arith.addi %mul3A_0, %arg0 : i32
    %dma_start3A = arith.constant 0 : i32
    %dma_start3A_1 = arith.constant 0 : i32
    %dma_start3A_2 = arith.constant 0 : i32
    %dma_start3A_3 = tpu.memref_slice %arg6[%dma_start3A_1, %dma_start3A_2] : memref<8x80xi32, #tpu.memory_space<vmem>> -> memref<1x80xi32, #tpu.memory_space<vmem>>
    %dma_start3A_4 = arith.constant 0 : i32
    %dma_start3A_5 = arith.constant 0 : i32
    %dma_start3A_6 = tpu.memref_slice %arg3[%dma_start3A, %add3A, %dma_start3A_4, %dma_start3A_5] : memref<2x32x125x80xi32, #tpu.memory_space<hbm>> -> memref<1x1x1x80xi32, #tpu.memory_space<hbm>>
    %dma_start3A_7 = tpu.memref_squeeze %dma_start3A_6 : memref<1x1x1x80xi32, #tpu.memory_space<hbm>> -> memref<1x80xi32, #tpu.memory_space<hbm>>
    %dma_start3A_8 = arith.constant 0 : i32
    %dma_start3A_9 = arith.constant 0 : i32
    %dma_start3A_10 = tpu.memref_slice %arg6[%dma_start3A_8, %dma_start3A_9] : memref<8x80xi32, #tpu.memory_space<vmem>> -> memref<1x80xi32, #tpu.memory_space<vmem>>
    %dma_start3A_11 = arith.constant 0 : i32
    %dma_start3A_12 = arith.constant 0 : i32
    %dma_start3A_13 = tpu.memref_slice %arg3[%dma_start3A, %add3A, %dma_start3A_11, %dma_start3A_12] : memref<2x32x125x80xi32, #tpu.memory_space<hbm>> -> memref<1x1x1x80xi32, #tpu.memory_space<hbm>>
    %dma_start3A_14 = tpu.memref_squeeze %dma_start3A_13 : memref<1x1x1x80xi32, #tpu.memory_space<hbm>> -> memref<1x80xi32, #tpu.memory_space<hbm>>
    tpu.enqueue_dma source(%dma_start3A_14 : memref<1x80xi32, #tpu.memory_space<hbm>>) target(%dma_start3A_10 : memref<1x80xi32, #tpu.memory_space<vmem>>) target_semaphore(%arg23 : memref<!tpu.dma_semaphore, #tpu.memory_space<semaphore_mem>>)
    %dma_start3A_15 = arith.constant 1 : i32
    %dma_start3A_16 = arith.constant 0 : i32
    %dma_start3A_17 = arith.constant 0 : i32
    %dma_start3A_18 = tpu.memref_slice %arg10[%dma_start3A_16, %dma_start3A_17] : memref<8x80xi32, #tpu.memory_space<vmem>> -> memref<1x80xi32, #tpu.memory_space<vmem>>
    %dma_start3A_19 = arith.constant 0 : i32
    %dma_start3A_20 = arith.constant 0 : i32
    %dma_start3A_21 = tpu.memref_slice %arg3[%dma_start3A_15, %add3A, %dma_start3A_19, %dma_start3A_20] : memref<2x32x125x80xi32, #tpu.memory_space<hbm>> -> memref<1x1x1x80xi32, #tpu.memory_space<hbm>>
    %dma_start3A_22 = tpu.memref_squeeze %dma_start3A_21 : memref<1x1x1x80xi32, #tpu.memory_space<hbm>> -> memref<1x80xi32, #tpu.memory_space<hbm>>
    %dma_start3A_23 = arith.constant 0 : i32
    %dma_start3A_24 = arith.constant 0 : i32
    %dma_start3A_25 = tpu.memref_slice %arg10[%dma_start3A_23, %dma_start3A_24] : memref<8x80xi32, #tpu.memory_space<vmem>> -> memref<1x80xi32, #tpu.memory_space<vmem>>
    %dma_start3A_26 = arith.constant 0 : i32
    %dma_start3A_27 = arith.constant 0 : i32
    %dma_start3A_28 = tpu.memref_slice %arg3[%dma_start3A_15, %add3A, %dma_start3A_26, %dma_start3A_27] : memref<2x32x125x80xi32, #tpu.memory_space<hbm>> -> memref<1x1x1x80xi32, #tpu.memory_space<hbm>>
    %dma_start3A_29 = tpu.memref_squeeze %dma_start3A_28 : memref<1x1x1x80xi32, #tpu.memory_space<hbm>> -> memref<1x80xi32, #tpu.memory_space<hbm>>
    tpu.enqueue_dma source(%dma_start3A_29 : memref<1x80xi32, #tpu.memory_space<hbm>>) target(%dma_start3A_25 : memref<1x80xi32, #tpu.memory_space<vmem>>) target_semaphore(%arg27 : memref<!tpu.dma_semaphore, #tpu.memory_space<semaphore_mem>>)
    %dma_start3A_30 = arith.constant 0 : i32
    %dma_start3A_31 = arith.constant 0 : i32
    %dma_start3A_32 = arith.constant 0 : i32
    %dma_start3A_33 = tpu.memref_slice %arg7[%dma_start3A_31, %dma_start3A_32] : memref<8x80xi32, #tpu.memory_space<vmem>> -> memref<1x80xi32, #tpu.memory_space<vmem>>
    %dma_start3A_34 = arith.constant 1 : i32
    %dma_start3A_35 = arith.constant 0 : i32
    %dma_start3A_36 = tpu.memref_slice %arg3[%dma_start3A_30, %add3A, %dma_start3A_34, %dma_start3A_35] : memref<2x32x125x80xi32, #tpu.memory_space<hbm>> -> memref<1x1x1x80xi32, #tpu.memory_space<hbm>>
    %dma_start3A_37 = tpu.memref_squeeze %dma_start3A_36 : memref<1x1x1x80xi32, #tpu.memory_space<hbm>> -> memref<1x80xi32, #tpu.memory_space<hbm>>
    %dma_start3A_38 = arith.constant 0 : i32
    %dma_start3A_39 = arith.constant 0 : i32
    %dma_start3A_40 = tpu.memref_slice %arg7[%dma_start3A_38, %dma_start3A_39] : memref<8x80xi32, #tpu.memory_space<vmem>> -> memref<1x80xi32, #tpu.memory_space<vmem>>
    %dma_start3A_41 = arith.constant 1 : i32
    %dma_start3A_42 = arith.constant 0 : i32
    %dma_start3A_43 = tpu.memref_slice %arg3[%dma_start3A_30, %add3A, %dma_start3A_41, %dma_start3A_42] : memref<2x32x125x80xi32, #tpu.memory_space<hbm>> -> memref<1x1x1x80xi32, #tpu.memory_space<hbm>>
    %dma_start3A_44 = tpu.memref_squeeze %dma_start3A_43 : memref<1x1x1x80xi32, #tpu.memory_space<hbm>> -> memref<1x80xi32, #tpu.memory_space<hbm>>
    tpu.enqueue_dma source(%dma_start3A_44 : memref<1x80xi32, #tpu.memory_space<hbm>>) target(%dma_start3A_40 : memref<1x80xi32, #tpu.memory_space<vmem>>) target_semaphore(%arg24 : memref<!tpu.dma_semaphore, #tpu.memory_space<semaphore_mem>>)
    %dma_start3A_45 = arith.constant 1 : i32
    %dma_start3A_46 = arith.constant 0 : i32
    %dma_start3A_47 = arith.constant 0 : i32
    %dma_start3A_48 = tpu.memref_slice %arg11[%dma_start3A_46, %dma_start3A_47] : memref<8x80xi32, #tpu.memory_space<vmem>> -> memref<1x80xi32, #tpu.memory_space<vmem>>
    %dma_start3A_49 = arith.constant 1 : i32
    %dma_start3A_50 = arith.constant 0 : i32
    %dma_start3A_51 = tpu.memref_slice %arg3[%dma_start3A_45, %add3A, %dma_start3A_49, %dma_start3A_50] : memref<2x32x125x80xi32, #tpu.memory_space<hbm>> -> memref<1x1x1x80xi32, #tpu.memory_space<hbm>>
    %dma_start3A_52 = tpu.memref_squeeze %dma_start3A_51 : memref<1x1x1x80xi32, #tpu.memory_space<hbm>> -> memref<1x80xi32, #tpu.memory_space<hbm>>
    %dma_start3A_53 = arith.constant 0 : i32
    %dma_start3A_54 = arith.constant 0 : i32
    %dma_start3A_55 = tpu.memref_slice %arg11[%dma_start3A_53, %dma_start3A_54] : memref<8x80xi32, #tpu.memory_space<vmem>> -> memref<1x80xi32, #tpu.memory_space<vmem>>
    %dma_start3A_56 = arith.constant 1 : i32
    %dma_start3A_57 = arith.constant 0 : i32
    %dma_start3A_58 = tpu.memref_slice %arg3[%dma_start3A_45, %add3A, %dma_start3A_56, %dma_start3A_57] : memref<2x32x125x80xi32, #tpu.memory_space<hbm>> -> memref<1x1x1x80xi32, #tpu.memory_space<hbm>>
    %dma_start3A_59 = tpu.memref_squeeze %dma_start3A_58 : memref<1x1x1x80xi32, #tpu.memory_space<hbm>> -> memref<1x80xi32, #tpu.memory_space<hbm>>
    tpu.enqueue_dma source(%dma_start3A_59 : memref<1x80xi32, #tpu.memory_space<hbm>>) target(%dma_start3A_55 : memref<1x80xi32, #tpu.memory_space<vmem>>) target_semaphore(%arg28 : memref<!tpu.dma_semaphore, #tpu.memory_space<semaphore_mem>>)
    %dma_start3A_60 = arith.constant 0 : i32
    %dma_start3A_61 = arith.constant 0 : i32
    %dma_start3A_62 = arith.constant 0 : i32
    %dma_start3A_63 = tpu.memref_slice %arg8[%dma_start3A_61, %dma_start3A_62] : memref<8x80xi32, #tpu.memory_space<vmem>> -> memref<1x80xi32, #tpu.memory_space<vmem>>
    %dma_start3A_64 = arith.constant 2 : i32
    %dma_start3A_65 = arith.constant 0 : i32
    %dma_start3A_66 = tpu.memref_slice %arg3[%dma_start3A_60, %add3A, %dma_start3A_64, %dma_start3A_65] : memref<2x32x125x80xi32, #tpu.memory_space<hbm>> -> memref<1x1x1x80xi32, #tpu.memory_space<hbm>>
    %dma_start3A_67 = tpu.memref_squeeze %dma_start3A_66 : memref<1x1x1x80xi32, #tpu.memory_space<hbm>> -> memref<1x80xi32, #tpu.memory_space<hbm>>
    %dma_start3A_68 = arith.constant 0 : i32
    %dma_start3A_69 = arith.constant 0 : i32
    %dma_start3A_70 = tpu.memref_slice %arg8[%dma_start3A_68, %dma_start3A_69] : memref<8x80xi32, #tpu.memory_space<vmem>> -> memref<1x80xi32, #tpu.memory_space<vmem>>
    %dma_start3A_71 = arith.constant 2 : i32
    %dma_start3A_72 = arith.constant 0 : i32
    %dma_start3A_73 = tpu.memref_slice %arg3[%dma_start3A_60, %add3A, %dma_start3A_71, %dma_start3A_72] : memref<2x32x125x80xi32, #tpu.memory_space<hbm>> -> memref<1x1x1x80xi32, #tpu.memory_space<hbm>>
    %dma_start3A_74 = tpu.memref_squeeze %dma_start3A_73 : memref<1x1x1x80xi32, #tpu.memory_space<hbm>> -> memref<1x80xi32, #tpu.memory_space<hbm>>
    tpu.enqueue_dma source(%dma_start3A_74 : memref<1x80xi32, #tpu.memory_space<hbm>>) target(%dma_start3A_70 : memref<1x80xi32, #tpu.memory_space<vmem>>) target_semaphore(%arg25 : memref<!tpu.dma_semaphore, #tpu.memory_space<semaphore_mem>>)
    %dma_start3A_75 = arith.constant 1 : i32
    %dma_start3A_76 = arith.constant 0 : i32
    %dma_start3A_77 = arith.constant 0 : i32
    %dma_start3A_78 = tpu.memref_slice %arg12[%dma_start3A_76, %dma_start3A_77] : memref<8x80xi32, #tpu.memory_space<vmem>> -> memref<1x80xi32, #tpu.memory_space<vmem>>
    %dma_start3A_79 = arith.constant 2 : i32
    %dma_start3A_80 = arith.constant 0 : i32
    %dma_start3A_81 = tpu.memref_slice %arg3[%dma_start3A_75, %add3A, %dma_start3A_79, %dma_start3A_80] : memref<2x32x125x80xi32, #tpu.memory_space<hbm>> -> memref<1x1x1x80xi32, #tpu.memory_space<hbm>>
    %dma_start3A_82 = tpu.memref_squeeze %dma_start3A_81 : memref<1x1x1x80xi32, #tpu.memory_space<hbm>> -> memref<1x80xi32, #tpu.memory_space<hbm>>
    %dma_start3A_83 = arith.constant 0 : i32
    %dma_start3A_84 = arith.constant 0 : i32
    %dma_start3A_85 = tpu.memref_slice %arg12[%dma_start3A_83, %dma_start3A_84] : memref<8x80xi32, #tpu.memory_space<vmem>> -> memref<1x80xi32, #tpu.memory_space<vmem>>
    %dma_start3A_86 = arith.constant 2 : i32
    %dma_start3A_87 = arith.constant 0 : i32
    %dma_start3A_88 = tpu.memref_slice %arg3[%dma_start3A_75, %add3A, %dma_start3A_86, %dma_start3A_87] : memref<2x32x125x80xi32, #tpu.memory_space<hbm>> -> memref<1x1x1x80xi32, #tpu.memory_space<hbm>>
    %dma_start3A_89 = tpu.memref_squeeze %dma_start3A_88 : memref<1x1x1x80xi32, #tpu.memory_space<hbm>> -> memref<1x80xi32, #tpu.memory_space<hbm>>
    tpu.enqueue_dma source(%dma_start3A_89 : memref<1x80xi32, #tpu.memory_space<hbm>>) target(%dma_start3A_85 : memref<1x80xi32, #tpu.memory_space<vmem>>) target_semaphore(%arg29 : memref<!tpu.dma_semaphore, #tpu.memory_space<semaphore_mem>>)
    %dma_start3A_90 = arith.constant 0 : i32
    %dma_start3A_91 = arith.constant 0 : i32
    %dma_start3A_92 = arith.constant 0 : i32
    %dma_start3A_93 = tpu.memref_slice %arg9[%dma_start3A_91, %dma_start3A_92] : memref<8x80xi32, #tpu.memory_space<vmem>> -> memref<1x80xi32, #tpu.memory_space<vmem>>
    %dma_start3A_94 = arith.constant 3 : i32
    %dma_start3A_95 = arith.constant 0 : i32
    %dma_start3A_96 = tpu.memref_slice %arg3[%dma_start3A_90, %add3A, %dma_start3A_94, %dma_start3A_95] : memref<2x32x125x80xi32, #tpu.memory_space<hbm>> -> memref<1x1x1x80xi32, #tpu.memory_space<hbm>>
    %dma_start3A_97 = tpu.memref_squeeze %dma_start3A_96 : memref<1x1x1x80xi32, #tpu.memory_space<hbm>> -> memref<1x80xi32, #tpu.memory_space<hbm>>
    %dma_start3A_98 = arith.constant 0 : i32
    %dma_start3A_99 = arith.constant 0 : i32
    %dma_start3A_100 = tpu.memref_slice %arg9[%dma_start3A_98, %dma_start3A_99] : memref<8x80xi32, #tpu.memory_space<vmem>> -> memref<1x80xi32, #tpu.memory_space<vmem>>
    %dma_start3A_101 = arith.constant 3 : i32
    %dma_start3A_102 = arith.constant 0 : i32
    %dma_start3A_103 = tpu.memref_slice %arg3[%dma_start3A_90, %add3A, %dma_start3A_101, %dma_start3A_102] : memref<2x32x125x80xi32, #tpu.memory_space<hbm>> -> memref<1x1x1x80xi32, #tpu.memory_space<hbm>>
    %dma_start3A_104 = tpu.memref_squeeze %dma_start3A_103 : memref<1x1x1x80xi32, #tpu.memory_space<hbm>> -> memref<1x80xi32, #tpu.memory_space<hbm>>
    tpu.enqueue_dma source(%dma_start3A_104 : memref<1x80xi32, #tpu.memory_space<hbm>>) target(%dma_start3A_100 : memref<1x80xi32, #tpu.memory_space<vmem>>) target_semaphore(%arg26 : memref<!tpu.dma_semaphore, #tpu.memory_space<semaphore_mem>>)
    %dma_start3A_105 = arith.constant 1 : i32
    %dma_start3A_106 = arith.constant 0 : i32
    %dma_start3A_107 = arith.constant 0 : i32
    %dma_start3A_108 = tpu.memref_slice %arg13[%dma_start3A_106, %dma_start3A_107] : memref<8x80xi32, #tpu.memory_space<vmem>> -> memref<1x80xi32, #tpu.memory_space<vmem>>
    %dma_start3A_109 = arith.constant 3 : i32
    %dma_start3A_110 = arith.constant 0 : i32
    %dma_start3A_111 = tpu.memref_slice %arg3[%dma_start3A_105, %add3A, %dma_start3A_109, %dma_start3A_110] : memref<2x32x125x80xi32, #tpu.memory_space<hbm>> -> memref<1x1x1x80xi32, #tpu.memory_space<hbm>>
    %dma_start3A_112 = tpu.memref_squeeze %dma_start3A_111 : memref<1x1x1x80xi32, #tpu.memory_space<hbm>> -> memref<1x80xi32, #tpu.memory_space<hbm>>
    %dma_start3A_113 = arith.constant 0 : i32
    %dma_start3A_114 = arith.constant 0 : i32
    %dma_start3A_115 = tpu.memref_slice %arg13[%dma_start3A_113, %dma_start3A_114] : memref<8x80xi32, #tpu.memory_space<vmem>> -> memref<1x80xi32, #tpu.memory_space<vmem>>
    %dma_start3A_116 = arith.constant 3 : i32
    %dma_start3A_117 = arith.constant 0 : i32
    %dma_start3A_118 = tpu.memref_slice %arg3[%dma_start3A_105, %add3A, %dma_start3A_116, %dma_start3A_117] : memref<2x32x125x80xi32, #tpu.memory_space<hbm>> -> memref<1x1x1x80xi32, #tpu.memory_space<hbm>>
    %dma_start3A_119 = tpu.memref_squeeze %dma_start3A_118 : memref<1x1x1x80xi32, #tpu.memory_space<hbm>> -> memref<1x80xi32, #tpu.memory_space<hbm>>
    tpu.enqueue_dma source(%dma_start3A_119 : memref<1x80xi32, #tpu.memory_space<hbm>>) target(%dma_start3A_115 : memref<1x80xi32, #tpu.memory_space<vmem>>) target_semaphore(%arg30 : memref<!tpu.dma_semaphore, #tpu.memory_space<semaphore_mem>>)
    %dma_wait3A = arith.constant 0 : i32
    %dma_wait3A_120 = arith.constant 0 : i32
    %dma_wait3A_121 = arith.constant 0 : i32
    %dma_wait3A_122 = tpu.memref_slice %arg6[%dma_wait3A_120, %dma_wait3A_121] : memref<8x80xi32, #tpu.memory_space<vmem>> -> memref<1x80xi32, #tpu.memory_space<vmem>>
    %dma_wait3A_123 = arith.constant 0 : i32
    %dma_wait3A_124 = arith.constant 0 : i32
    %dma_wait3A_125 = tpu.memref_slice %arg3[%dma_wait3A, %add3A, %dma_wait3A_123, %dma_wait3A_124] : memref<2x32x125x80xi32, #tpu.memory_space<hbm>> -> memref<1x1x1x80xi32, #tpu.memory_space<hbm>>
    %dma_wait3A_126 = tpu.memref_squeeze %dma_wait3A_125 : memref<1x1x1x80xi32, #tpu.memory_space<hbm>> -> memref<1x80xi32, #tpu.memory_space<hbm>>
    %dma_wait3A_127 = arith.constant 0 : i32
    %dma_wait3A_128 = arith.constant 0 : i32
    %dma_wait3A_129 = tpu.memref_slice %arg6[%dma_wait3A_127, %dma_wait3A_128] : memref<8x80xi32, #tpu.memory_space<vmem>> -> memref<1x80xi32, #tpu.memory_space<vmem>>
    %dma_wait3A_130 = arith.constant 0 : i32
    %dma_wait3A_131 = arith.constant 0 : i32
    %dma_wait3A_132 = tpu.memref_slice %arg3[%dma_wait3A, %add3A, %dma_wait3A_130, %dma_wait3A_131] : memref<2x32x125x80xi32, #tpu.memory_space<hbm>> -> memref<1x1x1x80xi32, #tpu.memory_space<hbm>>
    %dma_wait3A_133 = tpu.memref_squeeze %dma_wait3A_132 : memref<1x1x1x80xi32, #tpu.memory_space<hbm>> -> memref<1x80xi32, #tpu.memory_space<hbm>>
    tpu.wait_dma2 semaphore(%arg23 : memref<!tpu.dma_semaphore, #tpu.memory_space<semaphore_mem>>) src(%dma_wait3A_133 : memref<1x80xi32, #tpu.memory_space<hbm>>) dst(%dma_wait3A_129 : memref<1x80xi32, #tpu.memory_space<vmem>>)
    %dma_start3A_134 = arith.constant 0 : i32
    %dma_start3A_135 = arith.constant 0 : i32
    %dma_start3A_136 = tpu.memref_slice %arg6[%dma_start3A_134, %dma_start3A_135] : memref<8x80xi32, #tpu.memory_space<vmem>> -> memref<1x80xi32, #tpu.memory_space<vmem>>
    %dma_start3A_137 = tpu.memref_squeeze %dma_start3A_136 : memref<1x80xi32, #tpu.memory_space<vmem>> -> memref<80xi32, #tpu.memory_space<vmem>>
    %dma_start3A_138 = arith.constant 0 : i32
    %dma_start3A_139 = arith.constant 0 : i32
    %dma_start3A_140 = tpu.memref_slice %arg2[%dma_start3A_138, %dma_start3A_139] : memref<10000x128xf32, #tpu.memory_space<hbm>> -> memref<10000x128xf32, #tpu.memory_space<hbm>>
    tpu.enqueue_indirect_dma source(%dma_start3A_140 : memref<10000x128xf32, #tpu.memory_space<hbm>>) target(%arg14 : memref<80x128xf32, #tpu.memory_space<vmem>>) offsets(%dma_start3A_137 : memref<80xi32, #tpu.memory_space<vmem>>) semaphore(%arg19 : memref<!tpu.dma_semaphore, #tpu.memory_space<semaphore_mem>>)
    %dma_wait3A_141 = arith.constant 0 : i32
    %dma_wait3A_142 = arith.constant 0 : i32
    %dma_wait3A_143 = arith.constant 0 : i32
    %dma_wait3A_144 = tpu.memref_slice %arg7[%dma_wait3A_142, %dma_wait3A_143] : memref<8x80xi32, #tpu.memory_space<vmem>> -> memref<1x80xi32, #tpu.memory_space<vmem>>
    %dma_wait3A_145 = arith.constant 0 : i32
    %dma_wait3A_146 = arith.constant 0 : i32
    %dma_wait3A_147 = tpu.memref_slice %arg3[%dma_wait3A_141, %add3A, %dma_wait3A_145, %dma_wait3A_146] : memref<2x32x125x80xi32, #tpu.memory_space<hbm>> -> memref<1x1x1x80xi32, #tpu.memory_space<hbm>>
    %dma_wait3A_148 = tpu.memref_squeeze %dma_wait3A_147 : memref<1x1x1x80xi32, #tpu.memory_space<hbm>> -> memref<1x80xi32, #tpu.memory_space<hbm>>
    %dma_wait3A_149 = arith.constant 0 : i32
    %dma_wait3A_150 = arith.constant 0 : i32
    %dma_wait3A_151 = tpu.memref_slice %arg7[%dma_wait3A_149, %dma_wait3A_150] : memref<8x80xi32, #tpu.memory_space<vmem>> -> memref<1x80xi32, #tpu.memory_space<vmem>>
    %dma_wait3A_152 = arith.constant 0 : i32
    %dma_wait3A_153 = arith.constant 0 : i32
    %dma_wait3A_154 = tpu.memref_slice %arg3[%dma_wait3A_141, %add3A, %dma_wait3A_152, %dma_wait3A_153] : memref<2x32x125x80xi32, #tpu.memory_space<hbm>> -> memref<1x1x1x80xi32, #tpu.memory_space<hbm>>
    %dma_wait3A_155 = tpu.memref_squeeze %dma_wait3A_154 : memref<1x1x1x80xi32, #tpu.memory_space<hbm>> -> memref<1x80xi32, #tpu.memory_space<hbm>>
    tpu.wait_dma2 semaphore(%arg24 : memref<!tpu.dma_semaphore, #tpu.memory_space<semaphore_mem>>) src(%dma_wait3A_155 : memref<1x80xi32, #tpu.memory_space<hbm>>) dst(%dma_wait3A_151 : memref<1x80xi32, #tpu.memory_space<vmem>>)
    %dma_start3A_156 = arith.constant 0 : i32
    %dma_start3A_157 = arith.constant 0 : i32
    %dma_start3A_158 = tpu.memref_slice %arg7[%dma_start3A_156, %dma_start3A_157] : memref<8x80xi32, #tpu.memory_space<vmem>> -> memref<1x80xi32, #tpu.memory_space<vmem>>
    %dma_start3A_159 = tpu.memref_squeeze %dma_start3A_158 : memref<1x80xi32, #tpu.memory_space<vmem>> -> memref<80xi32, #tpu.memory_space<vmem>>
    %dma_start3A_160 = arith.constant 0 : i32
    %dma_start3A_161 = arith.constant 0 : i32
    %dma_start3A_162 = tpu.memref_slice %arg2[%dma_start3A_160, %dma_start3A_161] : memref<10000x128xf32, #tpu.memory_space<hbm>> -> memref<10000x128xf32, #tpu.memory_space<hbm>>
    tpu.enqueue_indirect_dma source(%dma_start3A_162 : memref<10000x128xf32, #tpu.memory_space<hbm>>) target(%arg15 : memref<80x128xf32, #tpu.memory_space<vmem>>) offsets(%dma_start3A_159 : memref<80xi32, #tpu.memory_space<vmem>>) semaphore(%arg20 : memref<!tpu.dma_semaphore, #tpu.memory_space<semaphore_mem>>)
    %dma_wait3A_163 = arith.constant 0 : i32
    %dma_wait3A_164 = arith.constant 0 : i32
    %dma_wait3A_165 = arith.constant 0 : i32
    %dma_wait3A_166 = tpu.memref_slice %arg8[%dma_wait3A_164, %dma_wait3A_165] : memref<8x80xi32, #tpu.memory_space<vmem>> -> memref<1x80xi32, #tpu.memory_space<vmem>>
    %dma_wait3A_167 = arith.constant 0 : i32
    %dma_wait3A_168 = arith.constant 0 : i32
    %dma_wait3A_169 = tpu.memref_slice %arg3[%dma_wait3A_163, %add3A, %dma_wait3A_167, %dma_wait3A_168] : memref<2x32x125x80xi32, #tpu.memory_space<hbm>> -> memref<1x1x1x80xi32, #tpu.memory_space<hbm>>
    %dma_wait3A_170 = tpu.memref_squeeze %dma_wait3A_169 : memref<1x1x1x80xi32, #tpu.memory_space<hbm>> -> memref<1x80xi32, #tpu.memory_space<hbm>>
    %dma_wait3A_171 = arith.constant 0 : i32
    %dma_wait3A_172 = arith.constant 0 : i32
    %dma_wait3A_173 = tpu.memref_slice %arg8[%dma_wait3A_171, %dma_wait3A_172] : memref<8x80xi32, #tpu.memory_space<vmem>> -> memref<1x80xi32, #tpu.memory_space<vmem>>
    %dma_wait3A_174 = arith.constant 0 : i32
    %dma_wait3A_175 = arith.constant 0 : i32
    %dma_wait3A_176 = tpu.memref_slice %arg3[%dma_wait3A_163, %add3A, %dma_wait3A_174, %dma_wait3A_175] : memref<2x32x125x80xi32, #tpu.memory_space<hbm>> -> memref<1x1x1x80xi32, #tpu.memory_space<hbm>>
    %dma_wait3A_177 = tpu.memref_squeeze %dma_wait3A_176 : memref<1x1x1x80xi32, #tpu.memory_space<hbm>> -> memref<1x80xi32, #tpu.memory_space<hbm>>
    tpu.wait_dma2 semaphore(%arg25 : memref<!tpu.dma_semaphore, #tpu.memory_space<semaphore_mem>>) src(%dma_wait3A_177 : memref<1x80xi32, #tpu.memory_space<hbm>>) dst(%dma_wait3A_173 : memref<1x80xi32, #tpu.memory_space<vmem>>)
    %dma_start3A_178 = arith.constant 0 : i32
    %dma_start3A_179 = arith.constant 0 : i32
    %dma_start3A_180 = tpu.memref_slice %arg8[%dma_start3A_178, %dma_start3A_179] : memref<8x80xi32, #tpu.memory_space<vmem>> -> memref<1x80xi32, #tpu.memory_space<vmem>>
    %dma_start3A_181 = tpu.memref_squeeze %dma_start3A_180 : memref<1x80xi32, #tpu.memory_space<vmem>> -> memref<80xi32, #tpu.memory_space<vmem>>
    %dma_start3A_182 = arith.constant 0 : i32
    %dma_start3A_183 = arith.constant 0 : i32
    %dma_start3A_184 = tpu.memref_slice %arg2[%dma_start3A_182, %dma_start3A_183] : memref<10000x128xf32, #tpu.memory_space<hbm>> -> memref<10000x128xf32, #tpu.memory_space<hbm>>
    tpu.enqueue_indirect_dma source(%dma_start3A_184 : memref<10000x128xf32, #tpu.memory_space<hbm>>) target(%arg16 : memref<80x128xf32, #tpu.memory_space<vmem>>) offsets(%dma_start3A_181 : memref<80xi32, #tpu.memory_space<vmem>>) semaphore(%arg21 : memref<!tpu.dma_semaphore, #tpu.memory_space<semaphore_mem>>)
    %dma_wait3A_185 = arith.constant 0 : i32
    %dma_wait3A_186 = arith.constant 0 : i32
    %dma_wait3A_187 = arith.constant 0 : i32
    %dma_wait3A_188 = tpu.memref_slice %arg9[%dma_wait3A_186, %dma_wait3A_187] : memref<8x80xi32, #tpu.memory_space<vmem>> -> memref<1x80xi32, #tpu.memory_space<vmem>>
    %dma_wait3A_189 = arith.constant 0 : i32
    %dma_wait3A_190 = arith.constant 0 : i32
    %dma_wait3A_191 = tpu.memref_slice %arg3[%dma_wait3A_185, %add3A, %dma_wait3A_189, %dma_wait3A_190] : memref<2x32x125x80xi32, #tpu.memory_space<hbm>> -> memref<1x1x1x80xi32, #tpu.memory_space<hbm>>
    %dma_wait3A_192 = tpu.memref_squeeze %dma_wait3A_191 : memref<1x1x1x80xi32, #tpu.memory_space<hbm>> -> memref<1x80xi32, #tpu.memory_space<hbm>>
    %dma_wait3A_193 = arith.constant 0 : i32
    %dma_wait3A_194 = arith.constant 0 : i32
    %dma_wait3A_195 = tpu.memref_slice %arg9[%dma_wait3A_193, %dma_wait3A_194] : memref<8x80xi32, #tpu.memory_space<vmem>> -> memref<1x80xi32, #tpu.memory_space<vmem>>
    %dma_wait3A_196 = arith.constant 0 : i32
    %dma_wait3A_197 = arith.constant 0 : i32
    %dma_wait3A_198 = tpu.memref_slice %arg3[%dma_wait3A_185, %add3A, %dma_wait3A_196, %dma_wait3A_197] : memref<2x32x125x80xi32, #tpu.memory_space<hbm>> -> memref<1x1x1x80xi32, #tpu.memory_space<hbm>>
    %dma_wait3A_199 = tpu.memref_squeeze %dma_wait3A_198 : memref<1x1x1x80xi32, #tpu.memory_space<hbm>> -> memref<1x80xi32, #tpu.memory_space<hbm>>
    tpu.wait_dma2 semaphore(%arg26 : memref<!tpu.dma_semaphore, #tpu.memory_space<semaphore_mem>>) src(%dma_wait3A_199 : memref<1x80xi32, #tpu.memory_space<hbm>>) dst(%dma_wait3A_195 : memref<1x80xi32, #tpu.memory_space<vmem>>)
    %dma_start3A_200 = arith.constant 0 : i32
    %dma_start3A_201 = arith.constant 0 : i32
    %dma_start3A_202 = tpu.memref_slice %arg9[%dma_start3A_200, %dma_start3A_201] : memref<8x80xi32, #tpu.memory_space<vmem>> -> memref<1x80xi32, #tpu.memory_space<vmem>>
    %dma_start3A_203 = tpu.memref_squeeze %dma_start3A_202 : memref<1x80xi32, #tpu.memory_space<vmem>> -> memref<80xi32, #tpu.memory_space<vmem>>
    %dma_start3A_204 = arith.constant 0 : i32
    %dma_start3A_205 = arith.constant 0 : i32
    %dma_start3A_206 = tpu.memref_slice %arg2[%dma_start3A_204, %dma_start3A_205] : memref<10000x128xf32, #tpu.memory_space<hbm>> -> memref<10000x128xf32, #tpu.memory_space<hbm>>
    tpu.enqueue_indirect_dma source(%dma_start3A_206 : memref<10000x128xf32, #tpu.memory_space<hbm>>) target(%arg17 : memref<80x128xf32, #tpu.memory_space<vmem>>) offsets(%dma_start3A_203 : memref<80xi32, #tpu.memory_space<vmem>>) semaphore(%arg22 : memref<!tpu.dma_semaphore, #tpu.memory_space<semaphore_mem>>)
    %eq3A = arith.constant 0 : i32
    %eq3A_207 = arith.cmpi eq, %arg0, %eq3A : i32
    %convert_element_type3A = arith.extui %eq3A_207 : i1 to i32
    %cond3A = arith.constant 0 : i32
    %cond3A_208 = arith.cmpi ne, %convert_element_type3A, %cond3A : i32
    scf.if %cond3A_208 {
      %mul3A_313 = arith.constant 624 : i32
      %mul3A_314 = arith.muli %arg1, %mul3A_313 : i32
      %mul3A_315 = arith.constant 624 : i32
      %mul3A_316 = arith.muli %arg1, %mul3A_315 : i32
      "tpu.region"() ({
        %run_scoped3A_322 = tpu.sem_alloc : memref<!tpu.dma_semaphore, #tpu.memory_space<semaphore_mem>>
        %dma_start3A_323 = arith.constant 0 : i32
        %dma_start3A_324 = tpu.memref_slice %arg18[%mul3A_316, %dma_start3A_323] : memref<10000x128xf32, #tpu.memory_space<vmem_shared>> -> memref<624x128xf32, #tpu.memory_space<vmem_shared>>
        %dma_start3A_325 = arith.constant 0 : i32
        %dma_start3A_326 = tpu.memref_slice %arg2[%mul3A_314, %dma_start3A_325] : memref<10000x128xf32, #tpu.memory_space<hbm>> -> memref<624x128xf32, #tpu.memory_space<hbm>>
        tpu.enqueue_dma source(%dma_start3A_326 : memref<624x128xf32, #tpu.memory_space<hbm>>) target(%dma_start3A_324 : memref<624x128xf32, #tpu.memory_space<vmem_shared>>) target_semaphore(%run_scoped3A_322 : memref<!tpu.dma_semaphore, #tpu.memory_space<semaphore_mem>>)
        %dma_wait3A_327 = arith.constant 0 : i32
        %dma_wait3A_328 = tpu.memref_slice %arg18[%mul3A_316, %dma_wait3A_327] : memref<10000x128xf32, #tpu.memory_space<vmem_shared>> -> memref<624x128xf32, #tpu.memory_space<vmem_shared>>
        %dma_wait3A_329 = arith.constant 0 : i32
        %dma_wait3A_330 = tpu.memref_slice %arg2[%mul3A_314, %dma_wait3A_329] : memref<10000x128xf32, #tpu.memory_space<hbm>> -> memref<624x128xf32, #tpu.memory_space<hbm>>
        tpu.wait_dma2 semaphore(%run_scoped3A_322 : memref<!tpu.dma_semaphore, #tpu.memory_space<semaphore_mem>>) src(%dma_wait3A_330 : memref<624x128xf32, #tpu.memory_space<hbm>>) dst(%dma_wait3A_328 : memref<624x128xf32, #tpu.memory_space<vmem_shared>>)
        tpu.yield
      }) : () -> ()
      %eq3A_317 = arith.constant 0 : i32
      %eq3A_318 = arith.cmpi eq, %arg1, %eq3A_317 : i32
      %convert_element_type3A_319 = arith.extui %eq3A_318 : i1 to i32
      %cond3A_320 = arith.constant 0 : i32
      %cond3A_321 = arith.cmpi ne, %convert_element_type3A_319, %cond3A_320 : i32
      scf.if %cond3A_321 {
        "tpu.region"() ({
          %run_scoped3A_322 = tpu.sem_alloc : memref<!tpu.dma_semaphore, #tpu.memory_space<semaphore_mem>>
          %dma_start3A_323 = arith.constant 9984 : i32
          %dma_start3A_324 = arith.constant 0 : i32
          %dma_start3A_325 = tpu.memref_slice %arg18[%dma_start3A_323, %dma_start3A_324] : memref<10000x128xf32, #tpu.memory_space<vmem_shared>> -> memref<16x128xf32, #tpu.memory_space<vmem_shared>>
          %dma_start3A_326 = arith.constant 9984 : i32
          %dma_start3A_327 = arith.constant 0 : i32
          %dma_start3A_328 = tpu.memref_slice %arg2[%dma_start3A_326, %dma_start3A_327] : memref<10000x128xf32, #tpu.memory_space<hbm>> -> memref<16x128xf32, #tpu.memory_space<hbm>>
          tpu.enqueue_dma source(%dma_start3A_328 : memref<16x128xf32, #tpu.memory_space<hbm>>) target(%dma_start3A_325 : memref<16x128xf32, #tpu.memory_space<vmem_shared>>) target_semaphore(%run_scoped3A_322 : memref<!tpu.dma_semaphore, #tpu.memory_space<semaphore_mem>>)
          %dma_wait3A_329 = arith.constant 9984 : i32
          %dma_wait3A_330 = arith.constant 0 : i32
          %dma_wait3A_331 = tpu.memref_slice %arg18[%dma_wait3A_329, %dma_wait3A_330] : memref<10000x128xf32, #tpu.memory_space<vmem_shared>> -> memref<16x128xf32, #tpu.memory_space<vmem_shared>>
          %dma_wait3A_332 = arith.constant 9984 : i32
          %dma_wait3A_333 = arith.constant 0 : i32
          %dma_wait3A_334 = tpu.memref_slice %arg2[%dma_wait3A_332, %dma_wait3A_333] : memref<10000x128xf32, #tpu.memory_space<hbm>> -> memref<16x128xf32, #tpu.memory_space<hbm>>
          tpu.wait_dma2 semaphore(%run_scoped3A_322 : memref<!tpu.dma_semaphore, #tpu.memory_space<semaphore_mem>>) src(%dma_wait3A_334 : memref<16x128xf32, #tpu.memory_space<hbm>>) dst(%dma_wait3A_331 : memref<16x128xf32, #tpu.memory_space<vmem_shared>>)
          tpu.yield
        }) : () -> ()
      } else {
      }
    } else {
    }
    %eq3A_209 = arith.constant 1 : i32
    %eq3A_210 = arith.cmpi eq, %arg0, %eq3A_209 : i32
    %convert_element_type3A_211 = arith.extui %eq3A_210 : i1 to i32
    %cond3A_212 = arith.constant 0 : i32
    %cond3A_213 = arith.cmpi ne, %convert_element_type3A_211, %cond3A_212 : i32
    scf.if %cond3A_213 {
      %mul3A_313 = arith.constant 624 : i32
      %mul3A_314 = arith.muli %arg1, %mul3A_313 : i32
      %mul3A_315 = arith.constant 624 : i32
      %mul3A_316 = arith.muli %arg1, %mul3A_315 : i32
      "tpu.region"() ({
        %run_scoped3A_322 = tpu.sem_alloc : memref<!tpu.dma_semaphore, #tpu.memory_space<semaphore_mem>>
        %dma_start3A_323 = arith.constant 0 : i32
        %dma_start3A_324 = tpu.memref_slice %arg18[%mul3A_316, %dma_start3A_323] : memref<10000x128xf32, #tpu.memory_space<vmem_shared>> -> memref<624x128xf32, #tpu.memory_space<vmem_shared>>
        %dma_start3A_325 = arith.constant 0 : i32
        %dma_start3A_326 = tpu.memref_slice %arg4[%mul3A_314, %dma_start3A_325] : memref<10000x128xf32, #tpu.memory_space<hbm>> -> memref<624x128xf32, #tpu.memory_space<hbm>>
        tpu.enqueue_dma source(%dma_start3A_326 : memref<624x128xf32, #tpu.memory_space<hbm>>) target(%dma_start3A_324 : memref<624x128xf32, #tpu.memory_space<vmem_shared>>) target_semaphore(%run_scoped3A_322 : memref<!tpu.dma_semaphore, #tpu.memory_space<semaphore_mem>>)
        %dma_wait3A_327 = arith.constant 0 : i32
        %dma_wait3A_328 = tpu.memref_slice %arg18[%mul3A_316, %dma_wait3A_327] : memref<10000x128xf32, #tpu.memory_space<vmem_shared>> -> memref<624x128xf32, #tpu.memory_space<vmem_shared>>
        %dma_wait3A_329 = arith.constant 0 : i32
        %dma_wait3A_330 = tpu.memref_slice %arg4[%mul3A_314, %dma_wait3A_329] : memref<10000x128xf32, #tpu.memory_space<hbm>> -> memref<624x128xf32, #tpu.memory_space<hbm>>
        tpu.wait_dma2 semaphore(%run_scoped3A_322 : memref<!tpu.dma_semaphore, #tpu.memory_space<semaphore_mem>>) src(%dma_wait3A_330 : memref<624x128xf32, #tpu.memory_space<hbm>>) dst(%dma_wait3A_328 : memref<624x128xf32, #tpu.memory_space<vmem_shared>>)
        tpu.yield
      }) : () -> ()
      %eq3A_317 = arith.constant 0 : i32
      %eq3A_318 = arith.cmpi eq, %arg1, %eq3A_317 : i32
      %convert_element_type3A_319 = arith.extui %eq3A_318 : i1 to i32
      %cond3A_320 = arith.constant 0 : i32
      %cond3A_321 = arith.cmpi ne, %convert_element_type3A_319, %cond3A_320 : i32
      scf.if %cond3A_321 {
        "tpu.region"() ({
          %run_scoped3A_322 = tpu.sem_alloc : memref<!tpu.dma_semaphore, #tpu.memory_space<semaphore_mem>>
          %dma_start3A_323 = arith.constant 9984 : i32
          %dma_start3A_324 = arith.constant 0 : i32
          %dma_start3A_325 = tpu.memref_slice %arg18[%dma_start3A_323, %dma_start3A_324] : memref<10000x128xf32, #tpu.memory_space<vmem_shared>> -> memref<16x128xf32, #tpu.memory_space<vmem_shared>>
          %dma_start3A_326 = arith.constant 9984 : i32
          %dma_start3A_327 = arith.constant 0 : i32
          %dma_start3A_328 = tpu.memref_slice %arg4[%dma_start3A_326, %dma_start3A_327] : memref<10000x128xf32, #tpu.memory_space<hbm>> -> memref<16x128xf32, #tpu.memory_space<hbm>>
          tpu.enqueue_dma source(%dma_start3A_328 : memref<16x128xf32, #tpu.memory_space<hbm>>) target(%dma_start3A_325 : memref<16x128xf32, #tpu.memory_space<vmem_shared>>) target_semaphore(%run_scoped3A_322 : memref<!tpu.dma_semaphore, #tpu.memory_space<semaphore_mem>>)
          %dma_wait3A_329 = arith.constant 9984 : i32
          %dma_wait3A_330 = arith.constant 0 : i32
          %dma_wait3A_331 = tpu.memref_slice %arg18[%dma_wait3A_329, %dma_wait3A_330] : memref<10000x128xf32, #tpu.memory_space<vmem_shared>> -> memref<16x128xf32, #tpu.memory_space<vmem_shared>>
          %dma_wait3A_332 = arith.constant 9984 : i32
          %dma_wait3A_333 = arith.constant 0 : i32
          %dma_wait3A_334 = tpu.memref_slice %arg4[%dma_wait3A_332, %dma_wait3A_333] : memref<10000x128xf32, #tpu.memory_space<hbm>> -> memref<16x128xf32, #tpu.memory_space<hbm>>
          tpu.wait_dma2 semaphore(%run_scoped3A_322 : memref<!tpu.dma_semaphore, #tpu.memory_space<semaphore_mem>>) src(%dma_wait3A_334 : memref<16x128xf32, #tpu.memory_space<hbm>>) dst(%dma_wait3A_331 : memref<16x128xf32, #tpu.memory_space<vmem_shared>>)
          tpu.yield
        }) : () -> ()
      } else {
      }
    } else {
    }
    %barrier3A = arith.constant 0 : index
    tpu.barrier barrier_id(%barrier3A)
    %scan3A = arith.constant 0 : i32
    %scan3A_214 = arith.constant 0 : i32
    %scan3A_215 = arith.constant 31 : i32
    %scan3A_216 = arith.addi %scan3A_214, %scan3A_215 : i32
    %scan3A_217 = arith.constant 1 : i32
    scf.for %scan3A_313 = %scan3A_214 to %scan3A_216 step %scan3A_217  : i32 {
      %mul3A_314 = arith.constant 4 : i32
      %mul3A_315 = arith.muli %mul3A_314, %scan3A_313 : i32
      %add3A_316 = arith.constant 0 : i32
      %add3A_317 = arith.addi %mul3A_315, %add3A_316 : i32
      %add3A_318 = arith.constant 4 : i32
      %add3A_319 = arith.addi %add3A_317, %add3A_318 : i32
      %min3A = arith.constant 124 : i32
      %min3A_320 = arith.minsi %add3A_319, %min3A : i32
      %dma_wait3A_321 = arith.constant 0 : i32
      %dma_wait3A_322 = arith.constant 0 : i32
      %dma_wait3A_323 = tpu.memref_slice %arg2[%dma_wait3A_321, %dma_wait3A_322] : memref<10000x128xf32, #tpu.memory_space<hbm>> -> memref<80x128xf32, #tpu.memory_space<hbm>>
      %dma_wait3A_324 = arith.constant 0 : i32
      %dma_wait3A_325 = arith.constant 0 : i32
      %dma_wait3A_326 = tpu.memref_slice %arg2[%dma_wait3A_324, %dma_wait3A_325] : memref<10000x128xf32, #tpu.memory_space<hbm>> -> memref<80x128xf32, #tpu.memory_space<hbm>>
      tpu.wait_dma2 semaphore(%arg19 : memref<!tpu.dma_semaphore, #tpu.memory_space<semaphore_mem>>) src(%dma_wait3A_326 : memref<80x128xf32, #tpu.memory_space<hbm>>) dst(%arg14 : memref<80x128xf32, #tpu.memory_space<vmem>>)
      %dma_start3A_327 = arith.constant 0 : i32
      %dma_start3A_328 = arith.constant 0 : i32
      %dma_start3A_329 = arith.constant 0 : i32
      %dma_start3A_330 = tpu.memref_slice %arg6[%dma_start3A_328, %dma_start3A_329] : memref<8x80xi32, #tpu.memory_space<vmem>> -> memref<1x80xi32, #tpu.memory_space<vmem>>
      %dma_start3A_331 = arith.constant 0 : i32
      %dma_start3A_332 = tpu.memref_slice %arg3[%dma_start3A_327, %add3A, %min3A_320, %dma_start3A_331] : memref<2x32x125x80xi32, #tpu.memory_space<hbm>> -> memref<1x1x1x80xi32, #tpu.memory_space<hbm>>
      %dma_start3A_333 = tpu.memref_squeeze %dma_start3A_332 : memref<1x1x1x80xi32, #tpu.memory_space<hbm>> -> memref<1x80xi32, #tpu.memory_space<hbm>>
      %dma_start3A_334 = arith.constant 0 : i32
      %dma_start3A_335 = arith.constant 0 : i32
      %dma_start3A_336 = tpu.memref_slice %arg6[%dma_start3A_334, %dma_start3A_335] : memref<8x80xi32, #tpu.memory_space<vmem>> -> memref<1x80xi32, #tpu.memory_space<vmem>>
      %dma_start3A_337 = arith.constant 0 : i32
      %dma_start3A_338 = tpu.memref_slice %arg3[%dma_start3A_327, %add3A, %min3A_320, %dma_start3A_337] : memref<2x32x125x80xi32, #tpu.memory_space<hbm>> -> memref<1x1x1x80xi32, #tpu.memory_space<hbm>>
      %dma_start3A_339 = tpu.memref_squeeze %dma_start3A_338 : memref<1x1x1x80xi32, #tpu.memory_space<hbm>> -> memref<1x80xi32, #tpu.memory_space<hbm>>
      tpu.enqueue_dma source(%dma_start3A_339 : memref<1x80xi32, #tpu.memory_space<hbm>>) target(%dma_start3A_336 : memref<1x80xi32, #tpu.memory_space<vmem>>) target_semaphore(%arg23 : memref<!tpu.dma_semaphore, #tpu.memory_space<semaphore_mem>>)
      %dma_wait3A_340 = arith.constant 1 : i32
      %dma_wait3A_341 = arith.constant 0 : i32
      %dma_wait3A_342 = arith.constant 0 : i32
      %dma_wait3A_343 = tpu.memref_slice %arg10[%dma_wait3A_341, %dma_wait3A_342] : memref<8x80xi32, #tpu.memory_space<vmem>> -> memref<1x80xi32, #tpu.memory_space<vmem>>
      %dma_wait3A_344 = arith.constant 0 : i32
      %dma_wait3A_345 = arith.constant 0 : i32
      %dma_wait3A_346 = tpu.memref_slice %arg3[%dma_wait3A_340, %add3A, %dma_wait3A_344, %dma_wait3A_345] : memref<2x32x125x80xi32, #tpu.memory_space<hbm>> -> memref<1x1x1x80xi32, #tpu.memory_space<hbm>>
      %dma_wait3A_347 = tpu.memref_squeeze %dma_wait3A_346 : memref<1x1x1x80xi32, #tpu.memory_space<hbm>> -> memref<1x80xi32, #tpu.memory_space<hbm>>
      %dma_wait3A_348 = arith.constant 0 : i32
      %dma_wait3A_349 = arith.constant 0 : i32
      %dma_wait3A_350 = tpu.memref_slice %arg10[%dma_wait3A_348, %dma_wait3A_349] : memref<8x80xi32, #tpu.memory_space<vmem>> -> memref<1x80xi32, #tpu.memory_space<vmem>>
      %dma_wait3A_351 = arith.constant 0 : i32
      %dma_wait3A_352 = arith.constant 0 : i32
      %dma_wait3A_353 = tpu.memref_slice %arg3[%dma_wait3A_340, %add3A, %dma_wait3A_351, %dma_wait3A_352] : memref<2x32x125x80xi32, #tpu.memory_space<hbm>> -> memref<1x1x1x80xi32, #tpu.memory_space<hbm>>
      %dma_wait3A_354 = tpu.memref_squeeze %dma_wait3A_353 : memref<1x1x1x80xi32, #tpu.memory_space<hbm>> -> memref<1x80xi32, #tpu.memory_space<hbm>>
      tpu.wait_dma2 semaphore(%arg27 : memref<!tpu.dma_semaphore, #tpu.memory_space<semaphore_mem>>) src(%dma_wait3A_354 : memref<1x80xi32, #tpu.memory_space<hbm>>) dst(%dma_wait3A_350 : memref<1x80xi32, #tpu.memory_space<vmem>>)
      %run_scoped3A_355 = arith.constant 0 : i32
      "tpu.region"() ({
        %run_scoped3A_619 = tpu.sem_alloc : memref<!tpu.dma_semaphore, #tpu.memory_space<semaphore_mem>>
        %dma_start3A_620 = arith.constant 0 : i32
        %dma_start3A_621 = tpu.memref_slice %arg10[%run_scoped3A_355, %dma_start3A_620] : memref<8x80xi32, #tpu.memory_space<vmem>> -> memref<1x80xi32, #tpu.memory_space<vmem>>
        %dma_start3A_622 = tpu.memref_squeeze %dma_start3A_621 : memref<1x80xi32, #tpu.memory_space<vmem>> -> memref<80xi32, #tpu.memory_space<vmem>>
        %dma_start3A_623 = arith.constant 0 : i32
        %dma_start3A_624 = arith.constant 0 : i32
        %dma_start3A_625 = tpu.memref_slice %arg18[%dma_start3A_623, %dma_start3A_624] : memref<10000x128xf32, #tpu.memory_space<vmem_shared>> -> memref<10000x128xf32, #tpu.memory_space<vmem_shared>>
        tpu.enqueue_indirect_dma source(%arg14 : memref<80x128xf32, #tpu.memory_space<vmem>>) target(%dma_start3A_625 : memref<10000x128xf32, #tpu.memory_space<vmem_shared>>) offsets(%dma_start3A_622 : memref<80xi32, #tpu.memory_space<vmem>>) semaphore(%run_scoped3A_619 : memref<!tpu.dma_semaphore, #tpu.memory_space<semaphore_mem>>) {add = true}
        %dma_wait3A_626 = arith.constant 0 : i32
        %dma_wait3A_627 = tpu.memref_slice %arg10[%run_scoped3A_355, %dma_wait3A_626] : memref<8x80xi32, #tpu.memory_space<vmem>> -> memref<1x80xi32, #tpu.memory_space<vmem>>
        %dma_wait3A_628 = tpu.memref_squeeze %dma_wait3A_627 : memref<1x80xi32, #tpu.memory_space<vmem>> -> memref<80xi32, #tpu.memory_space<vmem>>
        %dma_wait3A_629 = arith.constant 0 : i32
        %dma_wait3A_630 = arith.constant 0 : i32
        %dma_wait3A_631 = tpu.memref_slice %arg18[%dma_wait3A_629, %dma_wait3A_630] : memref<10000x128xf32, #tpu.memory_space<vmem_shared>> -> memref<10000x128xf32, #tpu.memory_space<vmem_shared>>
        tpu.wait_indirect_dma semaphore(%run_scoped3A_619 : memref<!tpu.dma_semaphore, #tpu.memory_space<semaphore_mem>>) src(%arg14 : memref<80x128xf32, #tpu.memory_space<vmem>>) dst(%dma_wait3A_631 : memref<10000x128xf32, #tpu.memory_space<vmem_shared>>)
        tpu.yield
      }) : () -> ()
      %dma_start3A_356 = arith.constant 1 : i32
      %dma_start3A_357 = arith.constant 0 : i32
      %dma_start3A_358 = arith.constant 0 : i32
      %dma_start3A_359 = tpu.memref_slice %arg10[%dma_start3A_357, %dma_start3A_358] : memref<8x80xi32, #tpu.memory_space<vmem>> -> memref<1x80xi32, #tpu.memory_space<vmem>>
      %dma_start3A_360 = arith.constant 0 : i32
      %dma_start3A_361 = tpu.memref_slice %arg3[%dma_start3A_356, %add3A, %min3A_320, %dma_start3A_360] : memref<2x32x125x80xi32, #tpu.memory_space<hbm>> -> memref<1x1x1x80xi32, #tpu.memory_space<hbm>>
      %dma_start3A_362 = tpu.memref_squeeze %dma_start3A_361 : memref<1x1x1x80xi32, #tpu.memory_space<hbm>> -> memref<1x80xi32, #tpu.memory_space<hbm>>
      %dma_start3A_363 = arith.constant 0 : i32
      %dma_start3A_364 = arith.constant 0 : i32
      %dma_start3A_365 = tpu.memref_slice %arg10[%dma_start3A_363, %dma_start3A_364] : memref<8x80xi32, #tpu.memory_space<vmem>> -> memref<1x80xi32, #tpu.memory_space<vmem>>
      %dma_start3A_366 = arith.constant 0 : i32
      %dma_start3A_367 = tpu.memref_slice %arg3[%dma_start3A_356, %add3A, %min3A_320, %dma_start3A_366] : memref<2x32x125x80xi32, #tpu.memory_space<hbm>> -> memref<1x1x1x80xi32, #tpu.memory_space<hbm>>
      %dma_start3A_368 = tpu.memref_squeeze %dma_start3A_367 : memref<1x1x1x80xi32, #tpu.memory_space<hbm>> -> memref<1x80xi32, #tpu.memory_space<hbm>>
      tpu.enqueue_dma source(%dma_start3A_368 : memref<1x80xi32, #tpu.memory_space<hbm>>) target(%dma_start3A_365 : memref<1x80xi32, #tpu.memory_space<vmem>>) target_semaphore(%arg27 : memref<!tpu.dma_semaphore, #tpu.memory_space<semaphore_mem>>)
      %dma_wait3A_369 = arith.constant 0 : i32
      %dma_wait3A_370 = arith.constant 0 : i32
      %dma_wait3A_371 = arith.constant 0 : i32
      %dma_wait3A_372 = tpu.memref_slice %arg6[%dma_wait3A_370, %dma_wait3A_371] : memref<8x80xi32, #tpu.memory_space<vmem>> -> memref<1x80xi32, #tpu.memory_space<vmem>>
      %dma_wait3A_373 = arith.constant 0 : i32
      %dma_wait3A_374 = arith.constant 0 : i32
      %dma_wait3A_375 = tpu.memref_slice %arg3[%dma_wait3A_369, %add3A, %dma_wait3A_373, %dma_wait3A_374] : memref<2x32x125x80xi32, #tpu.memory_space<hbm>> -> memref<1x1x1x80xi32, #tpu.memory_space<hbm>>
      %dma_wait3A_376 = tpu.memref_squeeze %dma_wait3A_375 : memref<1x1x1x80xi32, #tpu.memory_space<hbm>> -> memref<1x80xi32, #tpu.memory_space<hbm>>
      %dma_wait3A_377 = arith.constant 0 : i32
      %dma_wait3A_378 = arith.constant 0 : i32
      %dma_wait3A_379 = tpu.memref_slice %arg6[%dma_wait3A_377, %dma_wait3A_378] : memref<8x80xi32, #tpu.memory_space<vmem>> -> memref<1x80xi32, #tpu.memory_space<vmem>>
      %dma_wait3A_380 = arith.constant 0 : i32
      %dma_wait3A_381 = arith.constant 0 : i32
      %dma_wait3A_382 = tpu.memref_slice %arg3[%dma_wait3A_369, %add3A, %dma_wait3A_380, %dma_wait3A_381] : memref<2x32x125x80xi32, #tpu.memory_space<hbm>> -> memref<1x1x1x80xi32, #tpu.memory_space<hbm>>
      %dma_wait3A_383 = tpu.memref_squeeze %dma_wait3A_382 : memref<1x1x1x80xi32, #tpu.memory_space<hbm>> -> memref<1x80xi32, #tpu.memory_space<hbm>>
      tpu.wait_dma2 semaphore(%arg23 : memref<!tpu.dma_semaphore, #tpu.memory_space<semaphore_mem>>) src(%dma_wait3A_383 : memref<1x80xi32, #tpu.memory_space<hbm>>) dst(%dma_wait3A_379 : memref<1x80xi32, #tpu.memory_space<vmem>>)
      %dma_start3A_384 = arith.constant 0 : i32
      %dma_start3A_385 = arith.constant 0 : i32
      %dma_start3A_386 = tpu.memref_slice %arg6[%dma_start3A_384, %dma_start3A_385] : memref<8x80xi32, #tpu.memory_space<vmem>> -> memref<1x80xi32, #tpu.memory_space<vmem>>
      %dma_start3A_387 = tpu.memref_squeeze %dma_start3A_386 : memref<1x80xi32, #tpu.memory_space<vmem>> -> memref<80xi32, #tpu.memory_space<vmem>>
      %dma_start3A_388 = arith.constant 0 : i32
      %dma_start3A_389 = arith.constant 0 : i32
      %dma_start3A_390 = tpu.memref_slice %arg2[%dma_start3A_388, %dma_start3A_389] : memref<10000x128xf32, #tpu.memory_space<hbm>> -> memref<10000x128xf32, #tpu.memory_space<hbm>>
      tpu.enqueue_indirect_dma source(%dma_start3A_390 : memref<10000x128xf32, #tpu.memory_space<hbm>>) target(%arg14 : memref<80x128xf32, #tpu.memory_space<vmem>>) offsets(%dma_start3A_387 : memref<80xi32, #tpu.memory_space<vmem>>) semaphore(%arg19 : memref<!tpu.dma_semaphore, #tpu.memory_space<semaphore_mem>>)
      %add3A_391 = arith.constant 1 : i32
      %add3A_392 = arith.addi %mul3A_315, %add3A_391 : i32
      %add3A_393 = arith.constant 4 : i32
      %add3A_394 = arith.addi %add3A_392, %add3A_393 : i32
      %min3A_395 = arith.constant 124 : i32
      %min3A_396 = arith.minsi %add3A_394, %min3A_395 : i32
      %dma_wait3A_397 = arith.constant 0 : i32
      %dma_wait3A_398 = arith.constant 0 : i32
      %dma_wait3A_399 = tpu.memref_slice %arg2[%dma_wait3A_397, %dma_wait3A_398] : memref<10000x128xf32, #tpu.memory_space<hbm>> -> memref<80x128xf32, #tpu.memory_space<hbm>>
      %dma_wait3A_400 = arith.constant 0 : i32
      %dma_wait3A_401 = arith.constant 0 : i32
      %dma_wait3A_402 = tpu.memref_slice %arg2[%dma_wait3A_400, %dma_wait3A_401] : memref<10000x128xf32, #tpu.memory_space<hbm>> -> memref<80x128xf32, #tpu.memory_space<hbm>>
      tpu.wait_dma2 semaphore(%arg20 : memref<!tpu.dma_semaphore, #tpu.memory_space<semaphore_mem>>) src(%dma_wait3A_402 : memref<80x128xf32, #tpu.memory_space<hbm>>) dst(%arg15 : memref<80x128xf32, #tpu.memory_space<vmem>>)
      %dma_start3A_403 = arith.constant 0 : i32
      %dma_start3A_404 = arith.constant 0 : i32
      %dma_start3A_405 = arith.constant 0 : i32
      %dma_start3A_406 = tpu.memref_slice %arg7[%dma_start3A_404, %dma_start3A_405] : memref<8x80xi32, #tpu.memory_space<vmem>> -> memref<1x80xi32, #tpu.memory_space<vmem>>
      %dma_start3A_407 = arith.constant 0 : i32
      %dma_start3A_408 = tpu.memref_slice %arg3[%dma_start3A_403, %add3A, %min3A_396, %dma_start3A_407] : memref<2x32x125x80xi32, #tpu.memory_space<hbm>> -> memref<1x1x1x80xi32, #tpu.memory_space<hbm>>
      %dma_start3A_409 = tpu.memref_squeeze %dma_start3A_408 : memref<1x1x1x80xi32, #tpu.memory_space<hbm>> -> memref<1x80xi32, #tpu.memory_space<hbm>>
      %dma_start3A_410 = arith.constant 0 : i32
      %dma_start3A_411 = arith.constant 0 : i32
      %dma_start3A_412 = tpu.memref_slice %arg7[%dma_start3A_410, %dma_start3A_411] : memref<8x80xi32, #tpu.memory_space<vmem>> -> memref<1x80xi32, #tpu.memory_space<vmem>>
      %dma_start3A_413 = arith.constant 0 : i32
      %dma_start3A_414 = tpu.memref_slice %arg3[%dma_start3A_403, %add3A, %min3A_396, %dma_start3A_413] : memref<2x32x125x80xi32, #tpu.memory_space<hbm>> -> memref<1x1x1x80xi32, #tpu.memory_space<hbm>>
      %dma_start3A_415 = tpu.memref_squeeze %dma_start3A_414 : memref<1x1x1x80xi32, #tpu.memory_space<hbm>> -> memref<1x80xi32, #tpu.memory_space<hbm>>
      tpu.enqueue_dma source(%dma_start3A_415 : memref<1x80xi32, #tpu.memory_space<hbm>>) target(%dma_start3A_412 : memref<1x80xi32, #tpu.memory_space<vmem>>) target_semaphore(%arg24 : memref<!tpu.dma_semaphore, #tpu.memory_space<semaphore_mem>>)
      %dma_wait3A_416 = arith.constant 1 : i32
      %dma_wait3A_417 = arith.constant 0 : i32
      %dma_wait3A_418 = arith.constant 0 : i32
      %dma_wait3A_419 = tpu.memref_slice %arg11[%dma_wait3A_417, %dma_wait3A_418] : memref<8x80xi32, #tpu.memory_space<vmem>> -> memref<1x80xi32, #tpu.memory_space<vmem>>
      %dma_wait3A_420 = arith.constant 0 : i32
      %dma_wait3A_421 = arith.constant 0 : i32
      %dma_wait3A_422 = tpu.memref_slice %arg3[%dma_wait3A_416, %add3A, %dma_wait3A_420, %dma_wait3A_421] : memref<2x32x125x80xi32, #tpu.memory_space<hbm>> -> memref<1x1x1x80xi32, #tpu.memory_space<hbm>>
      %dma_wait3A_423 = tpu.memref_squeeze %dma_wait3A_422 : memref<1x1x1x80xi32, #tpu.memory_space<hbm>> -> memref<1x80xi32, #tpu.memory_space<hbm>>
      %dma_wait3A_424 = arith.constant 0 : i32
      %dma_wait3A_425 = arith.constant 0 : i32
      %dma_wait3A_426 = tpu.memref_slice %arg11[%dma_wait3A_424, %dma_wait3A_425] : memref<8x80xi32, #tpu.memory_space<vmem>> -> memref<1x80xi32, #tpu.memory_space<vmem>>
      %dma_wait3A_427 = arith.constant 0 : i32
      %dma_wait3A_428 = arith.constant 0 : i32
      %dma_wait3A_429 = tpu.memref_slice %arg3[%dma_wait3A_416, %add3A, %dma_wait3A_427, %dma_wait3A_428] : memref<2x32x125x80xi32, #tpu.memory_space<hbm>> -> memref<1x1x1x80xi32, #tpu.memory_space<hbm>>
      %dma_wait3A_430 = tpu.memref_squeeze %dma_wait3A_429 : memref<1x1x1x80xi32, #tpu.memory_space<hbm>> -> memref<1x80xi32, #tpu.memory_space<hbm>>
      tpu.wait_dma2 semaphore(%arg28 : memref<!tpu.dma_semaphore, #tpu.memory_space<semaphore_mem>>) src(%dma_wait3A_430 : memref<1x80xi32, #tpu.memory_space<hbm>>) dst(%dma_wait3A_426 : memref<1x80xi32, #tpu.memory_space<vmem>>)
      %run_scoped3A_431 = arith.constant 0 : i32
      "tpu.region"() ({
        %run_scoped3A_619 = tpu.sem_alloc : memref<!tpu.dma_semaphore, #tpu.memory_space<semaphore_mem>>
        %dma_start3A_620 = arith.constant 0 : i32
        %dma_start3A_621 = tpu.memref_slice %arg11[%run_scoped3A_431, %dma_start3A_620] : memref<8x80xi32, #tpu.memory_space<vmem>> -> memref<1x80xi32, #tpu.memory_space<vmem>>
        %dma_start3A_622 = tpu.memref_squeeze %dma_start3A_621 : memref<1x80xi32, #tpu.memory_space<vmem>> -> memref<80xi32, #tpu.memory_space<vmem>>
        %dma_start3A_623 = arith.constant 0 : i32
        %dma_start3A_624 = arith.constant 0 : i32
        %dma_start3A_625 = tpu.memref_slice %arg18[%dma_start3A_623, %dma_start3A_624] : memref<10000x128xf32, #tpu.memory_space<vmem_shared>> -> memref<10000x128xf32, #tpu.memory_space<vmem_shared>>
        tpu.enqueue_indirect_dma source(%arg15 : memref<80x128xf32, #tpu.memory_space<vmem>>) target(%dma_start3A_625 : memref<10000x128xf32, #tpu.memory_space<vmem_shared>>) offsets(%dma_start3A_622 : memref<80xi32, #tpu.memory_space<vmem>>) semaphore(%run_scoped3A_619 : memref<!tpu.dma_semaphore, #tpu.memory_space<semaphore_mem>>) {add = true}
        %dma_wait3A_626 = arith.constant 0 : i32
        %dma_wait3A_627 = tpu.memref_slice %arg11[%run_scoped3A_431, %dma_wait3A_626] : memref<8x80xi32, #tpu.memory_space<vmem>> -> memref<1x80xi32, #tpu.memory_space<vmem>>
        %dma_wait3A_628 = tpu.memref_squeeze %dma_wait3A_627 : memref<1x80xi32, #tpu.memory_space<vmem>> -> memref<80xi32, #tpu.memory_space<vmem>>
        %dma_wait3A_629 = arith.constant 0 : i32
        %dma_wait3A_630 = arith.constant 0 : i32
        %dma_wait3A_631 = tpu.memref_slice %arg18[%dma_wait3A_629, %dma_wait3A_630] : memref<10000x128xf32, #tpu.memory_space<vmem_shared>> -> memref<10000x128xf32, #tpu.memory_space<vmem_shared>>
        tpu.wait_indirect_dma semaphore(%run_scoped3A_619 : memref<!tpu.dma_semaphore, #tpu.memory_space<semaphore_mem>>) src(%arg15 : memref<80x128xf32, #tpu.memory_space<vmem>>) dst(%dma_wait3A_631 : memref<10000x128xf32, #tpu.memory_space<vmem_shared>>)
        tpu.yield
      }) : () -> ()
      %dma_start3A_432 = arith.constant 1 : i32
      %dma_start3A_433 = arith.constant 0 : i32
      %dma_start3A_434 = arith.constant 0 : i32
      %dma_start3A_435 = tpu.memref_slice %arg11[%dma_start3A_433, %dma_start3A_434] : memref<8x80xi32, #tpu.memory_space<vmem>> -> memref<1x80xi32, #tpu.memory_space<vmem>>
      %dma_start3A_436 = arith.constant 0 : i32
      %dma_start3A_437 = tpu.memref_slice %arg3[%dma_start3A_432, %add3A, %min3A_396, %dma_start3A_436] : memref<2x32x125x80xi32, #tpu.memory_space<hbm>> -> memref<1x1x1x80xi32, #tpu.memory_space<hbm>>
      %dma_start3A_438 = tpu.memref_squeeze %dma_start3A_437 : memref<1x1x1x80xi32, #tpu.memory_space<hbm>> -> memref<1x80xi32, #tpu.memory_space<hbm>>
      %dma_start3A_439 = arith.constant 0 : i32
      %dma_start3A_440 = arith.constant 0 : i32
      %dma_start3A_441 = tpu.memref_slice %arg11[%dma_start3A_439, %dma_start3A_440] : memref<8x80xi32, #tpu.memory_space<vmem>> -> memref<1x80xi32, #tpu.memory_space<vmem>>
      %dma_start3A_442 = arith.constant 0 : i32
      %dma_start3A_443 = tpu.memref_slice %arg3[%dma_start3A_432, %add3A, %min3A_396, %dma_start3A_442] : memref<2x32x125x80xi32, #tpu.memory_space<hbm>> -> memref<1x1x1x80xi32, #tpu.memory_space<hbm>>
      %dma_start3A_444 = tpu.memref_squeeze %dma_start3A_443 : memref<1x1x1x80xi32, #tpu.memory_space<hbm>> -> memref<1x80xi32, #tpu.memory_space<hbm>>
      tpu.enqueue_dma source(%dma_start3A_444 : memref<1x80xi32, #tpu.memory_space<hbm>>) target(%dma_start3A_441 : memref<1x80xi32, #tpu.memory_space<vmem>>) target_semaphore(%arg28 : memref<!tpu.dma_semaphore, #tpu.memory_space<semaphore_mem>>)
      %dma_wait3A_445 = arith.constant 0 : i32
      %dma_wait3A_446 = arith.constant 0 : i32
      %dma_wait3A_447 = arith.constant 0 : i32
      %dma_wait3A_448 = tpu.memref_slice %arg7[%dma_wait3A_446, %dma_wait3A_447] : memref<8x80xi32, #tpu.memory_space<vmem>> -> memref<1x80xi32, #tpu.memory_space<vmem>>
      %dma_wait3A_449 = arith.constant 0 : i32
      %dma_wait3A_450 = arith.constant 0 : i32
      %dma_wait3A_451 = tpu.memref_slice %arg3[%dma_wait3A_445, %add3A, %dma_wait3A_449, %dma_wait3A_450] : memref<2x32x125x80xi32, #tpu.memory_space<hbm>> -> memref<1x1x1x80xi32, #tpu.memory_space<hbm>>
      %dma_wait3A_452 = tpu.memref_squeeze %dma_wait3A_451 : memref<1x1x1x80xi32, #tpu.memory_space<hbm>> -> memref<1x80xi32, #tpu.memory_space<hbm>>
      %dma_wait3A_453 = arith.constant 0 : i32
      %dma_wait3A_454 = arith.constant 0 : i32
      %dma_wait3A_455 = tpu.memref_slice %arg7[%dma_wait3A_453, %dma_wait3A_454] : memref<8x80xi32, #tpu.memory_space<vmem>> -> memref<1x80xi32, #tpu.memory_space<vmem>>
      %dma_wait3A_456 = arith.constant 0 : i32
      %dma_wait3A_457 = arith.constant 0 : i32
      %dma_wait3A_458 = tpu.memref_slice %arg3[%dma_wait3A_445, %add3A, %dma_wait3A_456, %dma_wait3A_457] : memref<2x32x125x80xi32, #tpu.memory_space<hbm>> -> memref<1x1x1x80xi32, #tpu.memory_space<hbm>>
      %dma_wait3A_459 = tpu.memref_squeeze %dma_wait3A_458 : memref<1x1x1x80xi32, #tpu.memory_space<hbm>> -> memref<1x80xi32, #tpu.memory_space<hbm>>
      tpu.wait_dma2 semaphore(%arg24 : memref<!tpu.dma_semaphore, #tpu.memory_space<semaphore_mem>>) src(%dma_wait3A_459 : memref<1x80xi32, #tpu.memory_space<hbm>>) dst(%dma_wait3A_455 : memref<1x80xi32, #tpu.memory_space<vmem>>)
      %dma_start3A_460 = arith.constant 0 : i32
      %dma_start3A_461 = arith.constant 0 : i32
      %dma_start3A_462 = tpu.memref_slice %arg7[%dma_start3A_460, %dma_start3A_461] : memref<8x80xi32, #tpu.memory_space<vmem>> -> memref<1x80xi32, #tpu.memory_space<vmem>>
      %dma_start3A_463 = tpu.memref_squeeze %dma_start3A_462 : memref<1x80xi32, #tpu.memory_space<vmem>> -> memref<80xi32, #tpu.memory_space<vmem>>
      %dma_start3A_464 = arith.constant 0 : i32
      %dma_start3A_465 = arith.constant 0 : i32
      %dma_start3A_466 = tpu.memref_slice %arg2[%dma_start3A_464, %dma_start3A_465] : memref<10000x128xf32, #tpu.memory_space<hbm>> -> memref<10000x128xf32, #tpu.memory_space<hbm>>
      tpu.enqueue_indirect_dma source(%dma_start3A_466 : memref<10000x128xf32, #tpu.memory_space<hbm>>) target(%arg15 : memref<80x128xf32, #tpu.memory_space<vmem>>) offsets(%dma_start3A_463 : memref<80xi32, #tpu.memory_space<vmem>>) semaphore(%arg20 : memref<!tpu.dma_semaphore, #tpu.memory_space<semaphore_mem>>)
      %add3A_467 = arith.constant 2 : i32
      %add3A_468 = arith.addi %mul3A_315, %add3A_467 : i32
      %add3A_469 = arith.constant 4 : i32
      %add3A_470 = arith.addi %add3A_468, %add3A_469 : i32
      %min3A_471 = arith.constant 124 : i32
      %min3A_472 = arith.minsi %add3A_470, %min3A_471 : i32
      %dma_wait3A_473 = arith.constant 0 : i32
      %dma_wait3A_474 = arith.constant 0 : i32
      %dma_wait3A_475 = tpu.memref_slice %arg2[%dma_wait3A_473, %dma_wait3A_474] : memref<10000x128xf32, #tpu.memory_space<hbm>> -> memref<80x128xf32, #tpu.memory_space<hbm>>
      %dma_wait3A_476 = arith.constant 0 : i32
      %dma_wait3A_477 = arith.constant 0 : i32
      %dma_wait3A_478 = tpu.memref_slice %arg2[%dma_wait3A_476, %dma_wait3A_477] : memref<10000x128xf32, #tpu.memory_space<hbm>> -> memref<80x128xf32, #tpu.memory_space<hbm>>
      tpu.wait_dma2 semaphore(%arg21 : memref<!tpu.dma_semaphore, #tpu.memory_space<semaphore_mem>>) src(%dma_wait3A_478 : memref<80x128xf32, #tpu.memory_space<hbm>>) dst(%arg16 : memref<80x128xf32, #tpu.memory_space<vmem>>)
      %dma_start3A_479 = arith.constant 0 : i32
      %dma_start3A_480 = arith.constant 0 : i32
      %dma_start3A_481 = arith.constant 0 : i32
      %dma_start3A_482 = tpu.memref_slice %arg8[%dma_start3A_480, %dma_start3A_481] : memref<8x80xi32, #tpu.memory_space<vmem>> -> memref<1x80xi32, #tpu.memory_space<vmem>>
      %dma_start3A_483 = arith.constant 0 : i32
      %dma_start3A_484 = tpu.memref_slice %arg3[%dma_start3A_479, %add3A, %min3A_472, %dma_start3A_483] : memref<2x32x125x80xi32, #tpu.memory_space<hbm>> -> memref<1x1x1x80xi32, #tpu.memory_space<hbm>>
      %dma_start3A_485 = tpu.memref_squeeze %dma_start3A_484 : memref<1x1x1x80xi32, #tpu.memory_space<hbm>> -> memref<1x80xi32, #tpu.memory_space<hbm>>
      %dma_start3A_486 = arith.constant 0 : i32
      %dma_start3A_487 = arith.constant 0 : i32
      %dma_start3A_488 = tpu.memref_slice %arg8[%dma_start3A_486, %dma_start3A_487] : memref<8x80xi32, #tpu.memory_space<vmem>> -> memref<1x80xi32, #tpu.memory_space<vmem>>
      %dma_start3A_489 = arith.constant 0 : i32
      %dma_start3A_490 = tpu.memref_slice %arg3[%dma_start3A_479, %add3A, %min3A_472, %dma_start3A_489] : memref<2x32x125x80xi32, #tpu.memory_space<hbm>> -> memref<1x1x1x80xi32, #tpu.memory_space<hbm>>
      %dma_start3A_491 = tpu.memref_squeeze %dma_start3A_490 : memref<1x1x1x80xi32, #tpu.memory_space<hbm>> -> memref<1x80xi32, #tpu.memory_space<hbm>>
      tpu.enqueue_dma source(%dma_start3A_491 : memref<1x80xi32, #tpu.memory_space<hbm>>) target(%dma_start3A_488 : memref<1x80xi32, #tpu.memory_space<vmem>>) target_semaphore(%arg25 : memref<!tpu.dma_semaphore, #tpu.memory_space<semaphore_mem>>)
      %dma_wait3A_492 = arith.constant 1 : i32
      %dma_wait3A_493 = arith.constant 0 : i32
      %dma_wait3A_494 = arith.constant 0 : i32
      %dma_wait3A_495 = tpu.memref_slice %arg12[%dma_wait3A_493, %dma_wait3A_494] : memref<8x80xi32, #tpu.memory_space<vmem>> -> memref<1x80xi32, #tpu.memory_space<vmem>>
      %dma_wait3A_496 = arith.constant 0 : i32
      %dma_wait3A_497 = arith.constant 0 : i32
      %dma_wait3A_498 = tpu.memref_slice %arg3[%dma_wait3A_492, %add3A, %dma_wait3A_496, %dma_wait3A_497] : memref<2x32x125x80xi32, #tpu.memory_space<hbm>> -> memref<1x1x1x80xi32, #tpu.memory_space<hbm>>
      %dma_wait3A_499 = tpu.memref_squeeze %dma_wait3A_498 : memref<1x1x1x80xi32, #tpu.memory_space<hbm>> -> memref<1x80xi32, #tpu.memory_space<hbm>>
      %dma_wait3A_500 = arith.constant 0 : i32
      %dma_wait3A_501 = arith.constant 0 : i32
      %dma_wait3A_502 = tpu.memref_slice %arg12[%dma_wait3A_500, %dma_wait3A_501] : memref<8x80xi32, #tpu.memory_space<vmem>> -> memref<1x80xi32, #tpu.memory_space<vmem>>
      %dma_wait3A_503 = arith.constant 0 : i32
      %dma_wait3A_504 = arith.constant 0 : i32
      %dma_wait3A_505 = tpu.memref_slice %arg3[%dma_wait3A_492, %add3A, %dma_wait3A_503, %dma_wait3A_504] : memref<2x32x125x80xi32, #tpu.memory_space<hbm>> -> memref<1x1x1x80xi32, #tpu.memory_space<hbm>>
      %dma_wait3A_506 = tpu.memref_squeeze %dma_wait3A_505 : memref<1x1x1x80xi32, #tpu.memory_space<hbm>> -> memref<1x80xi32, #tpu.memory_space<hbm>>
      tpu.wait_dma2 semaphore(%arg29 : memref<!tpu.dma_semaphore, #tpu.memory_space<semaphore_mem>>) src(%dma_wait3A_506 : memref<1x80xi32, #tpu.memory_space<hbm>>) dst(%dma_wait3A_502 : memref<1x80xi32, #tpu.memory_space<vmem>>)
      %run_scoped3A_507 = arith.constant 0 : i32
      "tpu.region"() ({
        %run_scoped3A_619 = tpu.sem_alloc : memref<!tpu.dma_semaphore, #tpu.memory_space<semaphore_mem>>
        %dma_start3A_620 = arith.constant 0 : i32
        %dma_start3A_621 = tpu.memref_slice %arg12[%run_scoped3A_507, %dma_start3A_620] : memref<8x80xi32, #tpu.memory_space<vmem>> -> memref<1x80xi32, #tpu.memory_space<vmem>>
        %dma_start3A_622 = tpu.memref_squeeze %dma_start3A_621 : memref<1x80xi32, #tpu.memory_space<vmem>> -> memref<80xi32, #tpu.memory_space<vmem>>
        %dma_start3A_623 = arith.constant 0 : i32
        %dma_start3A_624 = arith.constant 0 : i32
        %dma_start3A_625 = tpu.memref_slice %arg18[%dma_start3A_623, %dma_start3A_624] : memref<10000x128xf32, #tpu.memory_space<vmem_shared>> -> memref<10000x128xf32, #tpu.memory_space<vmem_shared>>
        tpu.enqueue_indirect_dma source(%arg16 : memref<80x128xf32, #tpu.memory_space<vmem>>) target(%dma_start3A_625 : memref<10000x128xf32, #tpu.memory_space<vmem_shared>>) offsets(%dma_start3A_622 : memref<80xi32, #tpu.memory_space<vmem>>) semaphore(%run_scoped3A_619 : memref<!tpu.dma_semaphore, #tpu.memory_space<semaphore_mem>>) {add = true}
        %dma_wait3A_626 = arith.constant 0 : i32
        %dma_wait3A_627 = tpu.memref_slice %arg12[%run_scoped3A_507, %dma_wait3A_626] : memref<8x80xi32, #tpu.memory_space<vmem>> -> memref<1x80xi32, #tpu.memory_space<vmem>>
        %dma_wait3A_628 = tpu.memref_squeeze %dma_wait3A_627 : memref<1x80xi32, #tpu.memory_space<vmem>> -> memref<80xi32, #tpu.memory_space<vmem>>
        %dma_wait3A_629 = arith.constant 0 : i32
        %dma_wait3A_630 = arith.constant 0 : i32
        %dma_wait3A_631 = tpu.memref_slice %arg18[%dma_wait3A_629, %dma_wait3A_630] : memref<10000x128xf32, #tpu.memory_space<vmem_shared>> -> memref<10000x128xf32, #tpu.memory_space<vmem_shared>>
        tpu.wait_indirect_dma semaphore(%run_scoped3A_619 : memref<!tpu.dma_semaphore, #tpu.memory_space<semaphore_mem>>) src(%arg16 : memref<80x128xf32, #tpu.memory_space<vmem>>) dst(%dma_wait3A_631 : memref<10000x128xf32, #tpu.memory_space<vmem_shared>>)
        tpu.yield
      }) : () -> ()
      %dma_start3A_508 = arith.constant 1 : i32
      %dma_start3A_509 = arith.constant 0 : i32
      %dma_start3A_510 = arith.constant 0 : i32
      %dma_start3A_511 = tpu.memref_slice %arg12[%dma_start3A_509, %dma_start3A_510] : memref<8x80xi32, #tpu.memory_space<vmem>> -> memref<1x80xi32, #tpu.memory_space<vmem>>
      %dma_start3A_512 = arith.constant 0 : i32
      %dma_start3A_513 = tpu.memref_slice %arg3[%dma_start3A_508, %add3A, %min3A_472, %dma_start3A_512] : memref<2x32x125x80xi32, #tpu.memory_space<hbm>> -> memref<1x1x1x80xi32, #tpu.memory_space<hbm>>
      %dma_start3A_514 = tpu.memref_squeeze %dma_start3A_513 : memref<1x1x1x80xi32, #tpu.memory_space<hbm>> -> memref<1x80xi32, #tpu.memory_space<hbm>>
      %dma_start3A_515 = arith.constant 0 : i32
      %dma_start3A_516 = arith.constant 0 : i32
      %dma_start3A_517 = tpu.memref_slice %arg12[%dma_start3A_515, %dma_start3A_516] : memref<8x80xi32, #tpu.memory_space<vmem>> -> memref<1x80xi32, #tpu.memory_space<vmem>>
      %dma_start3A_518 = arith.constant 0 : i32
      %dma_start3A_519 = tpu.memref_slice %arg3[%dma_start3A_508, %add3A, %min3A_472, %dma_start3A_518] : memref<2x32x125x80xi32, #tpu.memory_space<hbm>> -> memref<1x1x1x80xi32, #tpu.memory_space<hbm>>
      %dma_start3A_520 = tpu.memref_squeeze %dma_start3A_519 : memref<1x1x1x80xi32, #tpu.memory_space<hbm>> -> memref<1x80xi32, #tpu.memory_space<hbm>>
      tpu.enqueue_dma source(%dma_start3A_520 : memref<1x80xi32, #tpu.memory_space<hbm>>) target(%dma_start3A_517 : memref<1x80xi32, #tpu.memory_space<vmem>>) target_semaphore(%arg29 : memref<!tpu.dma_semaphore, #tpu.memory_space<semaphore_mem>>)
      %dma_wait3A_521 = arith.constant 0 : i32
      %dma_wait3A_522 = arith.constant 0 : i32
      %dma_wait3A_523 = arith.constant 0 : i32
      %dma_wait3A_524 = tpu.memref_slice %arg8[%dma_wait3A_522, %dma_wait3A_523] : memref<8x80xi32, #tpu.memory_space<vmem>> -> memref<1x80xi32, #tpu.memory_space<vmem>>
      %dma_wait3A_525 = arith.constant 0 : i32
      %dma_wait3A_526 = arith.constant 0 : i32
      %dma_wait3A_527 = tpu.memref_slice %arg3[%dma_wait3A_521, %add3A, %dma_wait3A_525, %dma_wait3A_526] : memref<2x32x125x80xi32, #tpu.memory_space<hbm>> -> memref<1x1x1x80xi32, #tpu.memory_space<hbm>>
      %dma_wait3A_528 = tpu.memref_squeeze %dma_wait3A_527 : memref<1x1x1x80xi32, #tpu.memory_space<hbm>> -> memref<1x80xi32, #tpu.memory_space<hbm>>
      %dma_wait3A_529 = arith.constant 0 : i32
      %dma_wait3A_530 = arith.constant 0 : i32
      %dma_wait3A_531 = tpu.memref_slice %arg8[%dma_wait3A_529, %dma_wait3A_530] : memref<8x80xi32, #tpu.memory_space<vmem>> -> memref<1x80xi32, #tpu.memory_space<vmem>>
      %dma_wait3A_532 = arith.constant 0 : i32
      %dma_wait3A_533 = arith.constant 0 : i32
      %dma_wait3A_534 = tpu.memref_slice %arg3[%dma_wait3A_521, %add3A, %dma_wait3A_532, %dma_wait3A_533] : memref<2x32x125x80xi32, #tpu.memory_space<hbm>> -> memref<1x1x1x80xi32, #tpu.memory_space<hbm>>
      %dma_wait3A_535 = tpu.memref_squeeze %dma_wait3A_534 : memref<1x1x1x80xi32, #tpu.memory_space<hbm>> -> memref<1x80xi32, #tpu.memory_space<hbm>>
      tpu.wait_dma2 semaphore(%arg25 : memref<!tpu.dma_semaphore, #tpu.memory_space<semaphore_mem>>) src(%dma_wait3A_535 : memref<1x80xi32, #tpu.memory_space<hbm>>) dst(%dma_wait3A_531 : memref<1x80xi32, #tpu.memory_space<vmem>>)
      %dma_start3A_536 = arith.constant 0 : i32
      %dma_start3A_537 = arith.constant 0 : i32
      %dma_start3A_538 = tpu.memref_slice %arg8[%dma_start3A_536, %dma_start3A_537] : memref<8x80xi32, #tpu.memory_space<vmem>> -> memref<1x80xi32, #tpu.memory_space<vmem>>
      %dma_start3A_539 = tpu.memref_squeeze %dma_start3A_538 : memref<1x80xi32, #tpu.memory_space<vmem>> -> memref<80xi32, #tpu.memory_space<vmem>>
      %dma_start3A_540 = arith.constant 0 : i32
      %dma_start3A_541 = arith.constant 0 : i32
      %dma_start3A_542 = tpu.memref_slice %arg2[%dma_start3A_540, %dma_start3A_541] : memref<10000x128xf32, #tpu.memory_space<hbm>> -> memref<10000x128xf32, #tpu.memory_space<hbm>>
      tpu.enqueue_indirect_dma source(%dma_start3A_542 : memref<10000x128xf32, #tpu.memory_space<hbm>>) target(%arg16 : memref<80x128xf32, #tpu.memory_space<vmem>>) offsets(%dma_start3A_539 : memref<80xi32, #tpu.memory_space<vmem>>) semaphore(%arg21 : memref<!tpu.dma_semaphore, #tpu.memory_space<semaphore_mem>>)
      %add3A_543 = arith.constant 3 : i32
      %add3A_544 = arith.addi %mul3A_315, %add3A_543 : i32
      %add3A_545 = arith.constant 4 : i32
      %add3A_546 = arith.addi %add3A_544, %add3A_545 : i32
      %min3A_547 = arith.constant 124 : i32
      %min3A_548 = arith.minsi %add3A_546, %min3A_547 : i32
      %dma_wait3A_549 = arith.constant 0 : i32
      %dma_wait3A_550 = arith.constant 0 : i32
      %dma_wait3A_551 = tpu.memref_slice %arg2[%dma_wait3A_549, %dma_wait3A_550] : memref<10000x128xf32, #tpu.memory_space<hbm>> -> memref<80x128xf32, #tpu.memory_space<hbm>>
      %dma_wait3A_552 = arith.constant 0 : i32
      %dma_wait3A_553 = arith.constant 0 : i32
      %dma_wait3A_554 = tpu.memref_slice %arg2[%dma_wait3A_552, %dma_wait3A_553] : memref<10000x128xf32, #tpu.memory_space<hbm>> -> memref<80x128xf32, #tpu.memory_space<hbm>>
      tpu.wait_dma2 semaphore(%arg22 : memref<!tpu.dma_semaphore, #tpu.memory_space<semaphore_mem>>) src(%dma_wait3A_554 : memref<80x128xf32, #tpu.memory_space<hbm>>) dst(%arg17 : memref<80x128xf32, #tpu.memory_space<vmem>>)
      %dma_start3A_555 = arith.constant 0 : i32
      %dma_start3A_556 = arith.constant 0 : i32
      %dma_start3A_557 = arith.constant 0 : i32
      %dma_start3A_558 = tpu.memref_slice %arg9[%dma_start3A_556, %dma_start3A_557] : memref<8x80xi32, #tpu.memory_space<vmem>> -> memref<1x80xi32, #tpu.memory_space<vmem>>
      %dma_start3A_559 = arith.constant 0 : i32
      %dma_start3A_560 = tpu.memref_slice %arg3[%dma_start3A_555, %add3A, %min3A_548, %dma_start3A_559] : memref<2x32x125x80xi32, #tpu.memory_space<hbm>> -> memref<1x1x1x80xi32, #tpu.memory_space<hbm>>
      %dma_start3A_561 = tpu.memref_squeeze %dma_start3A_560 : memref<1x1x1x80xi32, #tpu.memory_space<hbm>> -> memref<1x80xi32, #tpu.memory_space<hbm>>
      %dma_start3A_562 = arith.constant 0 : i32
      %dma_start3A_563 = arith.constant 0 : i32
      %dma_start3A_564 = tpu.memref_slice %arg9[%dma_start3A_562, %dma_start3A_563] : memref<8x80xi32, #tpu.memory_space<vmem>> -> memref<1x80xi32, #tpu.memory_space<vmem>>
      %dma_start3A_565 = arith.constant 0 : i32
      %dma_start3A_566 = tpu.memref_slice %arg3[%dma_start3A_555, %add3A, %min3A_548, %dma_start3A_565] : memref<2x32x125x80xi32, #tpu.memory_space<hbm>> -> memref<1x1x1x80xi32, #tpu.memory_space<hbm>>
      %dma_start3A_567 = tpu.memref_squeeze %dma_start3A_566 : memref<1x1x1x80xi32, #tpu.memory_space<hbm>> -> memref<1x80xi32, #tpu.memory_space<hbm>>
      tpu.enqueue_dma source(%dma_start3A_567 : memref<1x80xi32, #tpu.memory_space<hbm>>) target(%dma_start3A_564 : memref<1x80xi32, #tpu.memory_space<vmem>>) target_semaphore(%arg26 : memref<!tpu.dma_semaphore, #tpu.memory_space<semaphore_mem>>)
      %dma_wait3A_568 = arith.constant 1 : i32
      %dma_wait3A_569 = arith.constant 0 : i32
      %dma_wait3A_570 = arith.constant 0 : i32
      %dma_wait3A_571 = tpu.memref_slice %arg13[%dma_wait3A_569, %dma_wait3A_570] : memref<8x80xi32, #tpu.memory_space<vmem>> -> memref<1x80xi32, #tpu.memory_space<vmem>>
      %dma_wait3A_572 = arith.constant 0 : i32
      %dma_wait3A_573 = arith.constant 0 : i32
      %dma_wait3A_574 = tpu.memref_slice %arg3[%dma_wait3A_568, %add3A, %dma_wait3A_572, %dma_wait3A_573] : memref<2x32x125x80xi32, #tpu.memory_space<hbm>> -> memref<1x1x1x80xi32, #tpu.memory_space<hbm>>
      %dma_wait3A_575 = tpu.memref_squeeze %dma_wait3A_574 : memref<1x1x1x80xi32, #tpu.memory_space<hbm>> -> memref<1x80xi32, #tpu.memory_space<hbm>>
      %dma_wait3A_576 = arith.constant 0 : i32
      %dma_wait3A_577 = arith.constant 0 : i32
      %dma_wait3A_578 = tpu.memref_slice %arg13[%dma_wait3A_576, %dma_wait3A_577] : memref<8x80xi32, #tpu.memory_space<vmem>> -> memref<1x80xi32, #tpu.memory_space<vmem>>
      %dma_wait3A_579 = arith.constant 0 : i32
      %dma_wait3A_580 = arith.constant 0 : i32
      %dma_wait3A_581 = tpu.memref_slice %arg3[%dma_wait3A_568, %add3A, %dma_wait3A_579, %dma_wait3A_580] : memref<2x32x125x80xi32, #tpu.memory_space<hbm>> -> memref<1x1x1x80xi32, #tpu.memory_space<hbm>>
      %dma_wait3A_582 = tpu.memref_squeeze %dma_wait3A_581 : memref<1x1x1x80xi32, #tpu.memory_space<hbm>> -> memref<1x80xi32, #tpu.memory_space<hbm>>
      tpu.wait_dma2 semaphore(%arg30 : memref<!tpu.dma_semaphore, #tpu.memory_space<semaphore_mem>>) src(%dma_wait3A_582 : memref<1x80xi32, #tpu.memory_space<hbm>>) dst(%dma_wait3A_578 : memref<1x80xi32, #tpu.memory_space<vmem>>)
      %run_scoped3A_583 = arith.constant 0 : i32
      "tpu.region"() ({
        %run_scoped3A_619 = tpu.sem_alloc : memref<!tpu.dma_semaphore, #tpu.memory_space<semaphore_mem>>
        %dma_start3A_620 = arith.constant 0 : i32
        %dma_start3A_621 = tpu.memref_slice %arg13[%run_scoped3A_583, %dma_start3A_620] : memref<8x80xi32, #tpu.memory_space<vmem>> -> memref<1x80xi32, #tpu.memory_space<vmem>>
        %dma_start3A_622 = tpu.memref_squeeze %dma_start3A_621 : memref<1x80xi32, #tpu.memory_space<vmem>> -> memref<80xi32, #tpu.memory_space<vmem>>
        %dma_start3A_623 = arith.constant 0 : i32
        %dma_start3A_624 = arith.constant 0 : i32
        %dma_start3A_625 = tpu.memref_slice %arg18[%dma_start3A_623, %dma_start3A_624] : memref<10000x128xf32, #tpu.memory_space<vmem_shared>> -> memref<10000x128xf32, #tpu.memory_space<vmem_shared>>
        tpu.enqueue_indirect_dma source(%arg17 : memref<80x128xf32, #tpu.memory_space<vmem>>) target(%dma_start3A_625 : memref<10000x128xf32, #tpu.memory_space<vmem_shared>>) offsets(%dma_start3A_622 : memref<80xi32, #tpu.memory_space<vmem>>) semaphore(%run_scoped3A_619 : memref<!tpu.dma_semaphore, #tpu.memory_space<semaphore_mem>>) {add = true}
        %dma_wait3A_626 = arith.constant 0 : i32
        %dma_wait3A_627 = tpu.memref_slice %arg13[%run_scoped3A_583, %dma_wait3A_626] : memref<8x80xi32, #tpu.memory_space<vmem>> -> memref<1x80xi32, #tpu.memory_space<vmem>>
        %dma_wait3A_628 = tpu.memref_squeeze %dma_wait3A_627 : memref<1x80xi32, #tpu.memory_space<vmem>> -> memref<80xi32, #tpu.memory_space<vmem>>
        %dma_wait3A_629 = arith.constant 0 : i32
        %dma_wait3A_630 = arith.constant 0 : i32
        %dma_wait3A_631 = tpu.memref_slice %arg18[%dma_wait3A_629, %dma_wait3A_630] : memref<10000x128xf32, #tpu.memory_space<vmem_shared>> -> memref<10000x128xf32, #tpu.memory_space<vmem_shared>>
        tpu.wait_indirect_dma semaphore(%run_scoped3A_619 : memref<!tpu.dma_semaphore, #tpu.memory_space<semaphore_mem>>) src(%arg17 : memref<80x128xf32, #tpu.memory_space<vmem>>) dst(%dma_wait3A_631 : memref<10000x128xf32, #tpu.memory_space<vmem_shared>>)
        tpu.yield
      }) : () -> ()
      %dma_start3A_584 = arith.constant 1 : i32
      %dma_start3A_585 = arith.constant 0 : i32
      %dma_start3A_586 = arith.constant 0 : i32
      %dma_start3A_587 = tpu.memref_slice %arg13[%dma_start3A_585, %dma_start3A_586] : memref<8x80xi32, #tpu.memory_space<vmem>> -> memref<1x80xi32, #tpu.memory_space<vmem>>
      %dma_start3A_588 = arith.constant 0 : i32
      %dma_start3A_589 = tpu.memref_slice %arg3[%dma_start3A_584, %add3A, %min3A_548, %dma_start3A_588] : memref<2x32x125x80xi32, #tpu.memory_space<hbm>> -> memref<1x1x1x80xi32, #tpu.memory_space<hbm>>
      %dma_start3A_590 = tpu.memref_squeeze %dma_start3A_589 : memref<1x1x1x80xi32, #tpu.memory_space<hbm>> -> memref<1x80xi32, #tpu.memory_space<hbm>>
      %dma_start3A_591 = arith.constant 0 : i32
      %dma_start3A_592 = arith.constant 0 : i32
      %dma_start3A_593 = tpu.memref_slice %arg13[%dma_start3A_591, %dma_start3A_592] : memref<8x80xi32, #tpu.memory_space<vmem>> -> memref<1x80xi32, #tpu.memory_space<vmem>>
      %dma_start3A_594 = arith.constant 0 : i32
      %dma_start3A_595 = tpu.memref_slice %arg3[%dma_start3A_584, %add3A, %min3A_548, %dma_start3A_594] : memref<2x32x125x80xi32, #tpu.memory_space<hbm>> -> memref<1x1x1x80xi32, #tpu.memory_space<hbm>>
      %dma_start3A_596 = tpu.memref_squeeze %dma_start3A_595 : memref<1x1x1x80xi32, #tpu.memory_space<hbm>> -> memref<1x80xi32, #tpu.memory_space<hbm>>
      tpu.enqueue_dma source(%dma_start3A_596 : memref<1x80xi32, #tpu.memory_space<hbm>>) target(%dma_start3A_593 : memref<1x80xi32, #tpu.memory_space<vmem>>) target_semaphore(%arg30 : memref<!tpu.dma_semaphore, #tpu.memory_space<semaphore_mem>>)
      %dma_wait3A_597 = arith.constant 0 : i32
      %dma_wait3A_598 = arith.constant 0 : i32
      %dma_wait3A_599 = arith.constant 0 : i32
      %dma_wait3A_600 = tpu.memref_slice %arg9[%dma_wait3A_598, %dma_wait3A_599] : memref<8x80xi32, #tpu.memory_space<vmem>> -> memref<1x80xi32, #tpu.memory_space<vmem>>
      %dma_wait3A_601 = arith.constant 0 : i32
      %dma_wait3A_602 = arith.constant 0 : i32
      %dma_wait3A_603 = tpu.memref_slice %arg3[%dma_wait3A_597, %add3A, %dma_wait3A_601, %dma_wait3A_602] : memref<2x32x125x80xi32, #tpu.memory_space<hbm>> -> memref<1x1x1x80xi32, #tpu.memory_space<hbm>>
      %dma_wait3A_604 = tpu.memref_squeeze %dma_wait3A_603 : memref<1x1x1x80xi32, #tpu.memory_space<hbm>> -> memref<1x80xi32, #tpu.memory_space<hbm>>
      %dma_wait3A_605 = arith.constant 0 : i32
      %dma_wait3A_606 = arith.constant 0 : i32
      %dma_wait3A_607 = tpu.memref_slice %arg9[%dma_wait3A_605, %dma_wait3A_606] : memref<8x80xi32, #tpu.memory_space<vmem>> -> memref<1x80xi32, #tpu.memory_space<vmem>>
      %dma_wait3A_608 = arith.constant 0 : i32
      %dma_wait3A_609 = arith.constant 0 : i32
      %dma_wait3A_610 = tpu.memref_slice %arg3[%dma_wait3A_597, %add3A, %dma_wait3A_608, %dma_wait3A_609] : memref<2x32x125x80xi32, #tpu.memory_space<hbm>> -> memref<1x1x1x80xi32, #tpu.memory_space<hbm>>
      %dma_wait3A_611 = tpu.memref_squeeze %dma_wait3A_610 : memref<1x1x1x80xi32, #tpu.memory_space<hbm>> -> memref<1x80xi32, #tpu.memory_space<hbm>>
      tpu.wait_dma2 semaphore(%arg26 : memref<!tpu.dma_semaphore, #tpu.memory_space<semaphore_mem>>) src(%dma_wait3A_611 : memref<1x80xi32, #tpu.memory_space<hbm>>) dst(%dma_wait3A_607 : memref<1x80xi32, #tpu.memory_space<vmem>>)
      %dma_start3A_612 = arith.constant 0 : i32
      %dma_start3A_613 = arith.constant 0 : i32
      %dma_start3A_614 = tpu.memref_slice %arg9[%dma_start3A_612, %dma_start3A_613] : memref<8x80xi32, #tpu.memory_space<vmem>> -> memref<1x80xi32, #tpu.memory_space<vmem>>
      %dma_start3A_615 = tpu.memref_squeeze %dma_start3A_614 : memref<1x80xi32, #tpu.memory_space<vmem>> -> memref<80xi32, #tpu.memory_space<vmem>>
      %dma_start3A_616 = arith.constant 0 : i32
      %dma_start3A_617 = arith.constant 0 : i32
      %dma_start3A_618 = tpu.memref_slice %arg2[%dma_start3A_616, %dma_start3A_617] : memref<10000x128xf32, #tpu.memory_space<hbm>> -> memref<10000x128xf32, #tpu.memory_space<hbm>>
      tpu.enqueue_indirect_dma source(%dma_start3A_618 : memref<10000x128xf32, #tpu.memory_space<hbm>>) target(%arg17 : memref<80x128xf32, #tpu.memory_space<vmem>>) offsets(%dma_start3A_615 : memref<80xi32, #tpu.memory_space<vmem>>) semaphore(%arg22 : memref<!tpu.dma_semaphore, #tpu.memory_space<semaphore_mem>>)
    }
    %scan3A_218 = arith.constant 31 : i32
    %dma_wait3A_219 = arith.constant 0 : i32
    %dma_wait3A_220 = arith.constant 0 : i32
    %dma_wait3A_221 = tpu.memref_slice %arg2[%dma_wait3A_219, %dma_wait3A_220] : memref<10000x128xf32, #tpu.memory_space<hbm>> -> memref<80x128xf32, #tpu.memory_space<hbm>>
    %dma_wait3A_222 = arith.constant 0 : i32
    %dma_wait3A_223 = arith.constant 0 : i32
    %dma_wait3A_224 = tpu.memref_slice %arg2[%dma_wait3A_222, %dma_wait3A_223] : memref<10000x128xf32, #tpu.memory_space<hbm>> -> memref<80x128xf32, #tpu.memory_space<hbm>>
    tpu.wait_dma2 semaphore(%arg19 : memref<!tpu.dma_semaphore, #tpu.memory_space<semaphore_mem>>) src(%dma_wait3A_224 : memref<80x128xf32, #tpu.memory_space<hbm>>) dst(%arg14 : memref<80x128xf32, #tpu.memory_space<vmem>>)
    %dma_wait3A_225 = arith.constant 1 : i32
    %dma_wait3A_226 = arith.constant 0 : i32
    %dma_wait3A_227 = arith.constant 0 : i32
    %dma_wait3A_228 = tpu.memref_slice %arg10[%dma_wait3A_226, %dma_wait3A_227] : memref<8x80xi32, #tpu.memory_space<vmem>> -> memref<1x80xi32, #tpu.memory_space<vmem>>
    %dma_wait3A_229 = arith.constant 0 : i32
    %dma_wait3A_230 = arith.constant 0 : i32
    %dma_wait3A_231 = tpu.memref_slice %arg3[%dma_wait3A_225, %add3A, %dma_wait3A_229, %dma_wait3A_230] : memref<2x32x125x80xi32, #tpu.memory_space<hbm>> -> memref<1x1x1x80xi32, #tpu.memory_space<hbm>>
    %dma_wait3A_232 = tpu.memref_squeeze %dma_wait3A_231 : memref<1x1x1x80xi32, #tpu.memory_space<hbm>> -> memref<1x80xi32, #tpu.memory_space<hbm>>
    %dma_wait3A_233 = arith.constant 0 : i32
    %dma_wait3A_234 = arith.constant 0 : i32
    %dma_wait3A_235 = tpu.memref_slice %arg10[%dma_wait3A_233, %dma_wait3A_234] : memref<8x80xi32, #tpu.memory_space<vmem>> -> memref<1x80xi32, #tpu.memory_space<vmem>>
    %dma_wait3A_236 = arith.constant 0 : i32
    %dma_wait3A_237 = arith.constant 0 : i32
    %dma_wait3A_238 = tpu.memref_slice %arg3[%dma_wait3A_225, %add3A, %dma_wait3A_236, %dma_wait3A_237] : memref<2x32x125x80xi32, #tpu.memory_space<hbm>> -> memref<1x1x1x80xi32, #tpu.memory_space<hbm>>
    %dma_wait3A_239 = tpu.memref_squeeze %dma_wait3A_238 : memref<1x1x1x80xi32, #tpu.memory_space<hbm>> -> memref<1x80xi32, #tpu.memory_space<hbm>>
    tpu.wait_dma2 semaphore(%arg27 : memref<!tpu.dma_semaphore, #tpu.memory_space<semaphore_mem>>) src(%dma_wait3A_239 : memref<1x80xi32, #tpu.memory_space<hbm>>) dst(%dma_wait3A_235 : memref<1x80xi32, #tpu.memory_space<vmem>>)
    %run_scoped3A = arith.constant 0 : i32
    "tpu.region"() ({
      %run_scoped3A_313 = tpu.sem_alloc : memref<!tpu.dma_semaphore, #tpu.memory_space<semaphore_mem>>
      %dma_start3A_314 = arith.constant 0 : i32
      %dma_start3A_315 = tpu.memref_slice %arg10[%run_scoped3A, %dma_start3A_314] : memref<8x80xi32, #tpu.memory_space<vmem>> -> memref<1x80xi32, #tpu.memory_space<vmem>>
      %dma_start3A_316 = tpu.memref_squeeze %dma_start3A_315 : memref<1x80xi32, #tpu.memory_space<vmem>> -> memref<80xi32, #tpu.memory_space<vmem>>
      %dma_start3A_317 = arith.constant 0 : i32
      %dma_start3A_318 = arith.constant 0 : i32
      %dma_start3A_319 = tpu.memref_slice %arg18[%dma_start3A_317, %dma_start3A_318] : memref<10000x128xf32, #tpu.memory_space<vmem_shared>> -> memref<10000x128xf32, #tpu.memory_space<vmem_shared>>
      tpu.enqueue_indirect_dma source(%arg14 : memref<80x128xf32, #tpu.memory_space<vmem>>) target(%dma_start3A_319 : memref<10000x128xf32, #tpu.memory_space<vmem_shared>>) offsets(%dma_start3A_316 : memref<80xi32, #tpu.memory_space<vmem>>) semaphore(%run_scoped3A_313 : memref<!tpu.dma_semaphore, #tpu.memory_space<semaphore_mem>>) {add = true}
      %dma_wait3A_320 = arith.constant 0 : i32
      %dma_wait3A_321 = tpu.memref_slice %arg10[%run_scoped3A, %dma_wait3A_320] : memref<8x80xi32, #tpu.memory_space<vmem>> -> memref<1x80xi32, #tpu.memory_space<vmem>>
      %dma_wait3A_322 = tpu.memref_squeeze %dma_wait3A_321 : memref<1x80xi32, #tpu.memory_space<vmem>> -> memref<80xi32, #tpu.memory_space<vmem>>
      %dma_wait3A_323 = arith.constant 0 : i32
      %dma_wait3A_324 = arith.constant 0 : i32
      %dma_wait3A_325 = tpu.memref_slice %arg18[%dma_wait3A_323, %dma_wait3A_324] : memref<10000x128xf32, #tpu.memory_space<vmem_shared>> -> memref<10000x128xf32, #tpu.memory_space<vmem_shared>>
      tpu.wait_indirect_dma semaphore(%run_scoped3A_313 : memref<!tpu.dma_semaphore, #tpu.memory_space<semaphore_mem>>) src(%arg14 : memref<80x128xf32, #tpu.memory_space<vmem>>) dst(%dma_wait3A_325 : memref<10000x128xf32, #tpu.memory_space<vmem_shared>>)
      tpu.yield
    }) : () -> ()
    %dma_wait3A_240 = arith.constant 0 : i32
    %dma_wait3A_241 = arith.constant 0 : i32
    %dma_wait3A_242 = tpu.memref_slice %arg2[%dma_wait3A_240, %dma_wait3A_241] : memref<10000x128xf32, #tpu.memory_space<hbm>> -> memref<80x128xf32, #tpu.memory_space<hbm>>
    %dma_wait3A_243 = arith.constant 0 : i32
    %dma_wait3A_244 = arith.constant 0 : i32
    %dma_wait3A_245 = tpu.memref_slice %arg2[%dma_wait3A_243, %dma_wait3A_244] : memref<10000x128xf32, #tpu.memory_space<hbm>> -> memref<80x128xf32, #tpu.memory_space<hbm>>
    tpu.wait_dma2 semaphore(%arg20 : memref<!tpu.dma_semaphore, #tpu.memory_space<semaphore_mem>>) src(%dma_wait3A_245 : memref<80x128xf32, #tpu.memory_space<hbm>>) dst(%arg15 : memref<80x128xf32, #tpu.memory_space<vmem>>)
    %dma_wait3A_246 = arith.constant 1 : i32
    %dma_wait3A_247 = arith.constant 0 : i32
    %dma_wait3A_248 = arith.constant 0 : i32
    %dma_wait3A_249 = tpu.memref_slice %arg11[%dma_wait3A_247, %dma_wait3A_248] : memref<8x80xi32, #tpu.memory_space<vmem>> -> memref<1x80xi32, #tpu.memory_space<vmem>>
    %dma_wait3A_250 = arith.constant 0 : i32
    %dma_wait3A_251 = arith.constant 0 : i32
    %dma_wait3A_252 = tpu.memref_slice %arg3[%dma_wait3A_246, %add3A, %dma_wait3A_250, %dma_wait3A_251] : memref<2x32x125x80xi32, #tpu.memory_space<hbm>> -> memref<1x1x1x80xi32, #tpu.memory_space<hbm>>
    %dma_wait3A_253 = tpu.memref_squeeze %dma_wait3A_252 : memref<1x1x1x80xi32, #tpu.memory_space<hbm>> -> memref<1x80xi32, #tpu.memory_space<hbm>>
    %dma_wait3A_254 = arith.constant 0 : i32
    %dma_wait3A_255 = arith.constant 0 : i32
    %dma_wait3A_256 = tpu.memref_slice %arg11[%dma_wait3A_254, %dma_wait3A_255] : memref<8x80xi32, #tpu.memory_space<vmem>> -> memref<1x80xi32, #tpu.memory_space<vmem>>
    %dma_wait3A_257 = arith.constant 0 : i32
    %dma_wait3A_258 = arith.constant 0 : i32
    %dma_wait3A_259 = tpu.memref_slice %arg3[%dma_wait3A_246, %add3A, %dma_wait3A_257, %dma_wait3A_258] : memref<2x32x125x80xi32, #tpu.memory_space<hbm>> -> memref<1x1x1x80xi32, #tpu.memory_space<hbm>>
    %dma_wait3A_260 = tpu.memref_squeeze %dma_wait3A_259 : memref<1x1x1x80xi32, #tpu.memory_space<hbm>> -> memref<1x80xi32, #tpu.memory_space<hbm>>
    tpu.wait_dma2 semaphore(%arg28 : memref<!tpu.dma_semaphore, #tpu.memory_space<semaphore_mem>>) src(%dma_wait3A_260 : memref<1x80xi32, #tpu.memory_space<hbm>>) dst(%dma_wait3A_256 : memref<1x80xi32, #tpu.memory_space<vmem>>)
    %dma_wait3A_261 = arith.constant 0 : i32
    %dma_wait3A_262 = arith.constant 0 : i32
    %dma_wait3A_263 = tpu.memref_slice %arg2[%dma_wait3A_261, %dma_wait3A_262] : memref<10000x128xf32, #tpu.memory_space<hbm>> -> memref<80x128xf32, #tpu.memory_space<hbm>>
    %dma_wait3A_264 = arith.constant 0 : i32
    %dma_wait3A_265 = arith.constant 0 : i32
    %dma_wait3A_266 = tpu.memref_slice %arg2[%dma_wait3A_264, %dma_wait3A_265] : memref<10000x128xf32, #tpu.memory_space<hbm>> -> memref<80x128xf32, #tpu.memory_space<hbm>>
    tpu.wait_dma2 semaphore(%arg21 : memref<!tpu.dma_semaphore, #tpu.memory_space<semaphore_mem>>) src(%dma_wait3A_266 : memref<80x128xf32, #tpu.memory_space<hbm>>) dst(%arg16 : memref<80x128xf32, #tpu.memory_space<vmem>>)
    %dma_wait3A_267 = arith.constant 1 : i32
    %dma_wait3A_268 = arith.constant 0 : i32
    %dma_wait3A_269 = arith.constant 0 : i32
    %dma_wait3A_270 = tpu.memref_slice %arg12[%dma_wait3A_268, %dma_wait3A_269] : memref<8x80xi32, #tpu.memory_space<vmem>> -> memref<1x80xi32, #tpu.memory_space<vmem>>
    %dma_wait3A_271 = arith.constant 0 : i32
    %dma_wait3A_272 = arith.constant 0 : i32
    %dma_wait3A_273 = tpu.memref_slice %arg3[%dma_wait3A_267, %add3A, %dma_wait3A_271, %dma_wait3A_272] : memref<2x32x125x80xi32, #tpu.memory_space<hbm>> -> memref<1x1x1x80xi32, #tpu.memory_space<hbm>>
    %dma_wait3A_274 = tpu.memref_squeeze %dma_wait3A_273 : memref<1x1x1x80xi32, #tpu.memory_space<hbm>> -> memref<1x80xi32, #tpu.memory_space<hbm>>
    %dma_wait3A_275 = arith.constant 0 : i32
    %dma_wait3A_276 = arith.constant 0 : i32
    %dma_wait3A_277 = tpu.memref_slice %arg12[%dma_wait3A_275, %dma_wait3A_276] : memref<8x80xi32, #tpu.memory_space<vmem>> -> memref<1x80xi32, #tpu.memory_space<vmem>>
    %dma_wait3A_278 = arith.constant 0 : i32
    %dma_wait3A_279 = arith.constant 0 : i32
    %dma_wait3A_280 = tpu.memref_slice %arg3[%dma_wait3A_267, %add3A, %dma_wait3A_278, %dma_wait3A_279] : memref<2x32x125x80xi32, #tpu.memory_space<hbm>> -> memref<1x1x1x80xi32, #tpu.memory_space<hbm>>
    %dma_wait3A_281 = tpu.memref_squeeze %dma_wait3A_280 : memref<1x1x1x80xi32, #tpu.memory_space<hbm>> -> memref<1x80xi32, #tpu.memory_space<hbm>>
    tpu.wait_dma2 semaphore(%arg29 : memref<!tpu.dma_semaphore, #tpu.memory_space<semaphore_mem>>) src(%dma_wait3A_281 : memref<1x80xi32, #tpu.memory_space<hbm>>) dst(%dma_wait3A_277 : memref<1x80xi32, #tpu.memory_space<vmem>>)
    %dma_wait3A_282 = arith.constant 0 : i32
    %dma_wait3A_283 = arith.constant 0 : i32
    %dma_wait3A_284 = tpu.memref_slice %arg2[%dma_wait3A_282, %dma_wait3A_283] : memref<10000x128xf32, #tpu.memory_space<hbm>> -> memref<80x128xf32, #tpu.memory_space<hbm>>
    %dma_wait3A_285 = arith.constant 0 : i32
    %dma_wait3A_286 = arith.constant 0 : i32
    %dma_wait3A_287 = tpu.memref_slice %arg2[%dma_wait3A_285, %dma_wait3A_286] : memref<10000x128xf32, #tpu.memory_space<hbm>> -> memref<80x128xf32, #tpu.memory_space<hbm>>
    tpu.wait_dma2 semaphore(%arg22 : memref<!tpu.dma_semaphore, #tpu.memory_space<semaphore_mem>>) src(%dma_wait3A_287 : memref<80x128xf32, #tpu.memory_space<hbm>>) dst(%arg17 : memref<80x128xf32, #tpu.memory_space<vmem>>)
    %dma_wait3A_288 = arith.constant 1 : i32
    %dma_wait3A_289 = arith.constant 0 : i32
    %dma_wait3A_290 = arith.constant 0 : i32
    %dma_wait3A_291 = tpu.memref_slice %arg13[%dma_wait3A_289, %dma_wait3A_290] : memref<8x80xi32, #tpu.memory_space<vmem>> -> memref<1x80xi32, #tpu.memory_space<vmem>>
    %dma_wait3A_292 = arith.constant 0 : i32
    %dma_wait3A_293 = arith.constant 0 : i32
    %dma_wait3A_294 = tpu.memref_slice %arg3[%dma_wait3A_288, %add3A, %dma_wait3A_292, %dma_wait3A_293] : memref<2x32x125x80xi32, #tpu.memory_space<hbm>> -> memref<1x1x1x80xi32, #tpu.memory_space<hbm>>
    %dma_wait3A_295 = tpu.memref_squeeze %dma_wait3A_294 : memref<1x1x1x80xi32, #tpu.memory_space<hbm>> -> memref<1x80xi32, #tpu.memory_space<hbm>>
    %dma_wait3A_296 = arith.constant 0 : i32
    %dma_wait3A_297 = arith.constant 0 : i32
    %dma_wait3A_298 = tpu.memref_slice %arg13[%dma_wait3A_296, %dma_wait3A_297] : memref<8x80xi32, #tpu.memory_space<vmem>> -> memref<1x80xi32, #tpu.memory_space<vmem>>
    %dma_wait3A_299 = arith.constant 0 : i32
    %dma_wait3A_300 = arith.constant 0 : i32
    %dma_wait3A_301 = tpu.memref_slice %arg3[%dma_wait3A_288, %add3A, %dma_wait3A_299, %dma_wait3A_300] : memref<2x32x125x80xi32, #tpu.memory_space<hbm>> -> memref<1x1x1x80xi32, #tpu.memory_space<hbm>>
    %dma_wait3A_302 = tpu.memref_squeeze %dma_wait3A_301 : memref<1x1x1x80xi32, #tpu.memory_space<hbm>> -> memref<1x80xi32, #tpu.memory_space<hbm>>
    tpu.wait_dma2 semaphore(%arg30 : memref<!tpu.dma_semaphore, #tpu.memory_space<semaphore_mem>>) src(%dma_wait3A_302 : memref<1x80xi32, #tpu.memory_space<hbm>>) dst(%dma_wait3A_298 : memref<1x80xi32, #tpu.memory_space<vmem>>)
    %barrier3A_303 = arith.constant 0 : index
    tpu.barrier barrier_id(%barrier3A_303)
    %mul3A_304 = arith.constant 624 : i32
    %mul3A_305 = arith.muli %arg1, %mul3A_304 : i32
    %mul3A_306 = arith.constant 624 : i32
    %mul3A_307 = arith.muli %arg1, %mul3A_306 : i32
    "tpu.region"() ({
      %run_scoped3A_313 = tpu.sem_alloc : memref<!tpu.dma_semaphore, #tpu.memory_space<semaphore_mem>>
      %dma_start3A_314 = arith.constant 0 : i32
      %dma_start3A_315 = tpu.memref_slice %arg5[%arg0, %mul3A_307, %dma_start3A_314] : memref<2x10000x128xf32, #tpu.memory_space<hbm>> -> memref<1x624x128xf32, #tpu.memory_space<hbm>>
      %dma_start3A_316 = tpu.memref_squeeze %dma_start3A_315 : memref<1x624x128xf32, #tpu.memory_space<hbm>> -> memref<624x128xf32, #tpu.memory_space<hbm>>
      %dma_start3A_317 = arith.constant 0 : i32
      %dma_start3A_318 = tpu.memref_slice %arg18[%mul3A_305, %dma_start3A_317] : memref<10000x128xf32, #tpu.memory_space<vmem_shared>> -> memref<624x128xf32, #tpu.memory_space<vmem_shared>>
      tpu.enqueue_dma source(%dma_start3A_318 : memref<624x128xf32, #tpu.memory_space<vmem_shared>>) target(%dma_start3A_316 : memref<624x128xf32, #tpu.memory_space<hbm>>) target_semaphore(%run_scoped3A_313 : memref<!tpu.dma_semaphore, #tpu.memory_space<semaphore_mem>>)
      %dma_wait3A_319 = arith.constant 0 : i32
      %dma_wait3A_320 = tpu.memref_slice %arg5[%arg0, %mul3A_307, %dma_wait3A_319] : memref<2x10000x128xf32, #tpu.memory_space<hbm>> -> memref<1x624x128xf32, #tpu.memory_space<hbm>>
      %dma_wait3A_321 = tpu.memref_squeeze %dma_wait3A_320 : memref<1x624x128xf32, #tpu.memory_space<hbm>> -> memref<624x128xf32, #tpu.memory_space<hbm>>
      %dma_wait3A_322 = arith.constant 0 : i32
      %dma_wait3A_323 = tpu.memref_slice %arg18[%mul3A_305, %dma_wait3A_322] : memref<10000x128xf32, #tpu.memory_space<vmem_shared>> -> memref<624x128xf32, #tpu.memory_space<vmem_shared>>
      tpu.wait_dma2 semaphore(%run_scoped3A_313 : memref<!tpu.dma_semaphore, #tpu.memory_space<semaphore_mem>>) src(%dma_wait3A_323 : memref<624x128xf32, #tpu.memory_space<vmem_shared>>) dst(%dma_wait3A_321 : memref<624x128xf32, #tpu.memory_space<hbm>>)
      tpu.yield
    }) : () -> ()
    %eq3A_308 = arith.constant 0 : i32
    %eq3A_309 = arith.cmpi eq, %arg1, %eq3A_308 : i32
    %convert_element_type3A_310 = arith.extui %eq3A_309 : i1 to i32
    %cond3A_311 = arith.constant 0 : i32
    %cond3A_312 = arith.cmpi ne, %convert_element_type3A_310, %cond3A_311 : i32
    scf.if %cond3A_312 {
      "tpu.region"() ({
        %run_scoped3A_313 = tpu.sem_alloc : memref<!tpu.dma_semaphore, #tpu.memory_space<semaphore_mem>>
        %dma_start3A_314 = arith.constant 9984 : i32
        %dma_start3A_315 = arith.constant 0 : i32
        %dma_start3A_316 = tpu.memref_slice %arg5[%arg0, %dma_start3A_314, %dma_start3A_315] : memref<2x10000x128xf32, #tpu.memory_space<hbm>> -> memref<1x16x128xf32, #tpu.memory_space<hbm>>
        %dma_start3A_317 = tpu.memref_squeeze %dma_start3A_316 : memref<1x16x128xf32, #tpu.memory_space<hbm>> -> memref<16x128xf32, #tpu.memory_space<hbm>>
        %dma_start3A_318 = arith.constant 9984 : i32
        %dma_start3A_319 = arith.constant 0 : i32
        %dma_start3A_320 = tpu.memref_slice %arg18[%dma_start3A_318, %dma_start3A_319] : memref<10000x128xf32, #tpu.memory_space<vmem_shared>> -> memref<16x128xf32, #tpu.memory_space<vmem_shared>>
        tpu.enqueue_dma source(%dma_start3A_320 : memref<16x128xf32, #tpu.memory_space<vmem_shared>>) target(%dma_start3A_317 : memref<16x128xf32, #tpu.memory_space<hbm>>) target_semaphore(%run_scoped3A_313 : memref<!tpu.dma_semaphore, #tpu.memory_space<semaphore_mem>>)
        %dma_wait3A_321 = arith.constant 9984 : i32
        %dma_wait3A_322 = arith.constant 0 : i32
        %dma_wait3A_323 = tpu.memref_slice %arg5[%arg0, %dma_wait3A_321, %dma_wait3A_322] : memref<2x10000x128xf32, #tpu.memory_space<hbm>> -> memref<1x16x128xf32, #tpu.memory_space<hbm>>
        %dma_wait3A_324 = tpu.memref_squeeze %dma_wait3A_323 : memref<1x16x128xf32, #tpu.memory_space<hbm>> -> memref<16x128xf32, #tpu.memory_space<hbm>>
        %dma_wait3A_325 = arith.constant 9984 : i32
        %dma_wait3A_326 = arith.constant 0 : i32
        %dma_wait3A_327 = tpu.memref_slice %arg18[%dma_wait3A_325, %dma_wait3A_326] : memref<10000x128xf32, #tpu.memory_space<vmem_shared>> -> memref<16x128xf32, #tpu.memory_space<vmem_shared>>
        tpu.wait_dma2 semaphore(%run_scoped3A_313 : memref<!tpu.dma_semaphore, #tpu.memory_space<semaphore_mem>>) src(%dma_wait3A_327 : memref<16x128xf32, #tpu.memory_space<vmem_shared>>) dst(%dma_wait3A_324 : memref<16x128xf32, #tpu.memory_space<hbm>>)
        tpu.yield
      }) : () -> ()
    } else {
    }
    return
  }
}

#map = affine_map<(d0, d1) -> (0, 0)>
#map1 = affine_map<(d0, d1) -> (0, 0, 0, 0)>
#map2 = affine_map<(d0, d1) -> (0, 0, 0)>
module attributes {stable_mosaic.version = 14 : i64} {
  func.func @_sc_agg(%arg0: i32, %arg1: i32, %arg2: memref<10000x128xf32, #tpu.memory_space<hbm>>, %arg3: memref<2x32x125x80xi32, #tpu.memory_space<hbm>>, %arg4: memref<10000x128xf32, #tpu.memory_space<hbm>>, %arg5: memref<2x10000x128xf32, #tpu.memory_space<hbm>>, %arg6: memref<8x80xi32, #tpu.memory_space<vmem>>, %arg7: memref<8x80xi32, #tpu.memory_space<vmem>>, %arg8: memref<8x80xi32, #tpu.memory_space<vmem>>, %arg9: memref<8x80xi32, #tpu.memory_space<vmem>>, %arg10: memref<8x80xi32, #tpu.memory_space<vmem>>, %arg11: memref<8x80xi32, #tpu.memory_space<vmem>>, %arg12: memref<8x80xi32, #tpu.memory_space<vmem>>, %arg13: memref<8x80xi32, #tpu.memory_space<vmem>>, %arg14: memref<80x128xf32, #tpu.memory_space<vmem>>, %arg15: memref<80x128xf32, #tpu.memory_space<vmem>>, %arg16: memref<80x128xf32, #tpu.memory_space<vmem>>, %arg17: memref<80x128xf32, #tpu.memory_space<vmem>>, %arg18: memref<10000x128xf32, #tpu.memory_space<vmem_shared>>, %arg19: memref<!tpu.dma_semaphore, #tpu.memory_space<semaphore_mem>>, %arg20: memref<!tpu.dma_semaphore, #tpu.memory_space<semaphore_mem>>, %arg21: memref<!tpu.dma_semaphore, #tpu.memory_space<semaphore_mem>>, %arg22: memref<!tpu.dma_semaphore, #tpu.memory_space<semaphore_mem>>, %arg23: memref<!tpu.dma_semaphore, #tpu.memory_space<semaphore_mem>>, %arg24: memref<!tpu.dma_semaphore, #tpu.memory_space<semaphore_mem>>, %arg25: memref<!tpu.dma_semaphore, #tpu.memory_space<semaphore_mem>>, %arg26: memref<!tpu.dma_semaphore, #tpu.memory_space<semaphore_mem>>, %arg27: memref<!tpu.dma_semaphore, #tpu.memory_space<semaphore_mem>>, %arg28: memref<!tpu.dma_semaphore, #tpu.memory_space<semaphore_mem>>, %arg29: memref<!tpu.dma_semaphore, #tpu.memory_space<semaphore_mem>>, %arg30: memref<!tpu.dma_semaphore, #tpu.memory_space<semaphore_mem>>) attributes {dimension_semantics = [#tpu.dimension_semantics<core_parallel>, #tpu.dimension_semantics<subcore_parallel>], iteration_bounds = array<i64: 2, 16>, scalar_prefetch = 0 : i64, scratch_operands = 25 : i64, tpu.core_type = #tpu.core_type<sc_vector_subcore>, window_params = [{transform_indices = #map}, {transform_indices = #map1}, {transform_indices = #map}, {transform_indices = #map2}]} {
    %mul3A = arith.constant 2 : i32
    %mul3A_0 = arith.muli %arg1, %mul3A : i32
    %add3A = arith.addi %mul3A_0, %arg0 : i32
    %dma_start3A = arith.constant 0 : i32
    %dma_start3A_1 = arith.constant 0 : i32
    %dma_start3A_2 = arith.constant 0 : i32
    %dma_start3A_3 = tpu.memref_slice %arg6[%dma_start3A_1, %dma_start3A_2] : memref<8x80xi32, #tpu.memory_space<vmem>> -> memref<1x80xi32, #tpu.memory_space<vmem>>
    %dma_start3A_4 = arith.constant 0 : i32
    %dma_start3A_5 = arith.constant 0 : i32
    %dma_start3A_6 = tpu.memref_slice %arg3[%dma_start3A, %add3A, %dma_start3A_4, %dma_start3A_5] : memref<2x32x125x80xi32, #tpu.memory_space<hbm>> -> memref<1x1x1x80xi32, #tpu.memory_space<hbm>>
    %dma_start3A_7 = tpu.memref_squeeze %dma_start3A_6 : memref<1x1x1x80xi32, #tpu.memory_space<hbm>> -> memref<1x80xi32, #tpu.memory_space<hbm>>
    %dma_start3A_8 = arith.constant 0 : i32
    %dma_start3A_9 = arith.constant 0 : i32
    %dma_start3A_10 = tpu.memref_slice %arg6[%dma_start3A_8, %dma_start3A_9] : memref<8x80xi32, #tpu.memory_space<vmem>> -> memref<1x80xi32, #tpu.memory_space<vmem>>
    %dma_start3A_11 = arith.constant 0 : i32
    %dma_start3A_12 = arith.constant 0 : i32
    %dma_start3A_13 = tpu.memref_slice %arg3[%dma_start3A, %add3A, %dma_start3A_11, %dma_start3A_12] : memref<2x32x125x80xi32, #tpu.memory_space<hbm>> -> memref<1x1x1x80xi32, #tpu.memory_space<hbm>>
    %dma_start3A_14 = tpu.memref_squeeze %dma_start3A_13 : memref<1x1x1x80xi32, #tpu.memory_space<hbm>> -> memref<1x80xi32, #tpu.memory_space<hbm>>
    tpu.enqueue_dma source(%dma_start3A_14 : memref<1x80xi32, #tpu.memory_space<hbm>>) target(%dma_start3A_10 : memref<1x80xi32, #tpu.memory_space<vmem>>) target_semaphore(%arg23 : memref<!tpu.dma_semaphore, #tpu.memory_space<semaphore_mem>>)
    %dma_start3A_15 = arith.constant 1 : i32
    %dma_start3A_16 = arith.constant 0 : i32
    %dma_start3A_17 = arith.constant 0 : i32
    %dma_start3A_18 = tpu.memref_slice %arg10[%dma_start3A_16, %dma_start3A_17] : memref<8x80xi32, #tpu.memory_space<vmem>> -> memref<1x80xi32, #tpu.memory_space<vmem>>
    %dma_start3A_19 = arith.constant 0 : i32
    %dma_start3A_20 = arith.constant 0 : i32
    %dma_start3A_21 = tpu.memref_slice %arg3[%dma_start3A_15, %add3A, %dma_start3A_19, %dma_start3A_20] : memref<2x32x125x80xi32, #tpu.memory_space<hbm>> -> memref<1x1x1x80xi32, #tpu.memory_space<hbm>>
    %dma_start3A_22 = tpu.memref_squeeze %dma_start3A_21 : memref<1x1x1x80xi32, #tpu.memory_space<hbm>> -> memref<1x80xi32, #tpu.memory_space<hbm>>
    %dma_start3A_23 = arith.constant 0 : i32
    %dma_start3A_24 = arith.constant 0 : i32
    %dma_start3A_25 = tpu.memref_slice %arg10[%dma_start3A_23, %dma_start3A_24] : memref<8x80xi32, #tpu.memory_space<vmem>> -> memref<1x80xi32, #tpu.memory_space<vmem>>
    %dma_start3A_26 = arith.constant 0 : i32
    %dma_start3A_27 = arith.constant 0 : i32
    %dma_start3A_28 = tpu.memref_slice %arg3[%dma_start3A_15, %add3A, %dma_start3A_26, %dma_start3A_27] : memref<2x32x125x80xi32, #tpu.memory_space<hbm>> -> memref<1x1x1x80xi32, #tpu.memory_space<hbm>>
    %dma_start3A_29 = tpu.memref_squeeze %dma_start3A_28 : memref<1x1x1x80xi32, #tpu.memory_space<hbm>> -> memref<1x80xi32, #tpu.memory_space<hbm>>
    tpu.enqueue_dma source(%dma_start3A_29 : memref<1x80xi32, #tpu.memory_space<hbm>>) target(%dma_start3A_25 : memref<1x80xi32, #tpu.memory_space<vmem>>) target_semaphore(%arg27 : memref<!tpu.dma_semaphore, #tpu.memory_space<semaphore_mem>>)
    %dma_start3A_30 = arith.constant 0 : i32
    %dma_start3A_31 = arith.constant 0 : i32
    %dma_start3A_32 = arith.constant 0 : i32
    %dma_start3A_33 = tpu.memref_slice %arg7[%dma_start3A_31, %dma_start3A_32] : memref<8x80xi32, #tpu.memory_space<vmem>> -> memref<1x80xi32, #tpu.memory_space<vmem>>
    %dma_start3A_34 = arith.constant 1 : i32
    %dma_start3A_35 = arith.constant 0 : i32
    %dma_start3A_36 = tpu.memref_slice %arg3[%dma_start3A_30, %add3A, %dma_start3A_34, %dma_start3A_35] : memref<2x32x125x80xi32, #tpu.memory_space<hbm>> -> memref<1x1x1x80xi32, #tpu.memory_space<hbm>>
    %dma_start3A_37 = tpu.memref_squeeze %dma_start3A_36 : memref<1x1x1x80xi32, #tpu.memory_space<hbm>> -> memref<1x80xi32, #tpu.memory_space<hbm>>
    %dma_start3A_38 = arith.constant 0 : i32
    %dma_start3A_39 = arith.constant 0 : i32
    %dma_start3A_40 = tpu.memref_slice %arg7[%dma_start3A_38, %dma_start3A_39] : memref<8x80xi32, #tpu.memory_space<vmem>> -> memref<1x80xi32, #tpu.memory_space<vmem>>
    %dma_start3A_41 = arith.constant 1 : i32
    %dma_start3A_42 = arith.constant 0 : i32
    %dma_start3A_43 = tpu.memref_slice %arg3[%dma_start3A_30, %add3A, %dma_start3A_41, %dma_start3A_42] : memref<2x32x125x80xi32, #tpu.memory_space<hbm>> -> memref<1x1x1x80xi32, #tpu.memory_space<hbm>>
    %dma_start3A_44 = tpu.memref_squeeze %dma_start3A_43 : memref<1x1x1x80xi32, #tpu.memory_space<hbm>> -> memref<1x80xi32, #tpu.memory_space<hbm>>
    tpu.enqueue_dma source(%dma_start3A_44 : memref<1x80xi32, #tpu.memory_space<hbm>>) target(%dma_start3A_40 : memref<1x80xi32, #tpu.memory_space<vmem>>) target_semaphore(%arg24 : memref<!tpu.dma_semaphore, #tpu.memory_space<semaphore_mem>>)
    %dma_start3A_45 = arith.constant 1 : i32
    %dma_start3A_46 = arith.constant 0 : i32
    %dma_start3A_47 = arith.constant 0 : i32
    %dma_start3A_48 = tpu.memref_slice %arg11[%dma_start3A_46, %dma_start3A_47] : memref<8x80xi32, #tpu.memory_space<vmem>> -> memref<1x80xi32, #tpu.memory_space<vmem>>
    %dma_start3A_49 = arith.constant 1 : i32
    %dma_start3A_50 = arith.constant 0 : i32
    %dma_start3A_51 = tpu.memref_slice %arg3[%dma_start3A_45, %add3A, %dma_start3A_49, %dma_start3A_50] : memref<2x32x125x80xi32, #tpu.memory_space<hbm>> -> memref<1x1x1x80xi32, #tpu.memory_space<hbm>>
    %dma_start3A_52 = tpu.memref_squeeze %dma_start3A_51 : memref<1x1x1x80xi32, #tpu.memory_space<hbm>> -> memref<1x80xi32, #tpu.memory_space<hbm>>
    %dma_start3A_53 = arith.constant 0 : i32
    %dma_start3A_54 = arith.constant 0 : i32
    %dma_start3A_55 = tpu.memref_slice %arg11[%dma_start3A_53, %dma_start3A_54] : memref<8x80xi32, #tpu.memory_space<vmem>> -> memref<1x80xi32, #tpu.memory_space<vmem>>
    %dma_start3A_56 = arith.constant 1 : i32
    %dma_start3A_57 = arith.constant 0 : i32
    %dma_start3A_58 = tpu.memref_slice %arg3[%dma_start3A_45, %add3A, %dma_start3A_56, %dma_start3A_57] : memref<2x32x125x80xi32, #tpu.memory_space<hbm>> -> memref<1x1x1x80xi32, #tpu.memory_space<hbm>>
    %dma_start3A_59 = tpu.memref_squeeze %dma_start3A_58 : memref<1x1x1x80xi32, #tpu.memory_space<hbm>> -> memref<1x80xi32, #tpu.memory_space<hbm>>
    tpu.enqueue_dma source(%dma_start3A_59 : memref<1x80xi32, #tpu.memory_space<hbm>>) target(%dma_start3A_55 : memref<1x80xi32, #tpu.memory_space<vmem>>) target_semaphore(%arg28 : memref<!tpu.dma_semaphore, #tpu.memory_space<semaphore_mem>>)
    %dma_start3A_60 = arith.constant 0 : i32
    %dma_start3A_61 = arith.constant 0 : i32
    %dma_start3A_62 = arith.constant 0 : i32
    %dma_start3A_63 = tpu.memref_slice %arg8[%dma_start3A_61, %dma_start3A_62] : memref<8x80xi32, #tpu.memory_space<vmem>> -> memref<1x80xi32, #tpu.memory_space<vmem>>
    %dma_start3A_64 = arith.constant 2 : i32
    %dma_start3A_65 = arith.constant 0 : i32
    %dma_start3A_66 = tpu.memref_slice %arg3[%dma_start3A_60, %add3A, %dma_start3A_64, %dma_start3A_65] : memref<2x32x125x80xi32, #tpu.memory_space<hbm>> -> memref<1x1x1x80xi32, #tpu.memory_space<hbm>>
    %dma_start3A_67 = tpu.memref_squeeze %dma_start3A_66 : memref<1x1x1x80xi32, #tpu.memory_space<hbm>> -> memref<1x80xi32, #tpu.memory_space<hbm>>
    %dma_start3A_68 = arith.constant 0 : i32
    %dma_start3A_69 = arith.constant 0 : i32
    %dma_start3A_70 = tpu.memref_slice %arg8[%dma_start3A_68, %dma_start3A_69] : memref<8x80xi32, #tpu.memory_space<vmem>> -> memref<1x80xi32, #tpu.memory_space<vmem>>
    %dma_start3A_71 = arith.constant 2 : i32
    %dma_start3A_72 = arith.constant 0 : i32
    %dma_start3A_73 = tpu.memref_slice %arg3[%dma_start3A_60, %add3A, %dma_start3A_71, %dma_start3A_72] : memref<2x32x125x80xi32, #tpu.memory_space<hbm>> -> memref<1x1x1x80xi32, #tpu.memory_space<hbm>>
    %dma_start3A_74 = tpu.memref_squeeze %dma_start3A_73 : memref<1x1x1x80xi32, #tpu.memory_space<hbm>> -> memref<1x80xi32, #tpu.memory_space<hbm>>
    tpu.enqueue_dma source(%dma_start3A_74 : memref<1x80xi32, #tpu.memory_space<hbm>>) target(%dma_start3A_70 : memref<1x80xi32, #tpu.memory_space<vmem>>) target_semaphore(%arg25 : memref<!tpu.dma_semaphore, #tpu.memory_space<semaphore_mem>>)
    %dma_start3A_75 = arith.constant 1 : i32
    %dma_start3A_76 = arith.constant 0 : i32
    %dma_start3A_77 = arith.constant 0 : i32
    %dma_start3A_78 = tpu.memref_slice %arg12[%dma_start3A_76, %dma_start3A_77] : memref<8x80xi32, #tpu.memory_space<vmem>> -> memref<1x80xi32, #tpu.memory_space<vmem>>
    %dma_start3A_79 = arith.constant 2 : i32
    %dma_start3A_80 = arith.constant 0 : i32
    %dma_start3A_81 = tpu.memref_slice %arg3[%dma_start3A_75, %add3A, %dma_start3A_79, %dma_start3A_80] : memref<2x32x125x80xi32, #tpu.memory_space<hbm>> -> memref<1x1x1x80xi32, #tpu.memory_space<hbm>>
    %dma_start3A_82 = tpu.memref_squeeze %dma_start3A_81 : memref<1x1x1x80xi32, #tpu.memory_space<hbm>> -> memref<1x80xi32, #tpu.memory_space<hbm>>
    %dma_start3A_83 = arith.constant 0 : i32
    %dma_start3A_84 = arith.constant 0 : i32
    %dma_start3A_85 = tpu.memref_slice %arg12[%dma_start3A_83, %dma_start3A_84] : memref<8x80xi32, #tpu.memory_space<vmem>> -> memref<1x80xi32, #tpu.memory_space<vmem>>
    %dma_start3A_86 = arith.constant 2 : i32
    %dma_start3A_87 = arith.constant 0 : i32
    %dma_start3A_88 = tpu.memref_slice %arg3[%dma_start3A_75, %add3A, %dma_start3A_86, %dma_start3A_87] : memref<2x32x125x80xi32, #tpu.memory_space<hbm>> -> memref<1x1x1x80xi32, #tpu.memory_space<hbm>>
    %dma_start3A_89 = tpu.memref_squeeze %dma_start3A_88 : memref<1x1x1x80xi32, #tpu.memory_space<hbm>> -> memref<1x80xi32, #tpu.memory_space<hbm>>
    tpu.enqueue_dma source(%dma_start3A_89 : memref<1x80xi32, #tpu.memory_space<hbm>>) target(%dma_start3A_85 : memref<1x80xi32, #tpu.memory_space<vmem>>) target_semaphore(%arg29 : memref<!tpu.dma_semaphore, #tpu.memory_space<semaphore_mem>>)
    %dma_start3A_90 = arith.constant 0 : i32
    %dma_start3A_91 = arith.constant 0 : i32
    %dma_start3A_92 = arith.constant 0 : i32
    %dma_start3A_93 = tpu.memref_slice %arg9[%dma_start3A_91, %dma_start3A_92] : memref<8x80xi32, #tpu.memory_space<vmem>> -> memref<1x80xi32, #tpu.memory_space<vmem>>
    %dma_start3A_94 = arith.constant 3 : i32
    %dma_start3A_95 = arith.constant 0 : i32
    %dma_start3A_96 = tpu.memref_slice %arg3[%dma_start3A_90, %add3A, %dma_start3A_94, %dma_start3A_95] : memref<2x32x125x80xi32, #tpu.memory_space<hbm>> -> memref<1x1x1x80xi32, #tpu.memory_space<hbm>>
    %dma_start3A_97 = tpu.memref_squeeze %dma_start3A_96 : memref<1x1x1x80xi32, #tpu.memory_space<hbm>> -> memref<1x80xi32, #tpu.memory_space<hbm>>
    %dma_start3A_98 = arith.constant 0 : i32
    %dma_start3A_99 = arith.constant 0 : i32
    %dma_start3A_100 = tpu.memref_slice %arg9[%dma_start3A_98, %dma_start3A_99] : memref<8x80xi32, #tpu.memory_space<vmem>> -> memref<1x80xi32, #tpu.memory_space<vmem>>
    %dma_start3A_101 = arith.constant 3 : i32
    %dma_start3A_102 = arith.constant 0 : i32
    %dma_start3A_103 = tpu.memref_slice %arg3[%dma_start3A_90, %add3A, %dma_start3A_101, %dma_start3A_102] : memref<2x32x125x80xi32, #tpu.memory_space<hbm>> -> memref<1x1x1x80xi32, #tpu.memory_space<hbm>>
    %dma_start3A_104 = tpu.memref_squeeze %dma_start3A_103 : memref<1x1x1x80xi32, #tpu.memory_space<hbm>> -> memref<1x80xi32, #tpu.memory_space<hbm>>
    tpu.enqueue_dma source(%dma_start3A_104 : memref<1x80xi32, #tpu.memory_space<hbm>>) target(%dma_start3A_100 : memref<1x80xi32, #tpu.memory_space<vmem>>) target_semaphore(%arg26 : memref<!tpu.dma_semaphore, #tpu.memory_space<semaphore_mem>>)
    %dma_start3A_105 = arith.constant 1 : i32
    %dma_start3A_106 = arith.constant 0 : i32
    %dma_start3A_107 = arith.constant 0 : i32
    %dma_start3A_108 = tpu.memref_slice %arg13[%dma_start3A_106, %dma_start3A_107] : memref<8x80xi32, #tpu.memory_space<vmem>> -> memref<1x80xi32, #tpu.memory_space<vmem>>
    %dma_start3A_109 = arith.constant 3 : i32
    %dma_start3A_110 = arith.constant 0 : i32
    %dma_start3A_111 = tpu.memref_slice %arg3[%dma_start3A_105, %add3A, %dma_start3A_109, %dma_start3A_110] : memref<2x32x125x80xi32, #tpu.memory_space<hbm>> -> memref<1x1x1x80xi32, #tpu.memory_space<hbm>>
    %dma_start3A_112 = tpu.memref_squeeze %dma_start3A_111 : memref<1x1x1x80xi32, #tpu.memory_space<hbm>> -> memref<1x80xi32, #tpu.memory_space<hbm>>
    %dma_start3A_113 = arith.constant 0 : i32
    %dma_start3A_114 = arith.constant 0 : i32
    %dma_start3A_115 = tpu.memref_slice %arg13[%dma_start3A_113, %dma_start3A_114] : memref<8x80xi32, #tpu.memory_space<vmem>> -> memref<1x80xi32, #tpu.memory_space<vmem>>
    %dma_start3A_116 = arith.constant 3 : i32
    %dma_start3A_117 = arith.constant 0 : i32
    %dma_start3A_118 = tpu.memref_slice %arg3[%dma_start3A_105, %add3A, %dma_start3A_116, %dma_start3A_117] : memref<2x32x125x80xi32, #tpu.memory_space<hbm>> -> memref<1x1x1x80xi32, #tpu.memory_space<hbm>>
    %dma_start3A_119 = tpu.memref_squeeze %dma_start3A_118 : memref<1x1x1x80xi32, #tpu.memory_space<hbm>> -> memref<1x80xi32, #tpu.memory_space<hbm>>
    tpu.enqueue_dma source(%dma_start3A_119 : memref<1x80xi32, #tpu.memory_space<hbm>>) target(%dma_start3A_115 : memref<1x80xi32, #tpu.memory_space<vmem>>) target_semaphore(%arg30 : memref<!tpu.dma_semaphore, #tpu.memory_space<semaphore_mem>>)
    %dma_wait3A = arith.constant 0 : i32
    %dma_wait3A_120 = arith.constant 0 : i32
    %dma_wait3A_121 = arith.constant 0 : i32
    %dma_wait3A_122 = tpu.memref_slice %arg6[%dma_wait3A_120, %dma_wait3A_121] : memref<8x80xi32, #tpu.memory_space<vmem>> -> memref<1x80xi32, #tpu.memory_space<vmem>>
    %dma_wait3A_123 = arith.constant 0 : i32
    %dma_wait3A_124 = arith.constant 0 : i32
    %dma_wait3A_125 = tpu.memref_slice %arg3[%dma_wait3A, %add3A, %dma_wait3A_123, %dma_wait3A_124] : memref<2x32x125x80xi32, #tpu.memory_space<hbm>> -> memref<1x1x1x80xi32, #tpu.memory_space<hbm>>
    %dma_wait3A_126 = tpu.memref_squeeze %dma_wait3A_125 : memref<1x1x1x80xi32, #tpu.memory_space<hbm>> -> memref<1x80xi32, #tpu.memory_space<hbm>>
    %dma_wait3A_127 = arith.constant 0 : i32
    %dma_wait3A_128 = arith.constant 0 : i32
    %dma_wait3A_129 = tpu.memref_slice %arg6[%dma_wait3A_127, %dma_wait3A_128] : memref<8x80xi32, #tpu.memory_space<vmem>> -> memref<1x80xi32, #tpu.memory_space<vmem>>
    %dma_wait3A_130 = arith.constant 0 : i32
    %dma_wait3A_131 = arith.constant 0 : i32
    %dma_wait3A_132 = tpu.memref_slice %arg3[%dma_wait3A, %add3A, %dma_wait3A_130, %dma_wait3A_131] : memref<2x32x125x80xi32, #tpu.memory_space<hbm>> -> memref<1x1x1x80xi32, #tpu.memory_space<hbm>>
    %dma_wait3A_133 = tpu.memref_squeeze %dma_wait3A_132 : memref<1x1x1x80xi32, #tpu.memory_space<hbm>> -> memref<1x80xi32, #tpu.memory_space<hbm>>
    tpu.wait_dma2 semaphore(%arg23 : memref<!tpu.dma_semaphore, #tpu.memory_space<semaphore_mem>>) src(%dma_wait3A_133 : memref<1x80xi32, #tpu.memory_space<hbm>>) dst(%dma_wait3A_129 : memref<1x80xi32, #tpu.memory_space<vmem>>)
    %dma_start3A_134 = arith.constant 0 : i32
    %dma_start3A_135 = arith.constant 0 : i32
    %dma_start3A_136 = tpu.memref_slice %arg6[%dma_start3A_134, %dma_start3A_135] : memref<8x80xi32, #tpu.memory_space<vmem>> -> memref<1x80xi32, #tpu.memory_space<vmem>>
    %dma_start3A_137 = tpu.memref_squeeze %dma_start3A_136 : memref<1x80xi32, #tpu.memory_space<vmem>> -> memref<80xi32, #tpu.memory_space<vmem>>
    %dma_start3A_138 = arith.constant 0 : i32
    %dma_start3A_139 = arith.constant 0 : i32
    %dma_start3A_140 = tpu.memref_slice %arg2[%dma_start3A_138, %dma_start3A_139] : memref<10000x128xf32, #tpu.memory_space<hbm>> -> memref<10000x128xf32, #tpu.memory_space<hbm>>
    tpu.enqueue_indirect_dma source(%dma_start3A_140 : memref<10000x128xf32, #tpu.memory_space<hbm>>) target(%arg14 : memref<80x128xf32, #tpu.memory_space<vmem>>) offsets(%dma_start3A_137 : memref<80xi32, #tpu.memory_space<vmem>>) semaphore(%arg19 : memref<!tpu.dma_semaphore, #tpu.memory_space<semaphore_mem>>)
    %dma_wait3A_141 = arith.constant 0 : i32
    %dma_wait3A_142 = arith.constant 0 : i32
    %dma_wait3A_143 = arith.constant 0 : i32
    %dma_wait3A_144 = tpu.memref_slice %arg7[%dma_wait3A_142, %dma_wait3A_143] : memref<8x80xi32, #tpu.memory_space<vmem>> -> memref<1x80xi32, #tpu.memory_space<vmem>>
    %dma_wait3A_145 = arith.constant 0 : i32
    %dma_wait3A_146 = arith.constant 0 : i32
    %dma_wait3A_147 = tpu.memref_slice %arg3[%dma_wait3A_141, %add3A, %dma_wait3A_145, %dma_wait3A_146] : memref<2x32x125x80xi32, #tpu.memory_space<hbm>> -> memref<1x1x1x80xi32, #tpu.memory_space<hbm>>
    %dma_wait3A_148 = tpu.memref_squeeze %dma_wait3A_147 : memref<1x1x1x80xi32, #tpu.memory_space<hbm>> -> memref<1x80xi32, #tpu.memory_space<hbm>>
    %dma_wait3A_149 = arith.constant 0 : i32
    %dma_wait3A_150 = arith.constant 0 : i32
    %dma_wait3A_151 = tpu.memref_slice %arg7[%dma_wait3A_149, %dma_wait3A_150] : memref<8x80xi32, #tpu.memory_space<vmem>> -> memref<1x80xi32, #tpu.memory_space<vmem>>
    %dma_wait3A_152 = arith.constant 0 : i32
    %dma_wait3A_153 = arith.constant 0 : i32
    %dma_wait3A_154 = tpu.memref_slice %arg3[%dma_wait3A_141, %add3A, %dma_wait3A_152, %dma_wait3A_153] : memref<2x32x125x80xi32, #tpu.memory_space<hbm>> -> memref<1x1x1x80xi32, #tpu.memory_space<hbm>>
    %dma_wait3A_155 = tpu.memref_squeeze %dma_wait3A_154 : memref<1x1x1x80xi32, #tpu.memory_space<hbm>> -> memref<1x80xi32, #tpu.memory_space<hbm>>
    tpu.wait_dma2 semaphore(%arg24 : memref<!tpu.dma_semaphore, #tpu.memory_space<semaphore_mem>>) src(%dma_wait3A_155 : memref<1x80xi32, #tpu.memory_space<hbm>>) dst(%dma_wait3A_151 : memref<1x80xi32, #tpu.memory_space<vmem>>)
    %dma_start3A_156 = arith.constant 0 : i32
    %dma_start3A_157 = arith.constant 0 : i32
    %dma_start3A_158 = tpu.memref_slice %arg7[%dma_start3A_156, %dma_start3A_157] : memref<8x80xi32, #tpu.memory_space<vmem>> -> memref<1x80xi32, #tpu.memory_space<vmem>>
    %dma_start3A_159 = tpu.memref_squeeze %dma_start3A_158 : memref<1x80xi32, #tpu.memory_space<vmem>> -> memref<80xi32, #tpu.memory_space<vmem>>
    %dma_start3A_160 = arith.constant 0 : i32
    %dma_start3A_161 = arith.constant 0 : i32
    %dma_start3A_162 = tpu.memref_slice %arg2[%dma_start3A_160, %dma_start3A_161] : memref<10000x128xf32, #tpu.memory_space<hbm>> -> memref<10000x128xf32, #tpu.memory_space<hbm>>
    tpu.enqueue_indirect_dma source(%dma_start3A_162 : memref<10000x128xf32, #tpu.memory_space<hbm>>) target(%arg15 : memref<80x128xf32, #tpu.memory_space<vmem>>) offsets(%dma_start3A_159 : memref<80xi32, #tpu.memory_space<vmem>>) semaphore(%arg20 : memref<!tpu.dma_semaphore, #tpu.memory_space<semaphore_mem>>)
    %dma_wait3A_163 = arith.constant 0 : i32
    %dma_wait3A_164 = arith.constant 0 : i32
    %dma_wait3A_165 = arith.constant 0 : i32
    %dma_wait3A_166 = tpu.memref_slice %arg8[%dma_wait3A_164, %dma_wait3A_165] : memref<8x80xi32, #tpu.memory_space<vmem>> -> memref<1x80xi32, #tpu.memory_space<vmem>>
    %dma_wait3A_167 = arith.constant 0 : i32
    %dma_wait3A_168 = arith.constant 0 : i32
    %dma_wait3A_169 = tpu.memref_slice %arg3[%dma_wait3A_163, %add3A, %dma_wait3A_167, %dma_wait3A_168] : memref<2x32x125x80xi32, #tpu.memory_space<hbm>> -> memref<1x1x1x80xi32, #tpu.memory_space<hbm>>
    %dma_wait3A_170 = tpu.memref_squeeze %dma_wait3A_169 : memref<1x1x1x80xi32, #tpu.memory_space<hbm>> -> memref<1x80xi32, #tpu.memory_space<hbm>>
    %dma_wait3A_171 = arith.constant 0 : i32
    %dma_wait3A_172 = arith.constant 0 : i32
    %dma_wait3A_173 = tpu.memref_slice %arg8[%dma_wait3A_171, %dma_wait3A_172] : memref<8x80xi32, #tpu.memory_space<vmem>> -> memref<1x80xi32, #tpu.memory_space<vmem>>
    %dma_wait3A_174 = arith.constant 0 : i32
    %dma_wait3A_175 = arith.constant 0 : i32
    %dma_wait3A_176 = tpu.memref_slice %arg3[%dma_wait3A_163, %add3A, %dma_wait3A_174, %dma_wait3A_175] : memref<2x32x125x80xi32, #tpu.memory_space<hbm>> -> memref<1x1x1x80xi32, #tpu.memory_space<hbm>>
    %dma_wait3A_177 = tpu.memref_squeeze %dma_wait3A_176 : memref<1x1x1x80xi32, #tpu.memory_space<hbm>> -> memref<1x80xi32, #tpu.memory_space<hbm>>
    tpu.wait_dma2 semaphore(%arg25 : memref<!tpu.dma_semaphore, #tpu.memory_space<semaphore_mem>>) src(%dma_wait3A_177 : memref<1x80xi32, #tpu.memory_space<hbm>>) dst(%dma_wait3A_173 : memref<1x80xi32, #tpu.memory_space<vmem>>)
    %dma_start3A_178 = arith.constant 0 : i32
    %dma_start3A_179 = arith.constant 0 : i32
    %dma_start3A_180 = tpu.memref_slice %arg8[%dma_start3A_178, %dma_start3A_179] : memref<8x80xi32, #tpu.memory_space<vmem>> -> memref<1x80xi32, #tpu.memory_space<vmem>>
    %dma_start3A_181 = tpu.memref_squeeze %dma_start3A_180 : memref<1x80xi32, #tpu.memory_space<vmem>> -> memref<80xi32, #tpu.memory_space<vmem>>
    %dma_start3A_182 = arith.constant 0 : i32
    %dma_start3A_183 = arith.constant 0 : i32
    %dma_start3A_184 = tpu.memref_slice %arg2[%dma_start3A_182, %dma_start3A_183] : memref<10000x128xf32, #tpu.memory_space<hbm>> -> memref<10000x128xf32, #tpu.memory_space<hbm>>
    tpu.enqueue_indirect_dma source(%dma_start3A_184 : memref<10000x128xf32, #tpu.memory_space<hbm>>) target(%arg16 : memref<80x128xf32, #tpu.memory_space<vmem>>) offsets(%dma_start3A_181 : memref<80xi32, #tpu.memory_space<vmem>>) semaphore(%arg21 : memref<!tpu.dma_semaphore, #tpu.memory_space<semaphore_mem>>)
    %dma_wait3A_185 = arith.constant 0 : i32
    %dma_wait3A_186 = arith.constant 0 : i32
    %dma_wait3A_187 = arith.constant 0 : i32
    %dma_wait3A_188 = tpu.memref_slice %arg9[%dma_wait3A_186, %dma_wait3A_187] : memref<8x80xi32, #tpu.memory_space<vmem>> -> memref<1x80xi32, #tpu.memory_space<vmem>>
    %dma_wait3A_189 = arith.constant 0 : i32
    %dma_wait3A_190 = arith.constant 0 : i32
    %dma_wait3A_191 = tpu.memref_slice %arg3[%dma_wait3A_185, %add3A, %dma_wait3A_189, %dma_wait3A_190] : memref<2x32x125x80xi32, #tpu.memory_space<hbm>> -> memref<1x1x1x80xi32, #tpu.memory_space<hbm>>
    %dma_wait3A_192 = tpu.memref_squeeze %dma_wait3A_191 : memref<1x1x1x80xi32, #tpu.memory_space<hbm>> -> memref<1x80xi32, #tpu.memory_space<hbm>>
    %dma_wait3A_193 = arith.constant 0 : i32
    %dma_wait3A_194 = arith.constant 0 : i32
    %dma_wait3A_195 = tpu.memref_slice %arg9[%dma_wait3A_193, %dma_wait3A_194] : memref<8x80xi32, #tpu.memory_space<vmem>> -> memref<1x80xi32, #tpu.memory_space<vmem>>
    %dma_wait3A_196 = arith.constant 0 : i32
    %dma_wait3A_197 = arith.constant 0 : i32
    %dma_wait3A_198 = tpu.memref_slice %arg3[%dma_wait3A_185, %add3A, %dma_wait3A_196, %dma_wait3A_197] : memref<2x32x125x80xi32, #tpu.memory_space<hbm>> -> memref<1x1x1x80xi32, #tpu.memory_space<hbm>>
    %dma_wait3A_199 = tpu.memref_squeeze %dma_wait3A_198 : memref<1x1x1x80xi32, #tpu.memory_space<hbm>> -> memref<1x80xi32, #tpu.memory_space<hbm>>
    tpu.wait_dma2 semaphore(%arg26 : memref<!tpu.dma_semaphore, #tpu.memory_space<semaphore_mem>>) src(%dma_wait3A_199 : memref<1x80xi32, #tpu.memory_space<hbm>>) dst(%dma_wait3A_195 : memref<1x80xi32, #tpu.memory_space<vmem>>)
    %dma_start3A_200 = arith.constant 0 : i32
    %dma_start3A_201 = arith.constant 0 : i32
    %dma_start3A_202 = tpu.memref_slice %arg9[%dma_start3A_200, %dma_start3A_201] : memref<8x80xi32, #tpu.memory_space<vmem>> -> memref<1x80xi32, #tpu.memory_space<vmem>>
    %dma_start3A_203 = tpu.memref_squeeze %dma_start3A_202 : memref<1x80xi32, #tpu.memory_space<vmem>> -> memref<80xi32, #tpu.memory_space<vmem>>
    %dma_start3A_204 = arith.constant 0 : i32
    %dma_start3A_205 = arith.constant 0 : i32
    %dma_start3A_206 = tpu.memref_slice %arg2[%dma_start3A_204, %dma_start3A_205] : memref<10000x128xf32, #tpu.memory_space<hbm>> -> memref<10000x128xf32, #tpu.memory_space<hbm>>
    tpu.enqueue_indirect_dma source(%dma_start3A_206 : memref<10000x128xf32, #tpu.memory_space<hbm>>) target(%arg17 : memref<80x128xf32, #tpu.memory_space<vmem>>) offsets(%dma_start3A_203 : memref<80xi32, #tpu.memory_space<vmem>>) semaphore(%arg22 : memref<!tpu.dma_semaphore, #tpu.memory_space<semaphore_mem>>)
    %eq3A = arith.constant 0 : i32
    %eq3A_207 = arith.cmpi eq, %arg0, %eq3A : i32
    %convert_element_type3A = arith.extui %eq3A_207 : i1 to i32
    %cond3A = arith.constant 0 : i32
    %cond3A_208 = arith.cmpi ne, %convert_element_type3A, %cond3A : i32
    scf.if %cond3A_208 {
      %mul3A_313 = arith.constant 624 : i32
      %mul3A_314 = arith.muli %arg1, %mul3A_313 : i32
      %mul3A_315 = arith.constant 624 : i32
      %mul3A_316 = arith.muli %arg1, %mul3A_315 : i32
      "tpu.region"() ({
        %run_scoped3A_322 = tpu.sem_alloc : memref<!tpu.dma_semaphore, #tpu.memory_space<semaphore_mem>>
        %dma_start3A_323 = arith.constant 0 : i32
        %dma_start3A_324 = tpu.memref_slice %arg18[%mul3A_316, %dma_start3A_323] : memref<10000x128xf32, #tpu.memory_space<vmem_shared>> -> memref<624x128xf32, #tpu.memory_space<vmem_shared>>
        %dma_start3A_325 = arith.constant 0 : i32
        %dma_start3A_326 = tpu.memref_slice %arg2[%mul3A_314, %dma_start3A_325] : memref<10000x128xf32, #tpu.memory_space<hbm>> -> memref<624x128xf32, #tpu.memory_space<hbm>>
        tpu.enqueue_dma source(%dma_start3A_326 : memref<624x128xf32, #tpu.memory_space<hbm>>) target(%dma_start3A_324 : memref<624x128xf32, #tpu.memory_space<vmem_shared>>) target_semaphore(%run_scoped3A_322 : memref<!tpu.dma_semaphore, #tpu.memory_space<semaphore_mem>>)
        %dma_wait3A_327 = arith.constant 0 : i32
        %dma_wait3A_328 = tpu.memref_slice %arg18[%mul3A_316, %dma_wait3A_327] : memref<10000x128xf32, #tpu.memory_space<vmem_shared>> -> memref<624x128xf32, #tpu.memory_space<vmem_shared>>
        %dma_wait3A_329 = arith.constant 0 : i32
        %dma_wait3A_330 = tpu.memref_slice %arg2[%mul3A_314, %dma_wait3A_329] : memref<10000x128xf32, #tpu.memory_space<hbm>> -> memref<624x128xf32, #tpu.memory_space<hbm>>
        tpu.wait_dma2 semaphore(%run_scoped3A_322 : memref<!tpu.dma_semaphore, #tpu.memory_space<semaphore_mem>>) src(%dma_wait3A_330 : memref<624x128xf32, #tpu.memory_space<hbm>>) dst(%dma_wait3A_328 : memref<624x128xf32, #tpu.memory_space<vmem_shared>>)
        tpu.yield
      }) : () -> ()
      %eq3A_317 = arith.constant 0 : i32
      %eq3A_318 = arith.cmpi eq, %arg1, %eq3A_317 : i32
      %convert_element_type3A_319 = arith.extui %eq3A_318 : i1 to i32
      %cond3A_320 = arith.constant 0 : i32
      %cond3A_321 = arith.cmpi ne, %convert_element_type3A_319, %cond3A_320 : i32
      scf.if %cond3A_321 {
        "tpu.region"() ({
          %run_scoped3A_322 = tpu.sem_alloc : memref<!tpu.dma_semaphore, #tpu.memory_space<semaphore_mem>>
          %dma_start3A_323 = arith.constant 9984 : i32
          %dma_start3A_324 = arith.constant 0 : i32
          %dma_start3A_325 = tpu.memref_slice %arg18[%dma_start3A_323, %dma_start3A_324] : memref<10000x128xf32, #tpu.memory_space<vmem_shared>> -> memref<16x128xf32, #tpu.memory_space<vmem_shared>>
          %dma_start3A_326 = arith.constant 9984 : i32
          %dma_start3A_327 = arith.constant 0 : i32
          %dma_start3A_328 = tpu.memref_slice %arg2[%dma_start3A_326, %dma_start3A_327] : memref<10000x128xf32, #tpu.memory_space<hbm>> -> memref<16x128xf32, #tpu.memory_space<hbm>>
          tpu.enqueue_dma source(%dma_start3A_328 : memref<16x128xf32, #tpu.memory_space<hbm>>) target(%dma_start3A_325 : memref<16x128xf32, #tpu.memory_space<vmem_shared>>) target_semaphore(%run_scoped3A_322 : memref<!tpu.dma_semaphore, #tpu.memory_space<semaphore_mem>>)
          %dma_wait3A_329 = arith.constant 9984 : i32
          %dma_wait3A_330 = arith.constant 0 : i32
          %dma_wait3A_331 = tpu.memref_slice %arg18[%dma_wait3A_329, %dma_wait3A_330] : memref<10000x128xf32, #tpu.memory_space<vmem_shared>> -> memref<16x128xf32, #tpu.memory_space<vmem_shared>>
          %dma_wait3A_332 = arith.constant 9984 : i32
          %dma_wait3A_333 = arith.constant 0 : i32
          %dma_wait3A_334 = tpu.memref_slice %arg2[%dma_wait3A_332, %dma_wait3A_333] : memref<10000x128xf32, #tpu.memory_space<hbm>> -> memref<16x128xf32, #tpu.memory_space<hbm>>
          tpu.wait_dma2 semaphore(%run_scoped3A_322 : memref<!tpu.dma_semaphore, #tpu.memory_space<semaphore_mem>>) src(%dma_wait3A_334 : memref<16x128xf32, #tpu.memory_space<hbm>>) dst(%dma_wait3A_331 : memref<16x128xf32, #tpu.memory_space<vmem_shared>>)
          tpu.yield
        }) : () -> ()
      } else {
      }
    } else {
    }
    %eq3A_209 = arith.constant 1 : i32
    %eq3A_210 = arith.cmpi eq, %arg0, %eq3A_209 : i32
    %convert_element_type3A_211 = arith.extui %eq3A_210 : i1 to i32
    %cond3A_212 = arith.constant 0 : i32
    %cond3A_213 = arith.cmpi ne, %convert_element_type3A_211, %cond3A_212 : i32
    scf.if %cond3A_213 {
      %mul3A_313 = arith.constant 624 : i32
      %mul3A_314 = arith.muli %arg1, %mul3A_313 : i32
      %mul3A_315 = arith.constant 624 : i32
      %mul3A_316 = arith.muli %arg1, %mul3A_315 : i32
      "tpu.region"() ({
        %run_scoped3A_322 = tpu.sem_alloc : memref<!tpu.dma_semaphore, #tpu.memory_space<semaphore_mem>>
        %dma_start3A_323 = arith.constant 0 : i32
        %dma_start3A_324 = tpu.memref_slice %arg18[%mul3A_316, %dma_start3A_323] : memref<10000x128xf32, #tpu.memory_space<vmem_shared>> -> memref<624x128xf32, #tpu.memory_space<vmem_shared>>
        %dma_start3A_325 = arith.constant 0 : i32
        %dma_start3A_326 = tpu.memref_slice %arg4[%mul3A_314, %dma_start3A_325] : memref<10000x128xf32, #tpu.memory_space<hbm>> -> memref<624x128xf32, #tpu.memory_space<hbm>>
        tpu.enqueue_dma source(%dma_start3A_326 : memref<624x128xf32, #tpu.memory_space<hbm>>) target(%dma_start3A_324 : memref<624x128xf32, #tpu.memory_space<vmem_shared>>) target_semaphore(%run_scoped3A_322 : memref<!tpu.dma_semaphore, #tpu.memory_space<semaphore_mem>>)
        %dma_wait3A_327 = arith.constant 0 : i32
        %dma_wait3A_328 = tpu.memref_slice %arg18[%mul3A_316, %dma_wait3A_327] : memref<10000x128xf32, #tpu.memory_space<vmem_shared>> -> memref<624x128xf32, #tpu.memory_space<vmem_shared>>
        %dma_wait3A_329 = arith.constant 0 : i32
        %dma_wait3A_330 = tpu.memref_slice %arg4[%mul3A_314, %dma_wait3A_329] : memref<10000x128xf32, #tpu.memory_space<hbm>> -> memref<624x128xf32, #tpu.memory_space<hbm>>
        tpu.wait_dma2 semaphore(%run_scoped3A_322 : memref<!tpu.dma_semaphore, #tpu.memory_space<semaphore_mem>>) src(%dma_wait3A_330 : memref<624x128xf32, #tpu.memory_space<hbm>>) dst(%dma_wait3A_328 : memref<624x128xf32, #tpu.memory_space<vmem_shared>>)
        tpu.yield
      }) : () -> ()
      %eq3A_317 = arith.constant 0 : i32
      %eq3A_318 = arith.cmpi eq, %arg1, %eq3A_317 : i32
      %convert_element_type3A_319 = arith.extui %eq3A_318 : i1 to i32
      %cond3A_320 = arith.constant 0 : i32
      %cond3A_321 = arith.cmpi ne, %convert_element_type3A_319, %cond3A_320 : i32
      scf.if %cond3A_321 {
        "tpu.region"() ({
          %run_scoped3A_322 = tpu.sem_alloc : memref<!tpu.dma_semaphore, #tpu.memory_space<semaphore_mem>>
          %dma_start3A_323 = arith.constant 9984 : i32
          %dma_start3A_324 = arith.constant 0 : i32
          %dma_start3A_325 = tpu.memref_slice %arg18[%dma_start3A_323, %dma_start3A_324] : memref<10000x128xf32, #tpu.memory_space<vmem_shared>> -> memref<16x128xf32, #tpu.memory_space<vmem_shared>>
          %dma_start3A_326 = arith.constant 9984 : i32
          %dma_start3A_327 = arith.constant 0 : i32
          %dma_start3A_328 = tpu.memref_slice %arg4[%dma_start3A_326, %dma_start3A_327] : memref<10000x128xf32, #tpu.memory_space<hbm>> -> memref<16x128xf32, #tpu.memory_space<hbm>>
          tpu.enqueue_dma source(%dma_start3A_328 : memref<16x128xf32, #tpu.memory_space<hbm>>) target(%dma_start3A_325 : memref<16x128xf32, #tpu.memory_space<vmem_shared>>) target_semaphore(%run_scoped3A_322 : memref<!tpu.dma_semaphore, #tpu.memory_space<semaphore_mem>>)
          %dma_wait3A_329 = arith.constant 9984 : i32
          %dma_wait3A_330 = arith.constant 0 : i32
          %dma_wait3A_331 = tpu.memref_slice %arg18[%dma_wait3A_329, %dma_wait3A_330] : memref<10000x128xf32, #tpu.memory_space<vmem_shared>> -> memref<16x128xf32, #tpu.memory_space<vmem_shared>>
          %dma_wait3A_332 = arith.constant 9984 : i32
          %dma_wait3A_333 = arith.constant 0 : i32
          %dma_wait3A_334 = tpu.memref_slice %arg4[%dma_wait3A_332, %dma_wait3A_333] : memref<10000x128xf32, #tpu.memory_space<hbm>> -> memref<16x128xf32, #tpu.memory_space<hbm>>
          tpu.wait_dma2 semaphore(%run_scoped3A_322 : memref<!tpu.dma_semaphore, #tpu.memory_space<semaphore_mem>>) src(%dma_wait3A_334 : memref<16x128xf32, #tpu.memory_space<hbm>>) dst(%dma_wait3A_331 : memref<16x128xf32, #tpu.memory_space<vmem_shared>>)
          tpu.yield
        }) : () -> ()
      } else {
      }
    } else {
    }
    %barrier3A = arith.constant 0 : index
    tpu.barrier barrier_id(%barrier3A)
    %scan3A = arith.constant 0 : i32
    %scan3A_214 = arith.constant 0 : i32
    %scan3A_215 = arith.constant 31 : i32
    %scan3A_216 = arith.addi %scan3A_214, %scan3A_215 : i32
    %scan3A_217 = arith.constant 1 : i32
    scf.for %scan3A_313 = %scan3A_214 to %scan3A_216 step %scan3A_217  : i32 {
      %mul3A_314 = arith.constant 4 : i32
      %mul3A_315 = arith.muli %mul3A_314, %scan3A_313 : i32
      %add3A_316 = arith.constant 0 : i32
      %add3A_317 = arith.addi %mul3A_315, %add3A_316 : i32
      %add3A_318 = arith.constant 4 : i32
      %add3A_319 = arith.addi %add3A_317, %add3A_318 : i32
      %min3A = arith.constant 124 : i32
      %min3A_320 = arith.minsi %add3A_319, %min3A : i32
      %dma_wait3A_321 = arith.constant 0 : i32
      %dma_wait3A_322 = arith.constant 0 : i32
      %dma_wait3A_323 = tpu.memref_slice %arg2[%dma_wait3A_321, %dma_wait3A_322] : memref<10000x128xf32, #tpu.memory_space<hbm>> -> memref<80x128xf32, #tpu.memory_space<hbm>>
      %dma_wait3A_324 = arith.constant 0 : i32
      %dma_wait3A_325 = arith.constant 0 : i32
      %dma_wait3A_326 = tpu.memref_slice %arg2[%dma_wait3A_324, %dma_wait3A_325] : memref<10000x128xf32, #tpu.memory_space<hbm>> -> memref<80x128xf32, #tpu.memory_space<hbm>>
      tpu.wait_dma2 semaphore(%arg19 : memref<!tpu.dma_semaphore, #tpu.memory_space<semaphore_mem>>) src(%dma_wait3A_326 : memref<80x128xf32, #tpu.memory_space<hbm>>) dst(%arg14 : memref<80x128xf32, #tpu.memory_space<vmem>>)
      %dma_start3A_327 = arith.constant 0 : i32
      %dma_start3A_328 = arith.constant 0 : i32
      %dma_start3A_329 = arith.constant 0 : i32
      %dma_start3A_330 = tpu.memref_slice %arg6[%dma_start3A_328, %dma_start3A_329] : memref<8x80xi32, #tpu.memory_space<vmem>> -> memref<1x80xi32, #tpu.memory_space<vmem>>
      %dma_start3A_331 = arith.constant 0 : i32
      %dma_start3A_332 = tpu.memref_slice %arg3[%dma_start3A_327, %add3A, %min3A_320, %dma_start3A_331] : memref<2x32x125x80xi32, #tpu.memory_space<hbm>> -> memref<1x1x1x80xi32, #tpu.memory_space<hbm>>
      %dma_start3A_333 = tpu.memref_squeeze %dma_start3A_332 : memref<1x1x1x80xi32, #tpu.memory_space<hbm>> -> memref<1x80xi32, #tpu.memory_space<hbm>>
      %dma_start3A_334 = arith.constant 0 : i32
      %dma_start3A_335 = arith.constant 0 : i32
      %dma_start3A_336 = tpu.memref_slice %arg6[%dma_start3A_334, %dma_start3A_335] : memref<8x80xi32, #tpu.memory_space<vmem>> -> memref<1x80xi32, #tpu.memory_space<vmem>>
      %dma_start3A_337 = arith.constant 0 : i32
      %dma_start3A_338 = tpu.memref_slice %arg3[%dma_start3A_327, %add3A, %min3A_320, %dma_start3A_337] : memref<2x32x125x80xi32, #tpu.memory_space<hbm>> -> memref<1x1x1x80xi32, #tpu.memory_space<hbm>>
      %dma_start3A_339 = tpu.memref_squeeze %dma_start3A_338 : memref<1x1x1x80xi32, #tpu.memory_space<hbm>> -> memref<1x80xi32, #tpu.memory_space<hbm>>
      tpu.enqueue_dma source(%dma_start3A_339 : memref<1x80xi32, #tpu.memory_space<hbm>>) target(%dma_start3A_336 : memref<1x80xi32, #tpu.memory_space<vmem>>) target_semaphore(%arg23 : memref<!tpu.dma_semaphore, #tpu.memory_space<semaphore_mem>>)
      %dma_wait3A_340 = arith.constant 1 : i32
      %dma_wait3A_341 = arith.constant 0 : i32
      %dma_wait3A_342 = arith.constant 0 : i32
      %dma_wait3A_343 = tpu.memref_slice %arg10[%dma_wait3A_341, %dma_wait3A_342] : memref<8x80xi32, #tpu.memory_space<vmem>> -> memref<1x80xi32, #tpu.memory_space<vmem>>
      %dma_wait3A_344 = arith.constant 0 : i32
      %dma_wait3A_345 = arith.constant 0 : i32
      %dma_wait3A_346 = tpu.memref_slice %arg3[%dma_wait3A_340, %add3A, %dma_wait3A_344, %dma_wait3A_345] : memref<2x32x125x80xi32, #tpu.memory_space<hbm>> -> memref<1x1x1x80xi32, #tpu.memory_space<hbm>>
      %dma_wait3A_347 = tpu.memref_squeeze %dma_wait3A_346 : memref<1x1x1x80xi32, #tpu.memory_space<hbm>> -> memref<1x80xi32, #tpu.memory_space<hbm>>
      %dma_wait3A_348 = arith.constant 0 : i32
      %dma_wait3A_349 = arith.constant 0 : i32
      %dma_wait3A_350 = tpu.memref_slice %arg10[%dma_wait3A_348, %dma_wait3A_349] : memref<8x80xi32, #tpu.memory_space<vmem>> -> memref<1x80xi32, #tpu.memory_space<vmem>>
      %dma_wait3A_351 = arith.constant 0 : i32
      %dma_wait3A_352 = arith.constant 0 : i32
      %dma_wait3A_353 = tpu.memref_slice %arg3[%dma_wait3A_340, %add3A, %dma_wait3A_351, %dma_wait3A_352] : memref<2x32x125x80xi32, #tpu.memory_space<hbm>> -> memref<1x1x1x80xi32, #tpu.memory_space<hbm>>
      %dma_wait3A_354 = tpu.memref_squeeze %dma_wait3A_353 : memref<1x1x1x80xi32, #tpu.memory_space<hbm>> -> memref<1x80xi32, #tpu.memory_space<hbm>>
      tpu.wait_dma2 semaphore(%arg27 : memref<!tpu.dma_semaphore, #tpu.memory_space<semaphore_mem>>) src(%dma_wait3A_354 : memref<1x80xi32, #tpu.memory_space<hbm>>) dst(%dma_wait3A_350 : memref<1x80xi32, #tpu.memory_space<vmem>>)
      %run_scoped3A_355 = arith.constant 0 : i32
      "tpu.region"() ({
        %run_scoped3A_619 = tpu.sem_alloc : memref<!tpu.dma_semaphore, #tpu.memory_space<semaphore_mem>>
        %dma_start3A_620 = arith.constant 0 : i32
        %dma_start3A_621 = tpu.memref_slice %arg10[%run_scoped3A_355, %dma_start3A_620] : memref<8x80xi32, #tpu.memory_space<vmem>> -> memref<1x80xi32, #tpu.memory_space<vmem>>
        %dma_start3A_622 = tpu.memref_squeeze %dma_start3A_621 : memref<1x80xi32, #tpu.memory_space<vmem>> -> memref<80xi32, #tpu.memory_space<vmem>>
        %dma_start3A_623 = arith.constant 0 : i32
        %dma_start3A_624 = arith.constant 0 : i32
        %dma_start3A_625 = tpu.memref_slice %arg18[%dma_start3A_623, %dma_start3A_624] : memref<10000x128xf32, #tpu.memory_space<vmem_shared>> -> memref<10000x128xf32, #tpu.memory_space<vmem_shared>>
        tpu.enqueue_indirect_dma source(%arg14 : memref<80x128xf32, #tpu.memory_space<vmem>>) target(%dma_start3A_625 : memref<10000x128xf32, #tpu.memory_space<vmem_shared>>) offsets(%dma_start3A_622 : memref<80xi32, #tpu.memory_space<vmem>>) semaphore(%run_scoped3A_619 : memref<!tpu.dma_semaphore, #tpu.memory_space<semaphore_mem>>) {add = true}
        %dma_wait3A_626 = arith.constant 0 : i32
        %dma_wait3A_627 = tpu.memref_slice %arg10[%run_scoped3A_355, %dma_wait3A_626] : memref<8x80xi32, #tpu.memory_space<vmem>> -> memref<1x80xi32, #tpu.memory_space<vmem>>
        %dma_wait3A_628 = tpu.memref_squeeze %dma_wait3A_627 : memref<1x80xi32, #tpu.memory_space<vmem>> -> memref<80xi32, #tpu.memory_space<vmem>>
        %dma_wait3A_629 = arith.constant 0 : i32
        %dma_wait3A_630 = arith.constant 0 : i32
        %dma_wait3A_631 = tpu.memref_slice %arg18[%dma_wait3A_629, %dma_wait3A_630] : memref<10000x128xf32, #tpu.memory_space<vmem_shared>> -> memref<10000x128xf32, #tpu.memory_space<vmem_shared>>
        tpu.wait_indirect_dma semaphore(%run_scoped3A_619 : memref<!tpu.dma_semaphore, #tpu.memory_space<semaphore_mem>>) src(%arg14 : memref<80x128xf32, #tpu.memory_space<vmem>>) dst(%dma_wait3A_631 : memref<10000x128xf32, #tpu.memory_space<vmem_shared>>)
        tpu.yield
      }) : () -> ()
      %dma_start3A_356 = arith.constant 1 : i32
      %dma_start3A_357 = arith.constant 0 : i32
      %dma_start3A_358 = arith.constant 0 : i32
      %dma_start3A_359 = tpu.memref_slice %arg10[%dma_start3A_357, %dma_start3A_358] : memref<8x80xi32, #tpu.memory_space<vmem>> -> memref<1x80xi32, #tpu.memory_space<vmem>>
      %dma_start3A_360 = arith.constant 0 : i32
      %dma_start3A_361 = tpu.memref_slice %arg3[%dma_start3A_356, %add3A, %min3A_320, %dma_start3A_360] : memref<2x32x125x80xi32, #tpu.memory_space<hbm>> -> memref<1x1x1x80xi32, #tpu.memory_space<hbm>>
      %dma_start3A_362 = tpu.memref_squeeze %dma_start3A_361 : memref<1x1x1x80xi32, #tpu.memory_space<hbm>> -> memref<1x80xi32, #tpu.memory_space<hbm>>
      %dma_start3A_363 = arith.constant 0 : i32
      %dma_start3A_364 = arith.constant 0 : i32
      %dma_start3A_365 = tpu.memref_slice %arg10[%dma_start3A_363, %dma_start3A_364] : memref<8x80xi32, #tpu.memory_space<vmem>> -> memref<1x80xi32, #tpu.memory_space<vmem>>
      %dma_start3A_366 = arith.constant 0 : i32
      %dma_start3A_367 = tpu.memref_slice %arg3[%dma_start3A_356, %add3A, %min3A_320, %dma_start3A_366] : memref<2x32x125x80xi32, #tpu.memory_space<hbm>> -> memref<1x1x1x80xi32, #tpu.memory_space<hbm>>
      %dma_start3A_368 = tpu.memref_squeeze %dma_start3A_367 : memref<1x1x1x80xi32, #tpu.memory_space<hbm>> -> memref<1x80xi32, #tpu.memory_space<hbm>>
      tpu.enqueue_dma source(%dma_start3A_368 : memref<1x80xi32, #tpu.memory_space<hbm>>) target(%dma_start3A_365 : memref<1x80xi32, #tpu.memory_space<vmem>>) target_semaphore(%arg27 : memref<!tpu.dma_semaphore, #tpu.memory_space<semaphore_mem>>)
      %dma_wait3A_369 = arith.constant 0 : i32
      %dma_wait3A_370 = arith.constant 0 : i32
      %dma_wait3A_371 = arith.constant 0 : i32
      %dma_wait3A_372 = tpu.memref_slice %arg6[%dma_wait3A_370, %dma_wait3A_371] : memref<8x80xi32, #tpu.memory_space<vmem>> -> memref<1x80xi32, #tpu.memory_space<vmem>>
      %dma_wait3A_373 = arith.constant 0 : i32
      %dma_wait3A_374 = arith.constant 0 : i32
      %dma_wait3A_375 = tpu.memref_slice %arg3[%dma_wait3A_369, %add3A, %dma_wait3A_373, %dma_wait3A_374] : memref<2x32x125x80xi32, #tpu.memory_space<hbm>> -> memref<1x1x1x80xi32, #tpu.memory_space<hbm>>
      %dma_wait3A_376 = tpu.memref_squeeze %dma_wait3A_375 : memref<1x1x1x80xi32, #tpu.memory_space<hbm>> -> memref<1x80xi32, #tpu.memory_space<hbm>>
      %dma_wait3A_377 = arith.constant 0 : i32
      %dma_wait3A_378 = arith.constant 0 : i32
      %dma_wait3A_379 = tpu.memref_slice %arg6[%dma_wait3A_377, %dma_wait3A_378] : memref<8x80xi32, #tpu.memory_space<vmem>> -> memref<1x80xi32, #tpu.memory_space<vmem>>
      %dma_wait3A_380 = arith.constant 0 : i32
      %dma_wait3A_381 = arith.constant 0 : i32
      %dma_wait3A_382 = tpu.memref_slice %arg3[%dma_wait3A_369, %add3A, %dma_wait3A_380, %dma_wait3A_381] : memref<2x32x125x80xi32, #tpu.memory_space<hbm>> -> memref<1x1x1x80xi32, #tpu.memory_space<hbm>>
      %dma_wait3A_383 = tpu.memref_squeeze %dma_wait3A_382 : memref<1x1x1x80xi32, #tpu.memory_space<hbm>> -> memref<1x80xi32, #tpu.memory_space<hbm>>
      tpu.wait_dma2 semaphore(%arg23 : memref<!tpu.dma_semaphore, #tpu.memory_space<semaphore_mem>>) src(%dma_wait3A_383 : memref<1x80xi32, #tpu.memory_space<hbm>>) dst(%dma_wait3A_379 : memref<1x80xi32, #tpu.memory_space<vmem>>)
      %dma_start3A_384 = arith.constant 0 : i32
      %dma_start3A_385 = arith.constant 0 : i32
      %dma_start3A_386 = tpu.memref_slice %arg6[%dma_start3A_384, %dma_start3A_385] : memref<8x80xi32, #tpu.memory_space<vmem>> -> memref<1x80xi32, #tpu.memory_space<vmem>>
      %dma_start3A_387 = tpu.memref_squeeze %dma_start3A_386 : memref<1x80xi32, #tpu.memory_space<vmem>> -> memref<80xi32, #tpu.memory_space<vmem>>
      %dma_start3A_388 = arith.constant 0 : i32
      %dma_start3A_389 = arith.constant 0 : i32
      %dma_start3A_390 = tpu.memref_slice %arg2[%dma_start3A_388, %dma_start3A_389] : memref<10000x128xf32, #tpu.memory_space<hbm>> -> memref<10000x128xf32, #tpu.memory_space<hbm>>
      tpu.enqueue_indirect_dma source(%dma_start3A_390 : memref<10000x128xf32, #tpu.memory_space<hbm>>) target(%arg14 : memref<80x128xf32, #tpu.memory_space<vmem>>) offsets(%dma_start3A_387 : memref<80xi32, #tpu.memory_space<vmem>>) semaphore(%arg19 : memref<!tpu.dma_semaphore, #tpu.memory_space<semaphore_mem>>)
      %add3A_391 = arith.constant 1 : i32
      %add3A_392 = arith.addi %mul3A_315, %add3A_391 : i32
      %add3A_393 = arith.constant 4 : i32
      %add3A_394 = arith.addi %add3A_392, %add3A_393 : i32
      %min3A_395 = arith.constant 124 : i32
      %min3A_396 = arith.minsi %add3A_394, %min3A_395 : i32
      %dma_wait3A_397 = arith.constant 0 : i32
      %dma_wait3A_398 = arith.constant 0 : i32
      %dma_wait3A_399 = tpu.memref_slice %arg2[%dma_wait3A_397, %dma_wait3A_398] : memref<10000x128xf32, #tpu.memory_space<hbm>> -> memref<80x128xf32, #tpu.memory_space<hbm>>
      %dma_wait3A_400 = arith.constant 0 : i32
      %dma_wait3A_401 = arith.constant 0 : i32
      %dma_wait3A_402 = tpu.memref_slice %arg2[%dma_wait3A_400, %dma_wait3A_401] : memref<10000x128xf32, #tpu.memory_space<hbm>> -> memref<80x128xf32, #tpu.memory_space<hbm>>
      tpu.wait_dma2 semaphore(%arg20 : memref<!tpu.dma_semaphore, #tpu.memory_space<semaphore_mem>>) src(%dma_wait3A_402 : memref<80x128xf32, #tpu.memory_space<hbm>>) dst(%arg15 : memref<80x128xf32, #tpu.memory_space<vmem>>)
      %dma_start3A_403 = arith.constant 0 : i32
      %dma_start3A_404 = arith.constant 0 : i32
      %dma_start3A_405 = arith.constant 0 : i32
      %dma_start3A_406 = tpu.memref_slice %arg7[%dma_start3A_404, %dma_start3A_405] : memref<8x80xi32, #tpu.memory_space<vmem>> -> memref<1x80xi32, #tpu.memory_space<vmem>>
      %dma_start3A_407 = arith.constant 0 : i32
      %dma_start3A_408 = tpu.memref_slice %arg3[%dma_start3A_403, %add3A, %min3A_396, %dma_start3A_407] : memref<2x32x125x80xi32, #tpu.memory_space<hbm>> -> memref<1x1x1x80xi32, #tpu.memory_space<hbm>>
      %dma_start3A_409 = tpu.memref_squeeze %dma_start3A_408 : memref<1x1x1x80xi32, #tpu.memory_space<hbm>> -> memref<1x80xi32, #tpu.memory_space<hbm>>
      %dma_start3A_410 = arith.constant 0 : i32
      %dma_start3A_411 = arith.constant 0 : i32
      %dma_start3A_412 = tpu.memref_slice %arg7[%dma_start3A_410, %dma_start3A_411] : memref<8x80xi32, #tpu.memory_space<vmem>> -> memref<1x80xi32, #tpu.memory_space<vmem>>
      %dma_start3A_413 = arith.constant 0 : i32
      %dma_start3A_414 = tpu.memref_slice %arg3[%dma_start3A_403, %add3A, %min3A_396, %dma_start3A_413] : memref<2x32x125x80xi32, #tpu.memory_space<hbm>> -> memref<1x1x1x80xi32, #tpu.memory_space<hbm>>
      %dma_start3A_415 = tpu.memref_squeeze %dma_start3A_414 : memref<1x1x1x80xi32, #tpu.memory_space<hbm>> -> memref<1x80xi32, #tpu.memory_space<hbm>>
      tpu.enqueue_dma source(%dma_start3A_415 : memref<1x80xi32, #tpu.memory_space<hbm>>) target(%dma_start3A_412 : memref<1x80xi32, #tpu.memory_space<vmem>>) target_semaphore(%arg24 : memref<!tpu.dma_semaphore, #tpu.memory_space<semaphore_mem>>)
      %dma_wait3A_416 = arith.constant 1 : i32
      %dma_wait3A_417 = arith.constant 0 : i32
      %dma_wait3A_418 = arith.constant 0 : i32
      %dma_wait3A_419 = tpu.memref_slice %arg11[%dma_wait3A_417, %dma_wait3A_418] : memref<8x80xi32, #tpu.memory_space<vmem>> -> memref<1x80xi32, #tpu.memory_space<vmem>>
      %dma_wait3A_420 = arith.constant 0 : i32
      %dma_wait3A_421 = arith.constant 0 : i32
      %dma_wait3A_422 = tpu.memref_slice %arg3[%dma_wait3A_416, %add3A, %dma_wait3A_420, %dma_wait3A_421] : memref<2x32x125x80xi32, #tpu.memory_space<hbm>> -> memref<1x1x1x80xi32, #tpu.memory_space<hbm>>
      %dma_wait3A_423 = tpu.memref_squeeze %dma_wait3A_422 : memref<1x1x1x80xi32, #tpu.memory_space<hbm>> -> memref<1x80xi32, #tpu.memory_space<hbm>>
      %dma_wait3A_424 = arith.constant 0 : i32
      %dma_wait3A_425 = arith.constant 0 : i32
      %dma_wait3A_426 = tpu.memref_slice %arg11[%dma_wait3A_424, %dma_wait3A_425] : memref<8x80xi32, #tpu.memory_space<vmem>> -> memref<1x80xi32, #tpu.memory_space<vmem>>
      %dma_wait3A_427 = arith.constant 0 : i32
      %dma_wait3A_428 = arith.constant 0 : i32
      %dma_wait3A_429 = tpu.memref_slice %arg3[%dma_wait3A_416, %add3A, %dma_wait3A_427, %dma_wait3A_428] : memref<2x32x125x80xi32, #tpu.memory_space<hbm>> -> memref<1x1x1x80xi32, #tpu.memory_space<hbm>>
      %dma_wait3A_430 = tpu.memref_squeeze %dma_wait3A_429 : memref<1x1x1x80xi32, #tpu.memory_space<hbm>> -> memref<1x80xi32, #tpu.memory_space<hbm>>
      tpu.wait_dma2 semaphore(%arg28 : memref<!tpu.dma_semaphore, #tpu.memory_space<semaphore_mem>>) src(%dma_wait3A_430 : memref<1x80xi32, #tpu.memory_space<hbm>>) dst(%dma_wait3A_426 : memref<1x80xi32, #tpu.memory_space<vmem>>)
      %run_scoped3A_431 = arith.constant 0 : i32
      "tpu.region"() ({
        %run_scoped3A_619 = tpu.sem_alloc : memref<!tpu.dma_semaphore, #tpu.memory_space<semaphore_mem>>
        %dma_start3A_620 = arith.constant 0 : i32
        %dma_start3A_621 = tpu.memref_slice %arg11[%run_scoped3A_431, %dma_start3A_620] : memref<8x80xi32, #tpu.memory_space<vmem>> -> memref<1x80xi32, #tpu.memory_space<vmem>>
        %dma_start3A_622 = tpu.memref_squeeze %dma_start3A_621 : memref<1x80xi32, #tpu.memory_space<vmem>> -> memref<80xi32, #tpu.memory_space<vmem>>
        %dma_start3A_623 = arith.constant 0 : i32
        %dma_start3A_624 = arith.constant 0 : i32
        %dma_start3A_625 = tpu.memref_slice %arg18[%dma_start3A_623, %dma_start3A_624] : memref<10000x128xf32, #tpu.memory_space<vmem_shared>> -> memref<10000x128xf32, #tpu.memory_space<vmem_shared>>
        tpu.enqueue_indirect_dma source(%arg15 : memref<80x128xf32, #tpu.memory_space<vmem>>) target(%dma_start3A_625 : memref<10000x128xf32, #tpu.memory_space<vmem_shared>>) offsets(%dma_start3A_622 : memref<80xi32, #tpu.memory_space<vmem>>) semaphore(%run_scoped3A_619 : memref<!tpu.dma_semaphore, #tpu.memory_space<semaphore_mem>>) {add = true}
        %dma_wait3A_626 = arith.constant 0 : i32
        %dma_wait3A_627 = tpu.memref_slice %arg11[%run_scoped3A_431, %dma_wait3A_626] : memref<8x80xi32, #tpu.memory_space<vmem>> -> memref<1x80xi32, #tpu.memory_space<vmem>>
        %dma_wait3A_628 = tpu.memref_squeeze %dma_wait3A_627 : memref<1x80xi32, #tpu.memory_space<vmem>> -> memref<80xi32, #tpu.memory_space<vmem>>
        %dma_wait3A_629 = arith.constant 0 : i32
        %dma_wait3A_630 = arith.constant 0 : i32
        %dma_wait3A_631 = tpu.memref_slice %arg18[%dma_wait3A_629, %dma_wait3A_630] : memref<10000x128xf32, #tpu.memory_space<vmem_shared>> -> memref<10000x128xf32, #tpu.memory_space<vmem_shared>>
        tpu.wait_indirect_dma semaphore(%run_scoped3A_619 : memref<!tpu.dma_semaphore, #tpu.memory_space<semaphore_mem>>) src(%arg15 : memref<80x128xf32, #tpu.memory_space<vmem>>) dst(%dma_wait3A_631 : memref<10000x128xf32, #tpu.memory_space<vmem_shared>>)
        tpu.yield
      }) : () -> ()
      %dma_start3A_432 = arith.constant 1 : i32
      %dma_start3A_433 = arith.constant 0 : i32
      %dma_start3A_434 = arith.constant 0 : i32
      %dma_start3A_435 = tpu.memref_slice %arg11[%dma_start3A_433, %dma_start3A_434] : memref<8x80xi32, #tpu.memory_space<vmem>> -> memref<1x80xi32, #tpu.memory_space<vmem>>
      %dma_start3A_436 = arith.constant 0 : i32
      %dma_start3A_437 = tpu.memref_slice %arg3[%dma_start3A_432, %add3A, %min3A_396, %dma_start3A_436] : memref<2x32x125x80xi32, #tpu.memory_space<hbm>> -> memref<1x1x1x80xi32, #tpu.memory_space<hbm>>
      %dma_start3A_438 = tpu.memref_squeeze %dma_start3A_437 : memref<1x1x1x80xi32, #tpu.memory_space<hbm>> -> memref<1x80xi32, #tpu.memory_space<hbm>>
      %dma_start3A_439 = arith.constant 0 : i32
      %dma_start3A_440 = arith.constant 0 : i32
      %dma_start3A_441 = tpu.memref_slice %arg11[%dma_start3A_439, %dma_start3A_440] : memref<8x80xi32, #tpu.memory_space<vmem>> -> memref<1x80xi32, #tpu.memory_space<vmem>>
      %dma_start3A_442 = arith.constant 0 : i32
      %dma_start3A_443 = tpu.memref_slice %arg3[%dma_start3A_432, %add3A, %min3A_396, %dma_start3A_442] : memref<2x32x125x80xi32, #tpu.memory_space<hbm>> -> memref<1x1x1x80xi32, #tpu.memory_space<hbm>>
      %dma_start3A_444 = tpu.memref_squeeze %dma_start3A_443 : memref<1x1x1x80xi32, #tpu.memory_space<hbm>> -> memref<1x80xi32, #tpu.memory_space<hbm>>
      tpu.enqueue_dma source(%dma_start3A_444 : memref<1x80xi32, #tpu.memory_space<hbm>>) target(%dma_start3A_441 : memref<1x80xi32, #tpu.memory_space<vmem>>) target_semaphore(%arg28 : memref<!tpu.dma_semaphore, #tpu.memory_space<semaphore_mem>>)
      %dma_wait3A_445 = arith.constant 0 : i32
      %dma_wait3A_446 = arith.constant 0 : i32
      %dma_wait3A_447 = arith.constant 0 : i32
      %dma_wait3A_448 = tpu.memref_slice %arg7[%dma_wait3A_446, %dma_wait3A_447] : memref<8x80xi32, #tpu.memory_space<vmem>> -> memref<1x80xi32, #tpu.memory_space<vmem>>
      %dma_wait3A_449 = arith.constant 0 : i32
      %dma_wait3A_450 = arith.constant 0 : i32
      %dma_wait3A_451 = tpu.memref_slice %arg3[%dma_wait3A_445, %add3A, %dma_wait3A_449, %dma_wait3A_450] : memref<2x32x125x80xi32, #tpu.memory_space<hbm>> -> memref<1x1x1x80xi32, #tpu.memory_space<hbm>>
      %dma_wait3A_452 = tpu.memref_squeeze %dma_wait3A_451 : memref<1x1x1x80xi32, #tpu.memory_space<hbm>> -> memref<1x80xi32, #tpu.memory_space<hbm>>
      %dma_wait3A_453 = arith.constant 0 : i32
      %dma_wait3A_454 = arith.constant 0 : i32
      %dma_wait3A_455 = tpu.memref_slice %arg7[%dma_wait3A_453, %dma_wait3A_454] : memref<8x80xi32, #tpu.memory_space<vmem>> -> memref<1x80xi32, #tpu.memory_space<vmem>>
      %dma_wait3A_456 = arith.constant 0 : i32
      %dma_wait3A_457 = arith.constant 0 : i32
      %dma_wait3A_458 = tpu.memref_slice %arg3[%dma_wait3A_445, %add3A, %dma_wait3A_456, %dma_wait3A_457] : memref<2x32x125x80xi32, #tpu.memory_space<hbm>> -> memref<1x1x1x80xi32, #tpu.memory_space<hbm>>
      %dma_wait3A_459 = tpu.memref_squeeze %dma_wait3A_458 : memref<1x1x1x80xi32, #tpu.memory_space<hbm>> -> memref<1x80xi32, #tpu.memory_space<hbm>>
      tpu.wait_dma2 semaphore(%arg24 : memref<!tpu.dma_semaphore, #tpu.memory_space<semaphore_mem>>) src(%dma_wait3A_459 : memref<1x80xi32, #tpu.memory_space<hbm>>) dst(%dma_wait3A_455 : memref<1x80xi32, #tpu.memory_space<vmem>>)
      %dma_start3A_460 = arith.constant 0 : i32
      %dma_start3A_461 = arith.constant 0 : i32
      %dma_start3A_462 = tpu.memref_slice %arg7[%dma_start3A_460, %dma_start3A_461] : memref<8x80xi32, #tpu.memory_space<vmem>> -> memref<1x80xi32, #tpu.memory_space<vmem>>
      %dma_start3A_463 = tpu.memref_squeeze %dma_start3A_462 : memref<1x80xi32, #tpu.memory_space<vmem>> -> memref<80xi32, #tpu.memory_space<vmem>>
      %dma_start3A_464 = arith.constant 0 : i32
      %dma_start3A_465 = arith.constant 0 : i32
      %dma_start3A_466 = tpu.memref_slice %arg2[%dma_start3A_464, %dma_start3A_465] : memref<10000x128xf32, #tpu.memory_space<hbm>> -> memref<10000x128xf32, #tpu.memory_space<hbm>>
      tpu.enqueue_indirect_dma source(%dma_start3A_466 : memref<10000x128xf32, #tpu.memory_space<hbm>>) target(%arg15 : memref<80x128xf32, #tpu.memory_space<vmem>>) offsets(%dma_start3A_463 : memref<80xi32, #tpu.memory_space<vmem>>) semaphore(%arg20 : memref<!tpu.dma_semaphore, #tpu.memory_space<semaphore_mem>>)
      %add3A_467 = arith.constant 2 : i32
      %add3A_468 = arith.addi %mul3A_315, %add3A_467 : i32
      %add3A_469 = arith.constant 4 : i32
      %add3A_470 = arith.addi %add3A_468, %add3A_469 : i32
      %min3A_471 = arith.constant 124 : i32
      %min3A_472 = arith.minsi %add3A_470, %min3A_471 : i32
      %dma_wait3A_473 = arith.constant 0 : i32
      %dma_wait3A_474 = arith.constant 0 : i32
      %dma_wait3A_475 = tpu.memref_slice %arg2[%dma_wait3A_473, %dma_wait3A_474] : memref<10000x128xf32, #tpu.memory_space<hbm>> -> memref<80x128xf32, #tpu.memory_space<hbm>>
      %dma_wait3A_476 = arith.constant 0 : i32
      %dma_wait3A_477 = arith.constant 0 : i32
      %dma_wait3A_478 = tpu.memref_slice %arg2[%dma_wait3A_476, %dma_wait3A_477] : memref<10000x128xf32, #tpu.memory_space<hbm>> -> memref<80x128xf32, #tpu.memory_space<hbm>>
      tpu.wait_dma2 semaphore(%arg21 : memref<!tpu.dma_semaphore, #tpu.memory_space<semaphore_mem>>) src(%dma_wait3A_478 : memref<80x128xf32, #tpu.memory_space<hbm>>) dst(%arg16 : memref<80x128xf32, #tpu.memory_space<vmem>>)
      %dma_start3A_479 = arith.constant 0 : i32
      %dma_start3A_480 = arith.constant 0 : i32
      %dma_start3A_481 = arith.constant 0 : i32
      %dma_start3A_482 = tpu.memref_slice %arg8[%dma_start3A_480, %dma_start3A_481] : memref<8x80xi32, #tpu.memory_space<vmem>> -> memref<1x80xi32, #tpu.memory_space<vmem>>
      %dma_start3A_483 = arith.constant 0 : i32
      %dma_start3A_484 = tpu.memref_slice %arg3[%dma_start3A_479, %add3A, %min3A_472, %dma_start3A_483] : memref<2x32x125x80xi32, #tpu.memory_space<hbm>> -> memref<1x1x1x80xi32, #tpu.memory_space<hbm>>
      %dma_start3A_485 = tpu.memref_squeeze %dma_start3A_484 : memref<1x1x1x80xi32, #tpu.memory_space<hbm>> -> memref<1x80xi32, #tpu.memory_space<hbm>>
      %dma_start3A_486 = arith.constant 0 : i32
      %dma_start3A_487 = arith.constant 0 : i32
      %dma_start3A_488 = tpu.memref_slice %arg8[%dma_start3A_486, %dma_start3A_487] : memref<8x80xi32, #tpu.memory_space<vmem>> -> memref<1x80xi32, #tpu.memory_space<vmem>>
      %dma_start3A_489 = arith.constant 0 : i32
      %dma_start3A_490 = tpu.memref_slice %arg3[%dma_start3A_479, %add3A, %min3A_472, %dma_start3A_489] : memref<2x32x125x80xi32, #tpu.memory_space<hbm>> -> memref<1x1x1x80xi32, #tpu.memory_space<hbm>>
      %dma_start3A_491 = tpu.memref_squeeze %dma_start3A_490 : memref<1x1x1x80xi32, #tpu.memory_space<hbm>> -> memref<1x80xi32, #tpu.memory_space<hbm>>
      tpu.enqueue_dma source(%dma_start3A_491 : memref<1x80xi32, #tpu.memory_space<hbm>>) target(%dma_start3A_488 : memref<1x80xi32, #tpu.memory_space<vmem>>) target_semaphore(%arg25 : memref<!tpu.dma_semaphore, #tpu.memory_space<semaphore_mem>>)
      %dma_wait3A_492 = arith.constant 1 : i32
      %dma_wait3A_493 = arith.constant 0 : i32
      %dma_wait3A_494 = arith.constant 0 : i32
      %dma_wait3A_495 = tpu.memref_slice %arg12[%dma_wait3A_493, %dma_wait3A_494] : memref<8x80xi32, #tpu.memory_space<vmem>> -> memref<1x80xi32, #tpu.memory_space<vmem>>
      %dma_wait3A_496 = arith.constant 0 : i32
      %dma_wait3A_497 = arith.constant 0 : i32
      %dma_wait3A_498 = tpu.memref_slice %arg3[%dma_wait3A_492, %add3A, %dma_wait3A_496, %dma_wait3A_497] : memref<2x32x125x80xi32, #tpu.memory_space<hbm>> -> memref<1x1x1x80xi32, #tpu.memory_space<hbm>>
      %dma_wait3A_499 = tpu.memref_squeeze %dma_wait3A_498 : memref<1x1x1x80xi32, #tpu.memory_space<hbm>> -> memref<1x80xi32, #tpu.memory_space<hbm>>
      %dma_wait3A_500 = arith.constant 0 : i32
      %dma_wait3A_501 = arith.constant 0 : i32
      %dma_wait3A_502 = tpu.memref_slice %arg12[%dma_wait3A_500, %dma_wait3A_501] : memref<8x80xi32, #tpu.memory_space<vmem>> -> memref<1x80xi32, #tpu.memory_space<vmem>>
      %dma_wait3A_503 = arith.constant 0 : i32
      %dma_wait3A_504 = arith.constant 0 : i32
      %dma_wait3A_505 = tpu.memref_slice %arg3[%dma_wait3A_492, %add3A, %dma_wait3A_503, %dma_wait3A_504] : memref<2x32x125x80xi32, #tpu.memory_space<hbm>> -> memref<1x1x1x80xi32, #tpu.memory_space<hbm>>
      %dma_wait3A_506 = tpu.memref_squeeze %dma_wait3A_505 : memref<1x1x1x80xi32, #tpu.memory_space<hbm>> -> memref<1x80xi32, #tpu.memory_space<hbm>>
      tpu.wait_dma2 semaphore(%arg29 : memref<!tpu.dma_semaphore, #tpu.memory_space<semaphore_mem>>) src(%dma_wait3A_506 : memref<1x80xi32, #tpu.memory_space<hbm>>) dst(%dma_wait3A_502 : memref<1x80xi32, #tpu.memory_space<vmem>>)
      %run_scoped3A_507 = arith.constant 0 : i32
      "tpu.region"() ({
        %run_scoped3A_619 = tpu.sem_alloc : memref<!tpu.dma_semaphore, #tpu.memory_space<semaphore_mem>>
        %dma_start3A_620 = arith.constant 0 : i32
        %dma_start3A_621 = tpu.memref_slice %arg12[%run_scoped3A_507, %dma_start3A_620] : memref<8x80xi32, #tpu.memory_space<vmem>> -> memref<1x80xi32, #tpu.memory_space<vmem>>
        %dma_start3A_622 = tpu.memref_squeeze %dma_start3A_621 : memref<1x80xi32, #tpu.memory_space<vmem>> -> memref<80xi32, #tpu.memory_space<vmem>>
        %dma_start3A_623 = arith.constant 0 : i32
        %dma_start3A_624 = arith.constant 0 : i32
        %dma_start3A_625 = tpu.memref_slice %arg18[%dma_start3A_623, %dma_start3A_624] : memref<10000x128xf32, #tpu.memory_space<vmem_shared>> -> memref<10000x128xf32, #tpu.memory_space<vmem_shared>>
        tpu.enqueue_indirect_dma source(%arg16 : memref<80x128xf32, #tpu.memory_space<vmem>>) target(%dma_start3A_625 : memref<10000x128xf32, #tpu.memory_space<vmem_shared>>) offsets(%dma_start3A_622 : memref<80xi32, #tpu.memory_space<vmem>>) semaphore(%run_scoped3A_619 : memref<!tpu.dma_semaphore, #tpu.memory_space<semaphore_mem>>) {add = true}
        %dma_wait3A_626 = arith.constant 0 : i32
        %dma_wait3A_627 = tpu.memref_slice %arg12[%run_scoped3A_507, %dma_wait3A_626] : memref<8x80xi32, #tpu.memory_space<vmem>> -> memref<1x80xi32, #tpu.memory_space<vmem>>
        %dma_wait3A_628 = tpu.memref_squeeze %dma_wait3A_627 : memref<1x80xi32, #tpu.memory_space<vmem>> -> memref<80xi32, #tpu.memory_space<vmem>>
        %dma_wait3A_629 = arith.constant 0 : i32
        %dma_wait3A_630 = arith.constant 0 : i32
        %dma_wait3A_631 = tpu.memref_slice %arg18[%dma_wait3A_629, %dma_wait3A_630] : memref<10000x128xf32, #tpu.memory_space<vmem_shared>> -> memref<10000x128xf32, #tpu.memory_space<vmem_shared>>
        tpu.wait_indirect_dma semaphore(%run_scoped3A_619 : memref<!tpu.dma_semaphore, #tpu.memory_space<semaphore_mem>>) src(%arg16 : memref<80x128xf32, #tpu.memory_space<vmem>>) dst(%dma_wait3A_631 : memref<10000x128xf32, #tpu.memory_space<vmem_shared>>)
        tpu.yield
      }) : () -> ()
      %dma_start3A_508 = arith.constant 1 : i32
      %dma_start3A_509 = arith.constant 0 : i32
      %dma_start3A_510 = arith.constant 0 : i32
      %dma_start3A_511 = tpu.memref_slice %arg12[%dma_start3A_509, %dma_start3A_510] : memref<8x80xi32, #tpu.memory_space<vmem>> -> memref<1x80xi32, #tpu.memory_space<vmem>>
      %dma_start3A_512 = arith.constant 0 : i32
      %dma_start3A_513 = tpu.memref_slice %arg3[%dma_start3A_508, %add3A, %min3A_472, %dma_start3A_512] : memref<2x32x125x80xi32, #tpu.memory_space<hbm>> -> memref<1x1x1x80xi32, #tpu.memory_space<hbm>>
      %dma_start3A_514 = tpu.memref_squeeze %dma_start3A_513 : memref<1x1x1x80xi32, #tpu.memory_space<hbm>> -> memref<1x80xi32, #tpu.memory_space<hbm>>
      %dma_start3A_515 = arith.constant 0 : i32
      %dma_start3A_516 = arith.constant 0 : i32
      %dma_start3A_517 = tpu.memref_slice %arg12[%dma_start3A_515, %dma_start3A_516] : memref<8x80xi32, #tpu.memory_space<vmem>> -> memref<1x80xi32, #tpu.memory_space<vmem>>
      %dma_start3A_518 = arith.constant 0 : i32
      %dma_start3A_519 = tpu.memref_slice %arg3[%dma_start3A_508, %add3A, %min3A_472, %dma_start3A_518] : memref<2x32x125x80xi32, #tpu.memory_space<hbm>> -> memref<1x1x1x80xi32, #tpu.memory_space<hbm>>
      %dma_start3A_520 = tpu.memref_squeeze %dma_start3A_519 : memref<1x1x1x80xi32, #tpu.memory_space<hbm>> -> memref<1x80xi32, #tpu.memory_space<hbm>>
      tpu.enqueue_dma source(%dma_start3A_520 : memref<1x80xi32, #tpu.memory_space<hbm>>) target(%dma_start3A_517 : memref<1x80xi32, #tpu.memory_space<vmem>>) target_semaphore(%arg29 : memref<!tpu.dma_semaphore, #tpu.memory_space<semaphore_mem>>)
      %dma_wait3A_521 = arith.constant 0 : i32
      %dma_wait3A_522 = arith.constant 0 : i32
      %dma_wait3A_523 = arith.constant 0 : i32
      %dma_wait3A_524 = tpu.memref_slice %arg8[%dma_wait3A_522, %dma_wait3A_523] : memref<8x80xi32, #tpu.memory_space<vmem>> -> memref<1x80xi32, #tpu.memory_space<vmem>>
      %dma_wait3A_525 = arith.constant 0 : i32
      %dma_wait3A_526 = arith.constant 0 : i32
      %dma_wait3A_527 = tpu.memref_slice %arg3[%dma_wait3A_521, %add3A, %dma_wait3A_525, %dma_wait3A_526] : memref<2x32x125x80xi32, #tpu.memory_space<hbm>> -> memref<1x1x1x80xi32, #tpu.memory_space<hbm>>
      %dma_wait3A_528 = tpu.memref_squeeze %dma_wait3A_527 : memref<1x1x1x80xi32, #tpu.memory_space<hbm>> -> memref<1x80xi32, #tpu.memory_space<hbm>>
      %dma_wait3A_529 = arith.constant 0 : i32
      %dma_wait3A_530 = arith.constant 0 : i32
      %dma_wait3A_531 = tpu.memref_slice %arg8[%dma_wait3A_529, %dma_wait3A_530] : memref<8x80xi32, #tpu.memory_space<vmem>> -> memref<1x80xi32, #tpu.memory_space<vmem>>
      %dma_wait3A_532 = arith.constant 0 : i32
      %dma_wait3A_533 = arith.constant 0 : i32
      %dma_wait3A_534 = tpu.memref_slice %arg3[%dma_wait3A_521, %add3A, %dma_wait3A_532, %dma_wait3A_533] : memref<2x32x125x80xi32, #tpu.memory_space<hbm>> -> memref<1x1x1x80xi32, #tpu.memory_space<hbm>>
      %dma_wait3A_535 = tpu.memref_squeeze %dma_wait3A_534 : memref<1x1x1x80xi32, #tpu.memory_space<hbm>> -> memref<1x80xi32, #tpu.memory_space<hbm>>
      tpu.wait_dma2 semaphore(%arg25 : memref<!tpu.dma_semaphore, #tpu.memory_space<semaphore_mem>>) src(%dma_wait3A_535 : memref<1x80xi32, #tpu.memory_space<hbm>>) dst(%dma_wait3A_531 : memref<1x80xi32, #tpu.memory_space<vmem>>)
      %dma_start3A_536 = arith.constant 0 : i32
      %dma_start3A_537 = arith.constant 0 : i32
      %dma_start3A_538 = tpu.memref_slice %arg8[%dma_start3A_536, %dma_start3A_537] : memref<8x80xi32, #tpu.memory_space<vmem>> -> memref<1x80xi32, #tpu.memory_space<vmem>>
      %dma_start3A_539 = tpu.memref_squeeze %dma_start3A_538 : memref<1x80xi32, #tpu.memory_space<vmem>> -> memref<80xi32, #tpu.memory_space<vmem>>
      %dma_start3A_540 = arith.constant 0 : i32
      %dma_start3A_541 = arith.constant 0 : i32
      %dma_start3A_542 = tpu.memref_slice %arg2[%dma_start3A_540, %dma_start3A_541] : memref<10000x128xf32, #tpu.memory_space<hbm>> -> memref<10000x128xf32, #tpu.memory_space<hbm>>
      tpu.enqueue_indirect_dma source(%dma_start3A_542 : memref<10000x128xf32, #tpu.memory_space<hbm>>) target(%arg16 : memref<80x128xf32, #tpu.memory_space<vmem>>) offsets(%dma_start3A_539 : memref<80xi32, #tpu.memory_space<vmem>>) semaphore(%arg21 : memref<!tpu.dma_semaphore, #tpu.memory_space<semaphore_mem>>)
      %add3A_543 = arith.constant 3 : i32
      %add3A_544 = arith.addi %mul3A_315, %add3A_543 : i32
      %add3A_545 = arith.constant 4 : i32
      %add3A_546 = arith.addi %add3A_544, %add3A_545 : i32
      %min3A_547 = arith.constant 124 : i32
      %min3A_548 = arith.minsi %add3A_546, %min3A_547 : i32
      %dma_wait3A_549 = arith.constant 0 : i32
      %dma_wait3A_550 = arith.constant 0 : i32
      %dma_wait3A_551 = tpu.memref_slice %arg2[%dma_wait3A_549, %dma_wait3A_550] : memref<10000x128xf32, #tpu.memory_space<hbm>> -> memref<80x128xf32, #tpu.memory_space<hbm>>
      %dma_wait3A_552 = arith.constant 0 : i32
      %dma_wait3A_553 = arith.constant 0 : i32
      %dma_wait3A_554 = tpu.memref_slice %arg2[%dma_wait3A_552, %dma_wait3A_553] : memref<10000x128xf32, #tpu.memory_space<hbm>> -> memref<80x128xf32, #tpu.memory_space<hbm>>
      tpu.wait_dma2 semaphore(%arg22 : memref<!tpu.dma_semaphore, #tpu.memory_space<semaphore_mem>>) src(%dma_wait3A_554 : memref<80x128xf32, #tpu.memory_space<hbm>>) dst(%arg17 : memref<80x128xf32, #tpu.memory_space<vmem>>)
      %dma_start3A_555 = arith.constant 0 : i32
      %dma_start3A_556 = arith.constant 0 : i32
      %dma_start3A_557 = arith.constant 0 : i32
      %dma_start3A_558 = tpu.memref_slice %arg9[%dma_start3A_556, %dma_start3A_557] : memref<8x80xi32, #tpu.memory_space<vmem>> -> memref<1x80xi32, #tpu.memory_space<vmem>>
      %dma_start3A_559 = arith.constant 0 : i32
      %dma_start3A_560 = tpu.memref_slice %arg3[%dma_start3A_555, %add3A, %min3A_548, %dma_start3A_559] : memref<2x32x125x80xi32, #tpu.memory_space<hbm>> -> memref<1x1x1x80xi32, #tpu.memory_space<hbm>>
      %dma_start3A_561 = tpu.memref_squeeze %dma_start3A_560 : memref<1x1x1x80xi32, #tpu.memory_space<hbm>> -> memref<1x80xi32, #tpu.memory_space<hbm>>
      %dma_start3A_562 = arith.constant 0 : i32
      %dma_start3A_563 = arith.constant 0 : i32
      %dma_start3A_564 = tpu.memref_slice %arg9[%dma_start3A_562, %dma_start3A_563] : memref<8x80xi32, #tpu.memory_space<vmem>> -> memref<1x80xi32, #tpu.memory_space<vmem>>
      %dma_start3A_565 = arith.constant 0 : i32
      %dma_start3A_566 = tpu.memref_slice %arg3[%dma_start3A_555, %add3A, %min3A_548, %dma_start3A_565] : memref<2x32x125x80xi32, #tpu.memory_space<hbm>> -> memref<1x1x1x80xi32, #tpu.memory_space<hbm>>
      %dma_start3A_567 = tpu.memref_squeeze %dma_start3A_566 : memref<1x1x1x80xi32, #tpu.memory_space<hbm>> -> memref<1x80xi32, #tpu.memory_space<hbm>>
      tpu.enqueue_dma source(%dma_start3A_567 : memref<1x80xi32, #tpu.memory_space<hbm>>) target(%dma_start3A_564 : memref<1x80xi32, #tpu.memory_space<vmem>>) target_semaphore(%arg26 : memref<!tpu.dma_semaphore, #tpu.memory_space<semaphore_mem>>)
      %dma_wait3A_568 = arith.constant 1 : i32
      %dma_wait3A_569 = arith.constant 0 : i32
      %dma_wait3A_570 = arith.constant 0 : i32
      %dma_wait3A_571 = tpu.memref_slice %arg13[%dma_wait3A_569, %dma_wait3A_570] : memref<8x80xi32, #tpu.memory_space<vmem>> -> memref<1x80xi32, #tpu.memory_space<vmem>>
      %dma_wait3A_572 = arith.constant 0 : i32
      %dma_wait3A_573 = arith.constant 0 : i32
      %dma_wait3A_574 = tpu.memref_slice %arg3[%dma_wait3A_568, %add3A, %dma_wait3A_572, %dma_wait3A_573] : memref<2x32x125x80xi32, #tpu.memory_space<hbm>> -> memref<1x1x1x80xi32, #tpu.memory_space<hbm>>
      %dma_wait3A_575 = tpu.memref_squeeze %dma_wait3A_574 : memref<1x1x1x80xi32, #tpu.memory_space<hbm>> -> memref<1x80xi32, #tpu.memory_space<hbm>>
      %dma_wait3A_576 = arith.constant 0 : i32
      %dma_wait3A_577 = arith.constant 0 : i32
      %dma_wait3A_578 = tpu.memref_slice %arg13[%dma_wait3A_576, %dma_wait3A_577] : memref<8x80xi32, #tpu.memory_space<vmem>> -> memref<1x80xi32, #tpu.memory_space<vmem>>
      %dma_wait3A_579 = arith.constant 0 : i32
      %dma_wait3A_580 = arith.constant 0 : i32
      %dma_wait3A_581 = tpu.memref_slice %arg3[%dma_wait3A_568, %add3A, %dma_wait3A_579, %dma_wait3A_580] : memref<2x32x125x80xi32, #tpu.memory_space<hbm>> -> memref<1x1x1x80xi32, #tpu.memory_space<hbm>>
      %dma_wait3A_582 = tpu.memref_squeeze %dma_wait3A_581 : memref<1x1x1x80xi32, #tpu.memory_space<hbm>> -> memref<1x80xi32, #tpu.memory_space<hbm>>
      tpu.wait_dma2 semaphore(%arg30 : memref<!tpu.dma_semaphore, #tpu.memory_space<semaphore_mem>>) src(%dma_wait3A_582 : memref<1x80xi32, #tpu.memory_space<hbm>>) dst(%dma_wait3A_578 : memref<1x80xi32, #tpu.memory_space<vmem>>)
      %run_scoped3A_583 = arith.constant 0 : i32
      "tpu.region"() ({
        %run_scoped3A_619 = tpu.sem_alloc : memref<!tpu.dma_semaphore, #tpu.memory_space<semaphore_mem>>
        %dma_start3A_620 = arith.constant 0 : i32
        %dma_start3A_621 = tpu.memref_slice %arg13[%run_scoped3A_583, %dma_start3A_620] : memref<8x80xi32, #tpu.memory_space<vmem>> -> memref<1x80xi32, #tpu.memory_space<vmem>>
        %dma_start3A_622 = tpu.memref_squeeze %dma_start3A_621 : memref<1x80xi32, #tpu.memory_space<vmem>> -> memref<80xi32, #tpu.memory_space<vmem>>
        %dma_start3A_623 = arith.constant 0 : i32
        %dma_start3A_624 = arith.constant 0 : i32
        %dma_start3A_625 = tpu.memref_slice %arg18[%dma_start3A_623, %dma_start3A_624] : memref<10000x128xf32, #tpu.memory_space<vmem_shared>> -> memref<10000x128xf32, #tpu.memory_space<vmem_shared>>
        tpu.enqueue_indirect_dma source(%arg17 : memref<80x128xf32, #tpu.memory_space<vmem>>) target(%dma_start3A_625 : memref<10000x128xf32, #tpu.memory_space<vmem_shared>>) offsets(%dma_start3A_622 : memref<80xi32, #tpu.memory_space<vmem>>) semaphore(%run_scoped3A_619 : memref<!tpu.dma_semaphore, #tpu.memory_space<semaphore_mem>>) {add = true}
        %dma_wait3A_626 = arith.constant 0 : i32
        %dma_wait3A_627 = tpu.memref_slice %arg13[%run_scoped3A_583, %dma_wait3A_626] : memref<8x80xi32, #tpu.memory_space<vmem>> -> memref<1x80xi32, #tpu.memory_space<vmem>>
        %dma_wait3A_628 = tpu.memref_squeeze %dma_wait3A_627 : memref<1x80xi32, #tpu.memory_space<vmem>> -> memref<80xi32, #tpu.memory_space<vmem>>
        %dma_wait3A_629 = arith.constant 0 : i32
        %dma_wait3A_630 = arith.constant 0 : i32
        %dma_wait3A_631 = tpu.memref_slice %arg18[%dma_wait3A_629, %dma_wait3A_630] : memref<10000x128xf32, #tpu.memory_space<vmem_shared>> -> memref<10000x128xf32, #tpu.memory_space<vmem_shared>>
        tpu.wait_indirect_dma semaphore(%run_scoped3A_619 : memref<!tpu.dma_semaphore, #tpu.memory_space<semaphore_mem>>) src(%arg17 : memref<80x128xf32, #tpu.memory_space<vmem>>) dst(%dma_wait3A_631 : memref<10000x128xf32, #tpu.memory_space<vmem_shared>>)
        tpu.yield
      }) : () -> ()
      %dma_start3A_584 = arith.constant 1 : i32
      %dma_start3A_585 = arith.constant 0 : i32
      %dma_start3A_586 = arith.constant 0 : i32
      %dma_start3A_587 = tpu.memref_slice %arg13[%dma_start3A_585, %dma_start3A_586] : memref<8x80xi32, #tpu.memory_space<vmem>> -> memref<1x80xi32, #tpu.memory_space<vmem>>
      %dma_start3A_588 = arith.constant 0 : i32
      %dma_start3A_589 = tpu.memref_slice %arg3[%dma_start3A_584, %add3A, %min3A_548, %dma_start3A_588] : memref<2x32x125x80xi32, #tpu.memory_space<hbm>> -> memref<1x1x1x80xi32, #tpu.memory_space<hbm>>
      %dma_start3A_590 = tpu.memref_squeeze %dma_start3A_589 : memref<1x1x1x80xi32, #tpu.memory_space<hbm>> -> memref<1x80xi32, #tpu.memory_space<hbm>>
      %dma_start3A_591 = arith.constant 0 : i32
      %dma_start3A_592 = arith.constant 0 : i32
      %dma_start3A_593 = tpu.memref_slice %arg13[%dma_start3A_591, %dma_start3A_592] : memref<8x80xi32, #tpu.memory_space<vmem>> -> memref<1x80xi32, #tpu.memory_space<vmem>>
      %dma_start3A_594 = arith.constant 0 : i32
      %dma_start3A_595 = tpu.memref_slice %arg3[%dma_start3A_584, %add3A, %min3A_548, %dma_start3A_594] : memref<2x32x125x80xi32, #tpu.memory_space<hbm>> -> memref<1x1x1x80xi32, #tpu.memory_space<hbm>>
      %dma_start3A_596 = tpu.memref_squeeze %dma_start3A_595 : memref<1x1x1x80xi32, #tpu.memory_space<hbm>> -> memref<1x80xi32, #tpu.memory_space<hbm>>
      tpu.enqueue_dma source(%dma_start3A_596 : memref<1x80xi32, #tpu.memory_space<hbm>>) target(%dma_start3A_593 : memref<1x80xi32, #tpu.memory_space<vmem>>) target_semaphore(%arg30 : memref<!tpu.dma_semaphore, #tpu.memory_space<semaphore_mem>>)
      %dma_wait3A_597 = arith.constant 0 : i32
      %dma_wait3A_598 = arith.constant 0 : i32
      %dma_wait3A_599 = arith.constant 0 : i32
      %dma_wait3A_600 = tpu.memref_slice %arg9[%dma_wait3A_598, %dma_wait3A_599] : memref<8x80xi32, #tpu.memory_space<vmem>> -> memref<1x80xi32, #tpu.memory_space<vmem>>
      %dma_wait3A_601 = arith.constant 0 : i32
      %dma_wait3A_602 = arith.constant 0 : i32
      %dma_wait3A_603 = tpu.memref_slice %arg3[%dma_wait3A_597, %add3A, %dma_wait3A_601, %dma_wait3A_602] : memref<2x32x125x80xi32, #tpu.memory_space<hbm>> -> memref<1x1x1x80xi32, #tpu.memory_space<hbm>>
      %dma_wait3A_604 = tpu.memref_squeeze %dma_wait3A_603 : memref<1x1x1x80xi32, #tpu.memory_space<hbm>> -> memref<1x80xi32, #tpu.memory_space<hbm>>
      %dma_wait3A_605 = arith.constant 0 : i32
      %dma_wait3A_606 = arith.constant 0 : i32
      %dma_wait3A_607 = tpu.memref_slice %arg9[%dma_wait3A_605, %dma_wait3A_606] : memref<8x80xi32, #tpu.memory_space<vmem>> -> memref<1x80xi32, #tpu.memory_space<vmem>>
      %dma_wait3A_608 = arith.constant 0 : i32
      %dma_wait3A_609 = arith.constant 0 : i32
      %dma_wait3A_610 = tpu.memref_slice %arg3[%dma_wait3A_597, %add3A, %dma_wait3A_608, %dma_wait3A_609] : memref<2x32x125x80xi32, #tpu.memory_space<hbm>> -> memref<1x1x1x80xi32, #tpu.memory_space<hbm>>
      %dma_wait3A_611 = tpu.memref_squeeze %dma_wait3A_610 : memref<1x1x1x80xi32, #tpu.memory_space<hbm>> -> memref<1x80xi32, #tpu.memory_space<hbm>>
      tpu.wait_dma2 semaphore(%arg26 : memref<!tpu.dma_semaphore, #tpu.memory_space<semaphore_mem>>) src(%dma_wait3A_611 : memref<1x80xi32, #tpu.memory_space<hbm>>) dst(%dma_wait3A_607 : memref<1x80xi32, #tpu.memory_space<vmem>>)
      %dma_start3A_612 = arith.constant 0 : i32
      %dma_start3A_613 = arith.constant 0 : i32
      %dma_start3A_614 = tpu.memref_slice %arg9[%dma_start3A_612, %dma_start3A_613] : memref<8x80xi32, #tpu.memory_space<vmem>> -> memref<1x80xi32, #tpu.memory_space<vmem>>
      %dma_start3A_615 = tpu.memref_squeeze %dma_start3A_614 : memref<1x80xi32, #tpu.memory_space<vmem>> -> memref<80xi32, #tpu.memory_space<vmem>>
      %dma_start3A_616 = arith.constant 0 : i32
      %dma_start3A_617 = arith.constant 0 : i32
      %dma_start3A_618 = tpu.memref_slice %arg2[%dma_start3A_616, %dma_start3A_617] : memref<10000x128xf32, #tpu.memory_space<hbm>> -> memref<10000x128xf32, #tpu.memory_space<hbm>>
      tpu.enqueue_indirect_dma source(%dma_start3A_618 : memref<10000x128xf32, #tpu.memory_space<hbm>>) target(%arg17 : memref<80x128xf32, #tpu.memory_space<vmem>>) offsets(%dma_start3A_615 : memref<80xi32, #tpu.memory_space<vmem>>) semaphore(%arg22 : memref<!tpu.dma_semaphore, #tpu.memory_space<semaphore_mem>>)
    }
    %scan3A_218 = arith.constant 31 : i32
    %dma_wait3A_219 = arith.constant 0 : i32
    %dma_wait3A_220 = arith.constant 0 : i32
    %dma_wait3A_221 = tpu.memref_slice %arg2[%dma_wait3A_219, %dma_wait3A_220] : memref<10000x128xf32, #tpu.memory_space<hbm>> -> memref<80x128xf32, #tpu.memory_space<hbm>>
    %dma_wait3A_222 = arith.constant 0 : i32
    %dma_wait3A_223 = arith.constant 0 : i32
    %dma_wait3A_224 = tpu.memref_slice %arg2[%dma_wait3A_222, %dma_wait3A_223] : memref<10000x128xf32, #tpu.memory_space<hbm>> -> memref<80x128xf32, #tpu.memory_space<hbm>>
    tpu.wait_dma2 semaphore(%arg19 : memref<!tpu.dma_semaphore, #tpu.memory_space<semaphore_mem>>) src(%dma_wait3A_224 : memref<80x128xf32, #tpu.memory_space<hbm>>) dst(%arg14 : memref<80x128xf32, #tpu.memory_space<vmem>>)
    %dma_wait3A_225 = arith.constant 1 : i32
    %dma_wait3A_226 = arith.constant 0 : i32
    %dma_wait3A_227 = arith.constant 0 : i32
    %dma_wait3A_228 = tpu.memref_slice %arg10[%dma_wait3A_226, %dma_wait3A_227] : memref<8x80xi32, #tpu.memory_space<vmem>> -> memref<1x80xi32, #tpu.memory_space<vmem>>
    %dma_wait3A_229 = arith.constant 0 : i32
    %dma_wait3A_230 = arith.constant 0 : i32
    %dma_wait3A_231 = tpu.memref_slice %arg3[%dma_wait3A_225, %add3A, %dma_wait3A_229, %dma_wait3A_230] : memref<2x32x125x80xi32, #tpu.memory_space<hbm>> -> memref<1x1x1x80xi32, #tpu.memory_space<hbm>>
    %dma_wait3A_232 = tpu.memref_squeeze %dma_wait3A_231 : memref<1x1x1x80xi32, #tpu.memory_space<hbm>> -> memref<1x80xi32, #tpu.memory_space<hbm>>
    %dma_wait3A_233 = arith.constant 0 : i32
    %dma_wait3A_234 = arith.constant 0 : i32
    %dma_wait3A_235 = tpu.memref_slice %arg10[%dma_wait3A_233, %dma_wait3A_234] : memref<8x80xi32, #tpu.memory_space<vmem>> -> memref<1x80xi32, #tpu.memory_space<vmem>>
    %dma_wait3A_236 = arith.constant 0 : i32
    %dma_wait3A_237 = arith.constant 0 : i32
    %dma_wait3A_238 = tpu.memref_slice %arg3[%dma_wait3A_225, %add3A, %dma_wait3A_236, %dma_wait3A_237] : memref<2x32x125x80xi32, #tpu.memory_space<hbm>> -> memref<1x1x1x80xi32, #tpu.memory_space<hbm>>
    %dma_wait3A_239 = tpu.memref_squeeze %dma_wait3A_238 : memref<1x1x1x80xi32, #tpu.memory_space<hbm>> -> memref<1x80xi32, #tpu.memory_space<hbm>>
    tpu.wait_dma2 semaphore(%arg27 : memref<!tpu.dma_semaphore, #tpu.memory_space<semaphore_mem>>) src(%dma_wait3A_239 : memref<1x80xi32, #tpu.memory_space<hbm>>) dst(%dma_wait3A_235 : memref<1x80xi32, #tpu.memory_space<vmem>>)
    %run_scoped3A = arith.constant 0 : i32
    "tpu.region"() ({
      %run_scoped3A_313 = tpu.sem_alloc : memref<!tpu.dma_semaphore, #tpu.memory_space<semaphore_mem>>
      %dma_start3A_314 = arith.constant 0 : i32
      %dma_start3A_315 = tpu.memref_slice %arg10[%run_scoped3A, %dma_start3A_314] : memref<8x80xi32, #tpu.memory_space<vmem>> -> memref<1x80xi32, #tpu.memory_space<vmem>>
      %dma_start3A_316 = tpu.memref_squeeze %dma_start3A_315 : memref<1x80xi32, #tpu.memory_space<vmem>> -> memref<80xi32, #tpu.memory_space<vmem>>
      %dma_start3A_317 = arith.constant 0 : i32
      %dma_start3A_318 = arith.constant 0 : i32
      %dma_start3A_319 = tpu.memref_slice %arg18[%dma_start3A_317, %dma_start3A_318] : memref<10000x128xf32, #tpu.memory_space<vmem_shared>> -> memref<10000x128xf32, #tpu.memory_space<vmem_shared>>
      tpu.enqueue_indirect_dma source(%arg14 : memref<80x128xf32, #tpu.memory_space<vmem>>) target(%dma_start3A_319 : memref<10000x128xf32, #tpu.memory_space<vmem_shared>>) offsets(%dma_start3A_316 : memref<80xi32, #tpu.memory_space<vmem>>) semaphore(%run_scoped3A_313 : memref<!tpu.dma_semaphore, #tpu.memory_space<semaphore_mem>>) {add = true}
      %dma_wait3A_320 = arith.constant 0 : i32
      %dma_wait3A_321 = tpu.memref_slice %arg10[%run_scoped3A, %dma_wait3A_320] : memref<8x80xi32, #tpu.memory_space<vmem>> -> memref<1x80xi32, #tpu.memory_space<vmem>>
      %dma_wait3A_322 = tpu.memref_squeeze %dma_wait3A_321 : memref<1x80xi32, #tpu.memory_space<vmem>> -> memref<80xi32, #tpu.memory_space<vmem>>
      %dma_wait3A_323 = arith.constant 0 : i32
      %dma_wait3A_324 = arith.constant 0 : i32
      %dma_wait3A_325 = tpu.memref_slice %arg18[%dma_wait3A_323, %dma_wait3A_324] : memref<10000x128xf32, #tpu.memory_space<vmem_shared>> -> memref<10000x128xf32, #tpu.memory_space<vmem_shared>>
      tpu.wait_indirect_dma semaphore(%run_scoped3A_313 : memref<!tpu.dma_semaphore, #tpu.memory_space<semaphore_mem>>) src(%arg14 : memref<80x128xf32, #tpu.memory_space<vmem>>) dst(%dma_wait3A_325 : memref<10000x128xf32, #tpu.memory_space<vmem_shared>>)
      tpu.yield
    }) : () -> ()
    %dma_wait3A_240 = arith.constant 0 : i32
    %dma_wait3A_241 = arith.constant 0 : i32
    %dma_wait3A_242 = tpu.memref_slice %arg2[%dma_wait3A_240, %dma_wait3A_241] : memref<10000x128xf32, #tpu.memory_space<hbm>> -> memref<80x128xf32, #tpu.memory_space<hbm>>
    %dma_wait3A_243 = arith.constant 0 : i32
    %dma_wait3A_244 = arith.constant 0 : i32
    %dma_wait3A_245 = tpu.memref_slice %arg2[%dma_wait3A_243, %dma_wait3A_244] : memref<10000x128xf32, #tpu.memory_space<hbm>> -> memref<80x128xf32, #tpu.memory_space<hbm>>
    tpu.wait_dma2 semaphore(%arg20 : memref<!tpu.dma_semaphore, #tpu.memory_space<semaphore_mem>>) src(%dma_wait3A_245 : memref<80x128xf32, #tpu.memory_space<hbm>>) dst(%arg15 : memref<80x128xf32, #tpu.memory_space<vmem>>)
    %dma_wait3A_246 = arith.constant 1 : i32
    %dma_wait3A_247 = arith.constant 0 : i32
    %dma_wait3A_248 = arith.constant 0 : i32
    %dma_wait3A_249 = tpu.memref_slice %arg11[%dma_wait3A_247, %dma_wait3A_248] : memref<8x80xi32, #tpu.memory_space<vmem>> -> memref<1x80xi32, #tpu.memory_space<vmem>>
    %dma_wait3A_250 = arith.constant 0 : i32
    %dma_wait3A_251 = arith.constant 0 : i32
    %dma_wait3A_252 = tpu.memref_slice %arg3[%dma_wait3A_246, %add3A, %dma_wait3A_250, %dma_wait3A_251] : memref<2x32x125x80xi32, #tpu.memory_space<hbm>> -> memref<1x1x1x80xi32, #tpu.memory_space<hbm>>
    %dma_wait3A_253 = tpu.memref_squeeze %dma_wait3A_252 : memref<1x1x1x80xi32, #tpu.memory_space<hbm>> -> memref<1x80xi32, #tpu.memory_space<hbm>>
    %dma_wait3A_254 = arith.constant 0 : i32
    %dma_wait3A_255 = arith.constant 0 : i32
    %dma_wait3A_256 = tpu.memref_slice %arg11[%dma_wait3A_254, %dma_wait3A_255] : memref<8x80xi32, #tpu.memory_space<vmem>> -> memref<1x80xi32, #tpu.memory_space<vmem>>
    %dma_wait3A_257 = arith.constant 0 : i32
    %dma_wait3A_258 = arith.constant 0 : i32
    %dma_wait3A_259 = tpu.memref_slice %arg3[%dma_wait3A_246, %add3A, %dma_wait3A_257, %dma_wait3A_258] : memref<2x32x125x80xi32, #tpu.memory_space<hbm>> -> memref<1x1x1x80xi32, #tpu.memory_space<hbm>>
    %dma_wait3A_260 = tpu.memref_squeeze %dma_wait3A_259 : memref<1x1x1x80xi32, #tpu.memory_space<hbm>> -> memref<1x80xi32, #tpu.memory_space<hbm>>
    tpu.wait_dma2 semaphore(%arg28 : memref<!tpu.dma_semaphore, #tpu.memory_space<semaphore_mem>>) src(%dma_wait3A_260 : memref<1x80xi32, #tpu.memory_space<hbm>>) dst(%dma_wait3A_256 : memref<1x80xi32, #tpu.memory_space<vmem>>)
    %dma_wait3A_261 = arith.constant 0 : i32
    %dma_wait3A_262 = arith.constant 0 : i32
    %dma_wait3A_263 = tpu.memref_slice %arg2[%dma_wait3A_261, %dma_wait3A_262] : memref<10000x128xf32, #tpu.memory_space<hbm>> -> memref<80x128xf32, #tpu.memory_space<hbm>>
    %dma_wait3A_264 = arith.constant 0 : i32
    %dma_wait3A_265 = arith.constant 0 : i32
    %dma_wait3A_266 = tpu.memref_slice %arg2[%dma_wait3A_264, %dma_wait3A_265] : memref<10000x128xf32, #tpu.memory_space<hbm>> -> memref<80x128xf32, #tpu.memory_space<hbm>>
    tpu.wait_dma2 semaphore(%arg21 : memref<!tpu.dma_semaphore, #tpu.memory_space<semaphore_mem>>) src(%dma_wait3A_266 : memref<80x128xf32, #tpu.memory_space<hbm>>) dst(%arg16 : memref<80x128xf32, #tpu.memory_space<vmem>>)
    %dma_wait3A_267 = arith.constant 1 : i32
    %dma_wait3A_268 = arith.constant 0 : i32
    %dma_wait3A_269 = arith.constant 0 : i32
    %dma_wait3A_270 = tpu.memref_slice %arg12[%dma_wait3A_268, %dma_wait3A_269] : memref<8x80xi32, #tpu.memory_space<vmem>> -> memref<1x80xi32, #tpu.memory_space<vmem>>
    %dma_wait3A_271 = arith.constant 0 : i32
    %dma_wait3A_272 = arith.constant 0 : i32
    %dma_wait3A_273 = tpu.memref_slice %arg3[%dma_wait3A_267, %add3A, %dma_wait3A_271, %dma_wait3A_272] : memref<2x32x125x80xi32, #tpu.memory_space<hbm>> -> memref<1x1x1x80xi32, #tpu.memory_space<hbm>>
    %dma_wait3A_274 = tpu.memref_squeeze %dma_wait3A_273 : memref<1x1x1x80xi32, #tpu.memory_space<hbm>> -> memref<1x80xi32, #tpu.memory_space<hbm>>
    %dma_wait3A_275 = arith.constant 0 : i32
    %dma_wait3A_276 = arith.constant 0 : i32
    %dma_wait3A_277 = tpu.memref_slice %arg12[%dma_wait3A_275, %dma_wait3A_276] : memref<8x80xi32, #tpu.memory_space<vmem>> -> memref<1x80xi32, #tpu.memory_space<vmem>>
    %dma_wait3A_278 = arith.constant 0 : i32
    %dma_wait3A_279 = arith.constant 0 : i32
    %dma_wait3A_280 = tpu.memref_slice %arg3[%dma_wait3A_267, %add3A, %dma_wait3A_278, %dma_wait3A_279] : memref<2x32x125x80xi32, #tpu.memory_space<hbm>> -> memref<1x1x1x80xi32, #tpu.memory_space<hbm>>
    %dma_wait3A_281 = tpu.memref_squeeze %dma_wait3A_280 : memref<1x1x1x80xi32, #tpu.memory_space<hbm>> -> memref<1x80xi32, #tpu.memory_space<hbm>>
    tpu.wait_dma2 semaphore(%arg29 : memref<!tpu.dma_semaphore, #tpu.memory_space<semaphore_mem>>) src(%dma_wait3A_281 : memref<1x80xi32, #tpu.memory_space<hbm>>) dst(%dma_wait3A_277 : memref<1x80xi32, #tpu.memory_space<vmem>>)
    %dma_wait3A_282 = arith.constant 0 : i32
    %dma_wait3A_283 = arith.constant 0 : i32
    %dma_wait3A_284 = tpu.memref_slice %arg2[%dma_wait3A_282, %dma_wait3A_283] : memref<10000x128xf32, #tpu.memory_space<hbm>> -> memref<80x128xf32, #tpu.memory_space<hbm>>
    %dma_wait3A_285 = arith.constant 0 : i32
    %dma_wait3A_286 = arith.constant 0 : i32
    %dma_wait3A_287 = tpu.memref_slice %arg2[%dma_wait3A_285, %dma_wait3A_286] : memref<10000x128xf32, #tpu.memory_space<hbm>> -> memref<80x128xf32, #tpu.memory_space<hbm>>
    tpu.wait_dma2 semaphore(%arg22 : memref<!tpu.dma_semaphore, #tpu.memory_space<semaphore_mem>>) src(%dma_wait3A_287 : memref<80x128xf32, #tpu.memory_space<hbm>>) dst(%arg17 : memref<80x128xf32, #tpu.memory_space<vmem>>)
    %dma_wait3A_288 = arith.constant 1 : i32
    %dma_wait3A_289 = arith.constant 0 : i32
    %dma_wait3A_290 = arith.constant 0 : i32
    %dma_wait3A_291 = tpu.memref_slice %arg13[%dma_wait3A_289, %dma_wait3A_290] : memref<8x80xi32, #tpu.memory_space<vmem>> -> memref<1x80xi32, #tpu.memory_space<vmem>>
    %dma_wait3A_292 = arith.constant 0 : i32
    %dma_wait3A_293 = arith.constant 0 : i32
    %dma_wait3A_294 = tpu.memref_slice %arg3[%dma_wait3A_288, %add3A, %dma_wait3A_292, %dma_wait3A_293] : memref<2x32x125x80xi32, #tpu.memory_space<hbm>> -> memref<1x1x1x80xi32, #tpu.memory_space<hbm>>
    %dma_wait3A_295 = tpu.memref_squeeze %dma_wait3A_294 : memref<1x1x1x80xi32, #tpu.memory_space<hbm>> -> memref<1x80xi32, #tpu.memory_space<hbm>>
    %dma_wait3A_296 = arith.constant 0 : i32
    %dma_wait3A_297 = arith.constant 0 : i32
    %dma_wait3A_298 = tpu.memref_slice %arg13[%dma_wait3A_296, %dma_wait3A_297] : memref<8x80xi32, #tpu.memory_space<vmem>> -> memref<1x80xi32, #tpu.memory_space<vmem>>
    %dma_wait3A_299 = arith.constant 0 : i32
    %dma_wait3A_300 = arith.constant 0 : i32
    %dma_wait3A_301 = tpu.memref_slice %arg3[%dma_wait3A_288, %add3A, %dma_wait3A_299, %dma_wait3A_300] : memref<2x32x125x80xi32, #tpu.memory_space<hbm>> -> memref<1x1x1x80xi32, #tpu.memory_space<hbm>>
    %dma_wait3A_302 = tpu.memref_squeeze %dma_wait3A_301 : memref<1x1x1x80xi32, #tpu.memory_space<hbm>> -> memref<1x80xi32, #tpu.memory_space<hbm>>
    tpu.wait_dma2 semaphore(%arg30 : memref<!tpu.dma_semaphore, #tpu.memory_space<semaphore_mem>>) src(%dma_wait3A_302 : memref<1x80xi32, #tpu.memory_space<hbm>>) dst(%dma_wait3A_298 : memref<1x80xi32, #tpu.memory_space<vmem>>)
    %barrier3A_303 = arith.constant 0 : index
    tpu.barrier barrier_id(%barrier3A_303)
    %mul3A_304 = arith.constant 624 : i32
    %mul3A_305 = arith.muli %arg1, %mul3A_304 : i32
    %mul3A_306 = arith.constant 624 : i32
    %mul3A_307 = arith.muli %arg1, %mul3A_306 : i32
    "tpu.region"() ({
      %run_scoped3A_313 = tpu.sem_alloc : memref<!tpu.dma_semaphore, #tpu.memory_space<semaphore_mem>>
      %dma_start3A_314 = arith.constant 0 : i32
      %dma_start3A_315 = tpu.memref_slice %arg5[%arg0, %mul3A_307, %dma_start3A_314] : memref<2x10000x128xf32, #tpu.memory_space<hbm>> -> memref<1x624x128xf32, #tpu.memory_space<hbm>>
      %dma_start3A_316 = tpu.memref_squeeze %dma_start3A_315 : memref<1x624x128xf32, #tpu.memory_space<hbm>> -> memref<624x128xf32, #tpu.memory_space<hbm>>
      %dma_start3A_317 = arith.constant 0 : i32
      %dma_start3A_318 = tpu.memref_slice %arg18[%mul3A_305, %dma_start3A_317] : memref<10000x128xf32, #tpu.memory_space<vmem_shared>> -> memref<624x128xf32, #tpu.memory_space<vmem_shared>>
      tpu.enqueue_dma source(%dma_start3A_318 : memref<624x128xf32, #tpu.memory_space<vmem_shared>>) target(%dma_start3A_316 : memref<624x128xf32, #tpu.memory_space<hbm>>) target_semaphore(%run_scoped3A_313 : memref<!tpu.dma_semaphore, #tpu.memory_space<semaphore_mem>>)
      %dma_wait3A_319 = arith.constant 0 : i32
      %dma_wait3A_320 = tpu.memref_slice %arg5[%arg0, %mul3A_307, %dma_wait3A_319] : memref<2x10000x128xf32, #tpu.memory_space<hbm>> -> memref<1x624x128xf32, #tpu.memory_space<hbm>>
      %dma_wait3A_321 = tpu.memref_squeeze %dma_wait3A_320 : memref<1x624x128xf32, #tpu.memory_space<hbm>> -> memref<624x128xf32, #tpu.memory_space<hbm>>
      %dma_wait3A_322 = arith.constant 0 : i32
      %dma_wait3A_323 = tpu.memref_slice %arg18[%mul3A_305, %dma_wait3A_322] : memref<10000x128xf32, #tpu.memory_space<vmem_shared>> -> memref<624x128xf32, #tpu.memory_space<vmem_shared>>
      tpu.wait_dma2 semaphore(%run_scoped3A_313 : memref<!tpu.dma_semaphore, #tpu.memory_space<semaphore_mem>>) src(%dma_wait3A_323 : memref<624x128xf32, #tpu.memory_space<vmem_shared>>) dst(%dma_wait3A_321 : memref<624x128xf32, #tpu.memory_space<hbm>>)
      tpu.yield
    }) : () -> ()
    %eq3A_308 = arith.constant 0 : i32
    %eq3A_309 = arith.cmpi eq, %arg1, %eq3A_308 : i32
    %convert_element_type3A_310 = arith.extui %eq3A_309 : i1 to i32
    %cond3A_311 = arith.constant 0 : i32
    %cond3A_312 = arith.cmpi ne, %convert_element_type3A_310, %cond3A_311 : i32
    scf.if %cond3A_312 {
      "tpu.region"() ({
        %run_scoped3A_313 = tpu.sem_alloc : memref<!tpu.dma_semaphore, #tpu.memory_space<semaphore_mem>>
        %dma_start3A_314 = arith.constant 9984 : i32
        %dma_start3A_315 = arith.constant 0 : i32
        %dma_start3A_316 = tpu.memref_slice %arg5[%arg0, %dma_start3A_314, %dma_start3A_315] : memref<2x10000x128xf32, #tpu.memory_space<hbm>> -> memref<1x16x128xf32, #tpu.memory_space<hbm>>
        %dma_start3A_317 = tpu.memref_squeeze %dma_start3A_316 : memref<1x16x128xf32, #tpu.memory_space<hbm>> -> memref<16x128xf32, #tpu.memory_space<hbm>>
        %dma_start3A_318 = arith.constant 9984 : i32
        %dma_start3A_319 = arith.constant 0 : i32
        %dma_start3A_320 = tpu.memref_slice %arg18[%dma_start3A_318, %dma_start3A_319] : memref<10000x128xf32, #tpu.memory_space<vmem_shared>> -> memref<16x128xf32, #tpu.memory_space<vmem_shared>>
        tpu.enqueue_dma source(%dma_start3A_320 : memref<16x128xf32, #tpu.memory_space<vmem_shared>>) target(%dma_start3A_317 : memref<16x128xf32, #tpu.memory_space<hbm>>) target_semaphore(%run_scoped3A_313 : memref<!tpu.dma_semaphore, #tpu.memory_space<semaphore_mem>>)
        %dma_wait3A_321 = arith.constant 9984 : i32
        %dma_wait3A_322 = arith.constant 0 : i32
        %dma_wait3A_323 = tpu.memref_slice %arg5[%arg0, %dma_wait3A_321, %dma_wait3A_322] : memref<2x10000x128xf32, #tpu.memory_space<hbm>> -> memref<1x16x128xf32, #tpu.memory_space<hbm>>
        %dma_wait3A_324 = tpu.memref_squeeze %dma_wait3A_323 : memref<1x16x128xf32, #tpu.memory_space<hbm>> -> memref<16x128xf32, #tpu.memory_space<hbm>>
        %dma_wait3A_325 = arith.constant 9984 : i32
        %dma_wait3A_326 = arith.constant 0 : i32
        %dma_wait3A_327 = tpu.memref_slice %arg18[%dma_wait3A_325, %dma_wait3A_326] : memref<10000x128xf32, #tpu.memory_space<vmem_shared>> -> memref<16x128xf32, #tpu.memory_space<vmem_shared>>
        tpu.wait_dma2 semaphore(%run_scoped3A_313 : memref<!tpu.dma_semaphore, #tpu.memory_space<semaphore_mem>>) src(%dma_wait3A_327 : memref<16x128xf32, #tpu.memory_space<vmem_shared>>) dst(%dma_wait3A_324 : memref<16x128xf32, #tpu.memory_space<hbm>>)
        tpu.yield
      }) : () -> ()
    } else {
    }
    return
  }
}

module attributes {stable_mosaic.version = 14 : i64} {
  func.func @_mlp_body(%arg0: memref<2x10000x128xf32, #tpu.memory_space<vmem>>, %arg1: memref<128x128xf32, #tpu.memory_space<vmem>>, %arg2: memref<1x128xf32, #tpu.memory_space<vmem>>, %arg3: memref<1x128xf32, #tpu.memory_space<vmem>>, %arg4: memref<1x128xf32, #tpu.memory_space<vmem>>, %arg5: memref<10000x128xf32, #tpu.memory_space<vmem>>) attributes {dimension_semantics = [], scalar_prefetch = 0 : i64, scratch_operands = 0 : i64, tpu.core_type = #tpu.core_type<tc>} {
    %get3A = arith.constant 0 : index
    %get3A_0 = arith.constant 0 : index
    %get3A_1 = arith.constant 0 : index
    %get3A_2 = vector.load %arg0[%get3A, %get3A_0, %get3A_1] : memref<2x10000x128xf32, #tpu.memory_space<vmem>>, vector<1x10000x128xf32>
    %get3A_3 = vector.shape_cast %get3A_2 : vector<1x10000x128xf32> to vector<10000x128xf32>
    %get3A_4 = arith.constant 1 : index
    %get3A_5 = arith.constant 0 : index
    %get3A_6 = arith.constant 0 : index
    %get3A_7 = vector.load %arg0[%get3A_4, %get3A_5, %get3A_6] : memref<2x10000x128xf32, #tpu.memory_space<vmem>>, vector<1x10000x128xf32>
    %get3A_8 = vector.shape_cast %get3A_7 : vector<1x10000x128xf32> to vector<10000x128xf32>
    %add3A = arith.addf %get3A_3, %get3A_8 : vector<10000x128xf32>
    %get3A_9 = arith.constant 0 : index
    %get3A_10 = arith.constant 0 : index
    %get3A_11 = vector.load %arg1[%get3A_9, %get3A_10] : memref<128x128xf32, #tpu.memory_space<vmem>>, vector<128x128xf32>
    %dot_general3A = arith.constant dense<0.000000e+00> : vector<10000x128xf32>
    %dot_general3A_12 = tpu.matmul %add3A, %get3A_11, %dot_general3A {dimension_numbers = #tpu.dot_dimension_numbers<[1], [1], [0], [0], [0, 0, 1, 0], [], []>, transpose_lhs_hint = false} : vector<10000x128xf32>, vector<128x128xf32>, vector<10000x128xf32> -> vector<10000x128xf32>
    %get3A_13 = arith.constant 0 : index
    %get3A_14 = arith.constant 0 : index
    %get3A_15 = vector.load %arg2[%get3A_13, %get3A_14] : memref<1x128xf32, #tpu.memory_space<vmem>>, vector<1x128xf32>
    %add3A_16 = vector.broadcast %get3A_15 : vector<1x128xf32> to vector<10000x128xf32>
    %add3A_17 = arith.addf %dot_general3A_12, %add3A_16 : vector<10000x128xf32>
    %max3A = arith.constant 0.000000e+00 : f32
    %max3A_18 = vector.broadcast %max3A : f32 to vector<10000x128xf32>
    %max3A_19 = arith.maximumf %add3A_17, %max3A_18 : vector<10000x128xf32>
    %reduce_sum3A = arith.constant dense<0.000000e+00> : vector<128xf32>
    %reduce_sum3A_20 = vector.multi_reduction <add>, %max3A_19, %reduce_sum3A [0] : vector<10000x128xf32> to vector<128xf32>
    %broadcast_in_dim3A = vector.shape_cast %reduce_sum3A_20 : vector<128xf32> to vector<1x128xf32>
    %div3A = arith.constant 1.000000e+04 : f32
    %div3A_21 = vector.broadcast %div3A : f32 to vector<1x128xf32>
    %div3A_22 = arith.divf %broadcast_in_dim3A, %div3A_21 : vector<1x128xf32>
    %sub3A = vector.broadcast %div3A_22 : vector<1x128xf32> to vector<10000x128xf32>
    %sub3A_23 = arith.subf %max3A_19, %sub3A : vector<10000x128xf32>
    %mul3A = arith.mulf %sub3A_23, %sub3A_23 : vector<10000x128xf32>
    %reduce_sum3A_24 = arith.constant dense<0.000000e+00> : vector<128xf32>
    %reduce_sum3A_25 = vector.multi_reduction <add>, %mul3A, %reduce_sum3A_24 [0] : vector<10000x128xf32> to vector<128xf32>
    %broadcast_in_dim3A_26 = vector.shape_cast %reduce_sum3A_25 : vector<128xf32> to vector<1x128xf32>
    %div3A_27 = arith.constant 1.000000e+04 : f32
    %div3A_28 = vector.broadcast %div3A_27 : f32 to vector<1x128xf32>
    %div3A_29 = arith.divf %broadcast_in_dim3A_26, %div3A_28 : vector<1x128xf32>
    %add3A_30 = arith.constant 9.99999974E-6 : f32
    %add3A_31 = vector.broadcast %add3A_30 : f32 to vector<1x128xf32>
    %add3A_32 = arith.addf %div3A_29, %add3A_31 : vector<1x128xf32>
    %rsqrt3A = math.rsqrt %add3A_32 : vector<1x128xf32>
    %mul3A_33 = vector.broadcast %rsqrt3A : vector<1x128xf32> to vector<10000x128xf32>
    %mul3A_34 = arith.mulf %sub3A_23, %mul3A_33 : vector<10000x128xf32>
    %get3A_35 = arith.constant 0 : index
    %get3A_36 = arith.constant 0 : index
    %get3A_37 = vector.load %arg3[%get3A_35, %get3A_36] : memref<1x128xf32, #tpu.memory_space<vmem>>, vector<1x128xf32>
    %mul3A_38 = vector.broadcast %get3A_37 : vector<1x128xf32> to vector<10000x128xf32>
    %mul3A_39 = arith.mulf %mul3A_34, %mul3A_38 : vector<10000x128xf32>
    %get3A_40 = arith.constant 0 : index
    %get3A_41 = arith.constant 0 : index
    %get3A_42 = vector.load %arg4[%get3A_40, %get3A_41] : memref<1x128xf32, #tpu.memory_space<vmem>>, vector<1x128xf32>
    %add3A_43 = vector.broadcast %get3A_42 : vector<1x128xf32> to vector<10000x128xf32>
    %add3A_44 = arith.addf %mul3A_39, %add3A_43 : vector<10000x128xf32>
    %swap3A = arith.constant 0 : index
    %swap3A_45 = arith.constant 0 : index
    %swap3A_46 = vector.load %arg5[%swap3A, %swap3A_45] : memref<10000x128xf32, #tpu.memory_space<vmem>>, vector<10000x128xf32>
    tpu.vector_store %arg5[%swap3A, %swap3A_45], %add3A_44 {strides = array<i32>} : memref<10000x128xf32, #tpu.memory_space<vmem>>, vector<10000x128xf32>,
    return
  }
}

module attributes {stable_mosaic.version = 14 : i64} {
  func.func @_mlp_body(%arg0: memref<2x10000x128xf32, #tpu.memory_space<vmem>>, %arg1: memref<128x128xf32, #tpu.memory_space<vmem>>, %arg2: memref<1x128xf32, #tpu.memory_space<vmem>>, %arg3: memref<1x128xf32, #tpu.memory_space<vmem>>, %arg4: memref<1x128xf32, #tpu.memory_space<vmem>>, %arg5: memref<10000x128xf32, #tpu.memory_space<vmem>>) attributes {dimension_semantics = [], scalar_prefetch = 0 : i64, scratch_operands = 0 : i64, tpu.core_type = #tpu.core_type<tc>} {
    %get3A = arith.constant 0 : index
    %get3A_0 = arith.constant 0 : index
    %get3A_1 = arith.constant 0 : index
    %get3A_2 = vector.load %arg0[%get3A, %get3A_0, %get3A_1] : memref<2x10000x128xf32, #tpu.memory_space<vmem>>, vector<1x10000x128xf32>
    %get3A_3 = vector.shape_cast %get3A_2 : vector<1x10000x128xf32> to vector<10000x128xf32>
    %get3A_4 = arith.constant 1 : index
    %get3A_5 = arith.constant 0 : index
    %get3A_6 = arith.constant 0 : index
    %get3A_7 = vector.load %arg0[%get3A_4, %get3A_5, %get3A_6] : memref<2x10000x128xf32, #tpu.memory_space<vmem>>, vector<1x10000x128xf32>
    %get3A_8 = vector.shape_cast %get3A_7 : vector<1x10000x128xf32> to vector<10000x128xf32>
    %add3A = arith.addf %get3A_3, %get3A_8 : vector<10000x128xf32>
    %get3A_9 = arith.constant 0 : index
    %get3A_10 = arith.constant 0 : index
    %get3A_11 = vector.load %arg1[%get3A_9, %get3A_10] : memref<128x128xf32, #tpu.memory_space<vmem>>, vector<128x128xf32>
    %dot_general3A = arith.constant dense<0.000000e+00> : vector<10000x128xf32>
    %dot_general3A_12 = tpu.matmul %add3A, %get3A_11, %dot_general3A {dimension_numbers = #tpu.dot_dimension_numbers<[1], [1], [0], [0], [0, 0, 1, 0], [], []>, transpose_lhs_hint = false} : vector<10000x128xf32>, vector<128x128xf32>, vector<10000x128xf32> -> vector<10000x128xf32>
    %get3A_13 = arith.constant 0 : index
    %get3A_14 = arith.constant 0 : index
    %get3A_15 = vector.load %arg2[%get3A_13, %get3A_14] : memref<1x128xf32, #tpu.memory_space<vmem>>, vector<1x128xf32>
    %add3A_16 = vector.broadcast %get3A_15 : vector<1x128xf32> to vector<10000x128xf32>
    %add3A_17 = arith.addf %dot_general3A_12, %add3A_16 : vector<10000x128xf32>
    %max3A = arith.constant 0.000000e+00 : f32
    %max3A_18 = vector.broadcast %max3A : f32 to vector<10000x128xf32>
    %max3A_19 = arith.maximumf %add3A_17, %max3A_18 : vector<10000x128xf32>
    %reduce_sum3A = arith.constant dense<0.000000e+00> : vector<128xf32>
    %reduce_sum3A_20 = vector.multi_reduction <add>, %max3A_19, %reduce_sum3A [0] : vector<10000x128xf32> to vector<128xf32>
    %broadcast_in_dim3A = vector.shape_cast %reduce_sum3A_20 : vector<128xf32> to vector<1x128xf32>
    %div3A = arith.constant 1.000000e+04 : f32
    %div3A_21 = vector.broadcast %div3A : f32 to vector<1x128xf32>
    %div3A_22 = arith.divf %broadcast_in_dim3A, %div3A_21 : vector<1x128xf32>
    %sub3A = vector.broadcast %div3A_22 : vector<1x128xf32> to vector<10000x128xf32>
    %sub3A_23 = arith.subf %max3A_19, %sub3A : vector<10000x128xf32>
    %mul3A = arith.mulf %sub3A_23, %sub3A_23 : vector<10000x128xf32>
    %reduce_sum3A_24 = arith.constant dense<0.000000e+00> : vector<128xf32>
    %reduce_sum3A_25 = vector.multi_reduction <add>, %mul3A, %reduce_sum3A_24 [0] : vector<10000x128xf32> to vector<128xf32>
    %broadcast_in_dim3A_26 = vector.shape_cast %reduce_sum3A_25 : vector<128xf32> to vector<1x128xf32>
    %div3A_27 = arith.constant 1.000000e+04 : f32
    %div3A_28 = vector.broadcast %div3A_27 : f32 to vector<1x128xf32>
    %div3A_29 = arith.divf %broadcast_in_dim3A_26, %div3A_28 : vector<1x128xf32>
    %add3A_30 = arith.constant 9.99999974E-6 : f32
    %add3A_31 = vector.broadcast %add3A_30 : f32 to vector<1x128xf32>
    %add3A_32 = arith.addf %div3A_29, %add3A_31 : vector<1x128xf32>
    %rsqrt3A = math.rsqrt %add3A_32 : vector<1x128xf32>
    %mul3A_33 = vector.broadcast %rsqrt3A : vector<1x128xf32> to vector<10000x128xf32>
    %mul3A_34 = arith.mulf %sub3A_23, %mul3A_33 : vector<10000x128xf32>
    %get3A_35 = arith.constant 0 : index
    %get3A_36 = arith.constant 0 : index
    %get3A_37 = vector.load %arg3[%get3A_35, %get3A_36] : memref<1x128xf32, #tpu.memory_space<vmem>>, vector<1x128xf32>
    %mul3A_38 = vector.broadcast %get3A_37 : vector<1x128xf32> to vector<10000x128xf32>
    %mul3A_39 = arith.mulf %mul3A_34, %mul3A_38 : vector<10000x128xf32>
    %get3A_40 = arith.constant 0 : index
    %get3A_41 = arith.constant 0 : index
    %get3A_42 = vector.load %arg4[%get3A_40, %get3A_41] : memref<1x128xf32, #tpu.memory_space<vmem>>, vector<1x128xf32>
    %add3A_43 = vector.broadcast %get3A_42 : vector<1x128xf32> to vector<10000x128xf32>
    %add3A_44 = arith.addf %mul3A_39, %add3A_43 : vector<10000x128xf32>
    %swap3A = arith.constant 0 : index
    %swap3A_45 = arith.constant 0 : index
    %swap3A_46 = vector.load %arg5[%swap3A, %swap3A_45] : memref<10000x128xf32, #tpu.memory_space<vmem>>, vector<10000x128xf32>
    tpu.vector_store %arg5[%swap3A, %swap3A_45], %add3A_44 {strides = array<i32>} : memref<10000x128xf32, #tpu.memory_space<vmem>>, vector<10000x128xf32>,
    return
  }
}

</mosaic_0001>

<sc_bundles>
// kernel: kernel.6.cloned.1.call-start
scs
__scs_entry_jumppad:
0x0: {  	(pc) =	sbr.rel $0x88, $3  }
0x1: {  	(tag) =	ssettag $0x0;
	lr =	simm.s32 $0x1  }
0x2: {  	[smem:$0x3F97] =	sst lr;
	_ =	strace $0xD0000000  }
0x3: {  	_ = 	snop  }
0x4: {  	_ = 	snop  }
0x5: {  	_ = 	snop  }
0x6: {  	_ = 	snop  }
0x7: {  	_ = 	snop  }
__scs_overlays_trampoline_lowered:
0x8: {  	[smem:$0x3FA6] =	sst s0  }
0x9: {  	[smem:$0x3FA7] =	sst s1  }
0xa: {  	[smem:$0x3FA8] =	sst s2  }
0xb: {  	[smem:$0x3FA9] =	sst s3  }
0xc: {  	[smem:$0x3FAA] =	sst s4  }
0xd: {  	[smem:$0x3FAB] =	sst s5  }
0xe: {  	[smem:$0x3FAC] =	sst s6  }
0xf: {  	[smem:$0x3FAD] =	sst s7  }
0x10: {  	[smem:$0x3FAE] =	sst s8  }
0x11: {  	[smem:$0x3FAF] =	sst s9;
	s0 =	simm.s32 @!p0 $0x0  }
0x12: {  	s1 =	sld [smem:$0x3F95];
	s0 =	simm.s32 @p0 $0x1  }
0x13: {  	[smem:$0x3FB0] =	sst s0;
	s0 =	simm.s32 @!p1 $0x0  }
0x14: {  	s2 =	sld [smem:$0x3F94];
	s0 =	simm.s32 @p1 $0x1  }
0x15: {  	[smem:$0x3FB1] =	sst s0;
	s0 =	simm.s32 @!p2 $0x0  }
0x16: {  	s3 =	sld [smem:$0x3FDB];
	s0 =	simm.s32 @p2 $0x1  }
0x17: {  	s4 =	simm.s32 $0x1BF5;
	[smem:$0x3FB3] =	sst s0  }
0x18: {  	s0 =	sld [smem:$0x3F96];
	_ =	swait.ge [sflag:s4], $0x0  }
0x19: {  	s7 =	sld [smem:$0x3F97]  }
0x1a: {  	s8 =	sadd.s32 $0xFFFFE003, lr  }
0x1b: {  	s9 =	sadd.s32 $0xFFFFFEF7, lr;
	s5 =	simm.s32 $0xFFFFFFFF;
	p2 =	slt.u32 s8, $0xFFFFF086  }
0x1c: {  	p1 =	slt.u32 s9, $0xF7A;
	s5 =	simm.s32 @!p2 $0x0  }
0x1d: {  	s5 =	simm.s32 @p1 $0x1;
	p0 =	seq.s32 s7, s2  }
0x1e: {  	s7 =	smul.u32 @!p0 $0xF7A, s2;
	p2 =	seq.s32 @!p0 s5, $0x0  }
0x1f: {  	s9 =	smul.u32 $0xF7A, s1;
	s8 =	simm.s32 @!p0 $0x1BF5;
	p2 =	por !p2, p0  }
0x20: {  	[sflag:s8] =	ssyncset.s32 @!p0 $0xFFFFF086;
	s6 =	sadd.s32 @!p0 s3, s7;
	s7 =	simm.s32 @!p0 $0x108  }
0x21: {  	s3 =	sadd.s32 s3, s9;
	s6 =	sadd.s32 @!p0 $0x88, s6;
	s7 =	simm.s32 @p2 $0x1082  }
0x22: {  	[simem:s7], [sflag:s8] =	dma.local @!p0 [hbm:s6], $0xF7A  }
0x23: {  	s9 =	sor.u32 $0xD0000000, s2;
	s6 =	simm.s32 $0x108;
	_ =	swait.ge @!p0 [sflag:s8], $0x0  }
0x24: {  	s3 =	sadd.s32 $0x88, s3;
	s6 =	simm.s32 @!p1 $0x1082;
	[sflag:s4] =	ssyncset.s32 $0xFFFFF086  }
0x25: {  	[simem:s6], [sflag:s4] =	dma.local [hbm:s3], $0xF7A  }
0x26: {  	[smem:$0x3F97] =	sst s1;
	(tag) =	ssettag s2;
	_ =	strace s9  }
0x27: {  	s1 =	sld [smem:$0x3FA7]  }
0x28: {  	s2 =	sld [smem:$0x3FA8]  }
0x29: {  	s4 =	sld [smem:$0x3FAA]  }
0x2a: {  	p0 =	seq.s32 s5, $0x0;
	s5 =	sld [smem:$0x3FAB]  }
0x2b: {  	s6 =	sld [smem:$0x3FAC]  }
0x2c: {  	s7 =	sld [smem:$0x3FAD]  }
0x2d: {  	s3 =	simm.s32 $0x108;
	s8 =	sld [smem:$0x3FAE]  }
0x2e: {  	s3 =	simm.s32 @!p0 $0x1082;
	s9 =	sld [smem:$0x3FAF]  }
0x2f: {  	lr =	sadd.s32 s0, s3;
	s0 =	sld [smem:$0x3FA6]  }
0x30: {  	s3 =	sld [smem:$0x3FA9]  }
0x31: {  	[smem:$0x3FB2] =	sst s10  }
0x32: {  	s10 =	sld [smem:$0x3FB0];
	_ =	sdelay $0x3  }
0x33: {  	p0 =	seq.s32 s10, $0x1;
	s10 =	sld [smem:$0x3FB2];
	_ =	sdelay $0x3  }
0x34: {  	[smem:$0x3FB2] =	sst s10  }
0x35: {  	s10 =	sld [smem:$0x3FB1];
	_ =	sdelay $0x3  }
0x36: {  	p1 =	seq.s32 s10, $0x1;
	s10 =	sld [smem:$0x3FB2];
	_ =	sdelay $0x3  }
0x37: {  	[smem:$0x3FB2] =	sst s10  }
0x38: {  	s10 =	sld [smem:$0x3FB3]  }
0x39: {  	_ = 	snop;
	(pc) =	sbr.ind lr, $3  }
0x3a: {  	_ = 	snop  }
0x3b: {  	_ = 	snop  }
0x3c: {  	p2 =	seq.s32 s10, $0x1;
	s10 =	sld [smem:$0x3FB2]  }
0x3d: {  	_ =	shalt  }
0x3e: {  	_ =	shalt  }
0x3f: {  	_ =	shalt  }
0x40: {  	_ =	shalt  }
0x41: {  	_ =	shalt  }
0x42: {  	_ =	shalt  }
0x43: {  	_ =	shalt  }
0x44: {  	_ =	shalt  }
0x45: {  	_ =	shalt  }
0x46: {  	_ =	shalt  }
0x47: {  	_ =	shalt  }
0x48: {  	_ =	shalt  }
0x49: {  	_ =	shalt  }
0x4a: {  	_ =	shalt  }
0x4b: {  	_ =	shalt  }
0x4c: {  	_ =	shalt  }
0x4d: {  	_ =	shalt  }
0x4e: {  	_ =	shalt  }
0x4f: {  	_ =	shalt  }
0x50: {  	_ =	shalt  }
0x51: {  	_ =	shalt  }
0x52: {  	_ =	shalt  }
0x53: {  	_ =	shalt  }
0x54: {  	_ =	shalt  }
0x55: {  	_ =	shalt  }
0x56: {  	_ =	shalt  }
0x57: {  	_ =	shalt  }
0x58: {  	_ =	shalt  }
0x59: {  	_ =	shalt  }
0x5a: {  	_ =	shalt  }
0x5b: {  	_ =	shalt  }
0x5c: {  	_ =	shalt  }
0x5d: {  	_ =	shalt  }
0x5e: {  	_ =	shalt  }
0x5f: {  	_ =	shalt  }
0x60: {  	_ =	shalt  }
0x61: {  	_ =	shalt  }
0x62: {  	_ =	shalt  }
0x63: {  	_ =	shalt  }
0x64: {  	_ =	shalt  }
0x65: {  	_ =	shalt  }
0x66: {  	_ =	shalt  }
0x67: {  	_ =	shalt  }
0x68: {  	_ =	shalt  }
0x69: {  	_ =	shalt  }
0x6a: {  	_ =	shalt  }
0x6b: {  	_ =	shalt  }
0x6c: {  	_ =	shalt  }
0x6d: {  	_ =	shalt  }
0x6e: {  	_ =	shalt  }
0x6f: {  	_ =	shalt  }
0x70: {  	_ =	shalt  }
0x71: {  	_ =	shalt  }
0x72: {  	_ =	shalt  }
0x73: {  	_ =	shalt  }
0x74: {  	_ =	shalt  }
0x75: {  	_ =	shalt  }
0x76: {  	_ =	shalt  }
0x77: {  	_ =	shalt  }
0x78: {  	_ =	shalt  }
0x79: {  	_ =	shalt  }
0x7a: {  	_ =	shalt  }
0x7b: {  	_ =	shalt  }
0x7c: {  	_ =	shalt  }
0x7d: {  	_ =	shalt  }
0x7e: {  	_ =	shalt  }
0x7f: {  	_ =	shalt  }
0x80: {  	_ =	shalt  }
0x81: {  	_ =	shalt  }
0x82: {  	_ =	shalt  }
0x83: {  	_ =	shalt  }
0x84: {  	_ =	shalt  }
0x85: {  	_ =	shalt  }
0x86: {  	_ =	shalt  }
0x87: {  	_ =	shalt  }
.Lfunc_end0:
.L_simem_size_0:
called_computation_lowered:
.L_overlay_start_0:
0x88: {  	s2 =	sld [smem:$0x3FD9]  }
0x89: {  	s3 =	sld [smem:$0x3FFE];
	_ =	sdelay $0x1  }
0x8a: {  	s1 =	srdreg.scid  }
0x8b: {  	s0 =	sand.u32 $0x1, s1  }
0x8c: {  	s17 =	sshll.u32 s0, $0xA;
	s2 =	sadd.s32 s3, s2  }
0x8d: {  	s2 =	sadd.s32 s2, s17  }
0x8e: {  	[smem:$0x3FBE] =	sst s2  }
0x8f: {  	_ = 	snop  }
0x90: {  	s2 =	sld [smem:$0x3FC9]  }
0x91: {  	s18 =	sld [smem:$0x3FD0];
	(tm) =	ssettm $0x1  }
0x92: {  	s4 =	sld [smem:$0x3FFB];
	_ =	sdelay $0x3  }
0x93: {  	_ =	strace s4  }
0x94: {  	s4 =	sld [smem:$0x3FFC];
	_ =	sdelay $0x3  }
0x95: {  	_ =	strace s4  }
0x96: {  	s4 =	sld [smem:$0x3FFD];
	_ =	sdelay $0x3  }
0x97: {  	_ =	strace s4  }
0x98: {  	_ =	strace $0x8FFFFFFF  }
0x99: {  	s19 =	sld [smem:$0x3FDB];
	_ =	sdelay $0x1  }
0x9a: {  	s5 =	simm.s32 $_scs_section_size  }
0x9b: {  	s6 =	simm.s32 $_size__tile_overlayer_lowered;
	s7 =	simm.s32 $_tile_overlayer_lowered  }
0x9c: {  	s22 =	simm.s32 $0x1BFF;
	s21 =	sshll.u32 s7, $0x1;
	s4 =	sadd.s32 s5, s19  }
0x9d: {  	s8 =	simm.s32 $0x0;
	s20 =	sshll.u32 s6, $0x1;
	s6 =	sadd.s32 s21, s4  }
0x9e: {  	[timem:s8], [sflag:s22] =	dma.local [hbm:s6], s20  }
0x9f: {  	_ =	swait.ge [sflag:s22], s20  }
0xa0: {  	s5 =	ssub.s32 $0x0, s20;
	[sflag:s22] =	ssyncset.done $0x0  }
0xa1: {  	[sflag:s22] =	ssyncadd.s32 s5;
	_ =	sdelay $0x1  }
0xa2: {  	s23 =	simm.s32 $0x1B8B  }
0xa3: {  	_ =	swait.ge [sflag:s23], $0x1  }
0xa4: {  	[sflag:s23] =	ssyncset.done $0x0  }
0xa5: {  	s25 =	simm.s32 $0x1B8E;
	s24 =	sld [smem:$0x3FFE];
	[sflag:s23] =	ssyncadd.s32 $0xFFFFFFFF  }
0xa6: {  	s26 =	simm.s32 $execute0_lowered;
	[smem:$0x3FD2] =	sst s25  }
0xa7: {  	s6 =	sshll.u32 s26, $0x1;
	_ =	strace $0x80000046;
	[dreg:$0x1] =	wrdreg $0xFFFFFFFF  }
0xa8: {  	s28 =	simm.s32 $_size_execute0_lowered;
	s4 =	sadd.s32 s4, s6;
	[dreg:$0x0] =	wrdreg $0x0  }
0xa9: {  	s6 =	sshll.u32 s28, $0x1;
	[dreg:$0x2] =	wrdreg s4  }
0xaa: {  	[dreg:$0x3] =	wrdreg s6  }
0xab: {  	[dreg:$0x4] =	wrdreg $0xC0  }
0xac: {  	_ =	task [dreg:s8], $0x5FFFF  }
0xad: {  	[dreg:$0x1] =	wrdreg $0xFFFFFFFF  }
0xae: {  	[dreg:$0x0] =	wrdreg $0x60  }
0xaf: {  	[dreg:$0x2] =	wrdreg s2  }
0xb0: {  	[dreg:$0x3] =	wrdreg s24  }
0xb1: {  	[dreg:$0x4] =	wrdreg s18  }
0xb2: {  	[dreg:$0x5] =	wrdreg $0xC0000  }
0xb3: {  	[dreg:$0x6] =	wrdreg $0x9  }
0xb4: {  	_ =	task.clear_ibuf [dreg:s8], $0x7FFFF;
	_ =	strace $0x90000046  }
0xb5: {  	s29 =	simm.s32 $0x9;
	_ =	strace $0x80000048  }
0xb6: {  	_ =	swait.ge [sflag:s29], $0x1  }
0xb7: {  	[sflag:s29] =	ssyncadd.s32 $0xFFFFFFFF  }
0xb8: {  	_ =	strace $0x90000048  }
0xb9: {  	_ =	sfence  }
0xba: {  	s30 =	sld [smem:$0x0];
	_ =	sdelay $0x2  }
0xbb: {  	s31 =	sshll.u32 s1, $0xD;
	s1 =	sshrl.u32 s1, $0x2  }
0xbc: {  	s3 =	sand.u32 $0x4000, s31;
	s1 =	sadd.s32 s1, s30  }
0xbd: {  	s0 =	sor.u32 s3, s0;
	s1 =	sshll.u32 s1, $0x11  }
0xbe: {  	s0 =	sor.u32 s1, s0  }
0xbf: {  	s0 =	sadd.s32 $0x8F2B, s0  }
0xc0: {  	[sflag:s0] =	ssyncadd.remote.s32 $0x1  }
0xc1: {  	_ =	sfence.sel $0xFFFF  }
0xc2: {  	[dreg:$0x0] =	wrdreg $0xFFFFFFFF;
	(pc) =	sbr.abs _section_cstart, $3  }
0xc3: {  	[dreg:$0x1] =	wrdreg $0xFFFFFFFF  }
0xc4: {  	_ =	task.clear_ibuf [dreg:s8], $0x2FFFF;
	_ =	strace $0x9FFFFFFF  }
0xc5: {  	(tm) =	ssettm $0x7FFFFFFF  }
tec
execute0_lowered:
.L_overlay_start_1:
0x0: {  	(tag) =	ssettag $0x1  }
0x1: {  	s25 =	rddreg [dreg:$0x0]  }
0x2: {  	s0 =	rddreg [dreg:$0x1]  }
0x3: {  	s13 =	rddreg [dreg:$0x2]  }
0x4: {  	s1 =	rddreg [dreg:$0x3];
	s4 =	simm.s32 $0x0;
	s2 =	srdreg.scid  }
0x5: {  	s14 =	stileid.u32;
	s31 =	simm.s32 $0x1000;
	s30 =	simm.s32 $0x1C00  }
0x6: {  	s29 =	simm.s32 $0x2;
	s3 =	simm.s32 $0x0;
	[smem:$0x7FF] =	sst s4  }
0x7: {  	s5 =	sadd.s32 $0x1E00, s0;
	s2 =	sand.u32 $0x1, s2;
	s16 =	smul.u32 $0x2700, s14  }
0x8: {  	s7 =	sshll.u32 s14, $0xF;
	s0 =	sadd.s32 $0x21E00, s0;
	s20 =	smul.u32 $0x13800, s14  }
0x9: {  	s24 =	sadd.s32 $0x138000, s1;
	p1 =	sne.s32 s14, $0x0;
	p2 =	seq.s32 s14, $0x0  }
0xa: {  	_ =	strace $0x80000047;
	s6 =	ssub.s32 $0x2, s2;
	s8 =	sshll.u32 s2, $0xE  }
0xb: {  	s18 =	smul.u32 $0x138800, s2;
	p0 =	seq.s32 s2, $0x1;
	[dreg:$0xf] =	wrdreg s24  }
0xc: {  	s24 =	simm.s32 $0x1800;
	s9 =	sshrl.u32 s6, $0x1;
	s7 =	sor.u32 s8, s7  }
0xd: {  	s22 =	sadd.s32 s25, s16;
	s6 =	ssub.s32 s6, s9;
	s10 =	sshrl.u32 s7, $0x3  }
0xe: {  	s8 =	sor.u32 $0x80000, s7;
	[dreg:$0xe] =	wrdreg s22;
	s23 =	sadd.s32 s20, s18  }
0xf: {  	s26 =	sshrl.u32 s18, $0x3;
	s20 =	simm.s32 $0xC00;
	s15 =	sadd.s32 s5, s10  }
0x10: {  	s11 =	sshrl.u32 s8, $0x3;
	s28 =	smax.u32 s6, $0x1;
	[dreg:$0x5] =	wrdreg s15  }
0x11: {  	s22 =	simm.s32 $0x7000;
	s9 =	sadd.s32 s5, s11;
	[dreg:$0x13] =	wrdreg s28  }
0x12: {  	s10 =	smul.u32 $0x4E000, s14;
	s12 =	sadd.s32 $0x10, s15;
	[dreg:$0x6] =	wrdreg s9  }
0x13: {  	s6 =	simm.s32 $0x400;
	s11 =	sadd.s32 $0x10010, s15;
	[dreg:$0x7] =	wrdreg s12  }
0x14: {  	s14 =	simm.s32 $0xD;
	s17 =	sadd.s32 $0x20, s15;
	[dreg:$0x8] =	wrdreg s11  }
0x15: {  	s19 =	sadd.s32 $0x30, s15;
	[dreg:$0x9] =	wrdreg s17;
	s12 =	sadd.s32 $0x10020, s15  }
0x16: {  	[dreg:$0xb] =	wrdreg s19;
	s15 =	sadd.s32 $0x10030, s15;
	s21 =	sshrl.u32 s10, $0x2  }
0x17: {  	s9 =	sadd.s32 s13, s16;
	s11 =	simm.s32 $0x1400;
	s10 =	simm.s32 $0x5  }
0x18: {  	s16 =	simm.s32 $0x4800;
	s17 =	simm.s32 $0x7;
	[dreg:$0xa] =	wrdreg s12  }
0x19: {  	s19 =	simm.s32 $0x9;
	[dreg:$0xc] =	wrdreg s15;
	s2 =	sadd.s32 s21, s1  }
0x1a: {  	[dreg:$0x10] =	wrdreg s9;
	s12 =	simm.s32 $0x2000;
	s15 =	simm.s32 $0x6  }
0x1b: {  	s21 =	simm.s32 $0x8;
	[dreg:$0xd] =	wrdreg s2;
	s2 =	sshrl.u32 s23, $0x3  }
0x1c: {  	s9 =	simm.s32 $0x1;
	s2 =	sadd.s32 s0, s2;
	s0 =	sadd.s32 s0, s26  }
0x1d: {  	s23 =	simm.s32 $0x9800;
	[dreg:$0x11] =	wrdreg s2;
	s0 =	sadd.s32 $0x27000, s0  }
0x1e: {  	s2 =	simm.s32 $0x50;
	[dreg:$0x12] =	wrdreg s0;
	s0 =	simm.s32 $0x800  }
.LBB2_1:
0x1f: {  	s18 =	rddreg [dreg:$0x5]  }
0x20: {  	[tilespmem:s4], [sflag:$0x5] =	stream.linear.gather [hbm4b:s18+s4], $0x80, $0x38;
	[tilespmem:$0x1F880] =	vst v63  }
0x21: {  	s26 =	rddreg [dreg:$0x6]  }
0x22: {  	[tilespmem:s31], [sflag:$0x9] =	stream.linear.gather [hbm4b:s26+s4], $0x80, $0x38;
	[tilespmem:$0x1F880] =	vst v63  }
0x23: {  	s28 =	rddreg [dreg:$0x7]  }
0x24: {  	[tilespmem:s6], [sflag:$0x6] =	stream.linear.gather [hbm4b:s28+s4], $0x80, $0x38;
	[tilespmem:$0x1F880] =	vst v63  }
0x25: {  	s13 =	rddreg [dreg:$0x8]  }
0x26: {  	[tilespmem:s11], [sflag:$0xA] =	stream.linear.gather [hbm4b:s13+s4], $0x80, $0x38;
	[tilespmem:$0x1F880] =	vst v63  }
0x27: {  	s26 =	rddreg [dreg:$0x9]  }
0x28: {  	[tilespmem:s0], [sflag:$0x7] =	stream.linear.gather [hbm4b:s26+s4], $0x80, $0x38;
	[tilespmem:$0x1F880] =	vst v63  }
0x29: {  	s28 =	rddreg [dreg:$0xa]  }
0x2a: {  	[tilespmem:s24], [sflag:$0xB] =	stream.linear.gather [hbm4b:s28+s4], $0x80, $0x38;
	[tilespmem:$0x1F880] =	vst v63  }
0x2b: {  	s13 =	rddreg [dreg:$0xb]  }
0x2c: {  	[tilespmem:s20], [sflag:$0x8] =	stream.linear.gather [hbm4b:s13+s4], $0x80, $0x38;
	[tilespmem:$0x1F880] =	vst v63  }
0x2d: {  	s24 =	rddreg [dreg:$0xc]  }
0x2e: {  	[tilespmem:s30], [sflag:$0xC] =	stream.linear.gather [hbm4b:s24+s4], $0x80, $0x38;
	[tilespmem:$0x1F880] =	vst v63  }
0x2f: {  	_ =	swait.ge [sflag:s10], $0x80  }
0x30: {  	[sflag:s10] =	ssyncset.done $0x0  }
0x31: {  	[sflag:s10] =	ssyncadd.s32 $0xFFFFFF80  }
0x32: {  	[tilespmem:s12], [sflag:$0x1] =	stream.indirect.gather [hbm4b:s25+s2], $0x80, s4, s2, $0xb8;
	[tilespmem:$0x1F880] =	vst v63  }
0x33: {  	_ =	swait.ge [sflag:s15], $0x80  }
0x34: {  	[sflag:s15] =	ssyncset.done $0x0  }
0x35: {  	[sflag:s15] =	ssyncadd.s32 $0xFFFFFF80  }
0x36: {  	[tilespmem:s16], [sflag:$0x2] =	stream.indirect.gather [hbm4b:s25+s2], $0x80, s6, s2, $0xb8;
	[tilespmem:$0x1F880] =	vst v63  }
0x37: {  	_ =	swait.ge [sflag:s17], $0x80  }
0x38: {  	[sflag:s17] =	ssyncset.done $0x0  }
0x39: {  	[sflag:s17] =	ssyncadd.s32 $0xFFFFFF80  }
0x3a: {  	[tilespmem:s22], [sflag:$0x3] =	stream.indirect.gather [hbm4b:s25+s2], $0x80, s0, s2, $0xb8;
	[tilespmem:$0x1F880] =	vst v63  }
0x3b: {  	s26 =	stileid.u32;
	_ =	swait.ge [sflag:s21], $0x80  }
.Ltmp0:
0x3c: {  	[dreg:$0x14] =	wrdreg s3;
	[sflag:s21] =	ssyncset.done $0x0;
	(pc) =	sbr.rel @!p0 .LBB2_2-.Ltmp0, $4  }
0x3d: {  	s13 =	sshll.u32 s26, $0x6;
	s28 =	rddreg [dreg:$0xd];
	[sflag:s21] =	ssyncadd.s32 $0xFFFFFF80  }
0x3e: {  	[tilespmem:s23], [sflag:$0x4] =	stream.indirect.gather [hbm4b:s25+s2], $0x80, s20, s2, $0xb8;
	[tilespmem:$0x1F880] =	vst v63  }
0x3f: {  	[dreg:$0x15] =	wrdreg s13;
	s20 =	sshrl.u32 s28, $0x3  }
0x40: {  	s24 =	sor.u32 $0x1C0D, s13;
	s21 =	simm.s32 $0x9800;
	[dreg:$0x16] =	wrdreg s20  }
0x41: {  	s24 =	sor.u32 $0x1C0D, s13;
	s18 =	rddreg [dreg:$0x10]  }
0x42: {  	[spmem:s20], [sflag:s24] =	dma.local [hbm:s18], $0x2700  }
.Ltmp1:
0x43: {  	_ = 	snop;
	(pc) =	sbr.rel @p1 .LBB2_5-.Ltmp1, $4  }
.Ltmp2:
0x44: {  	_ =	swait.ge [sflag:s14], $0x2700;
	(pc) =	sbr.rel @!p1 .LBB2_4-.Ltmp2, $4  }
0x45: {  	[sflag:s14] =	ssyncset.done $0x0  }
0x46: {  	[sflag:s14] =	ssyncadd.s32 $0xFFFFD900  }
0x47: {  	s25 =	rddreg [dreg:$0x2]  }
0x48: {  	_ = 	snop  }
.LBB2_2:
.Ltmp3:
0x49: {  	s18 =	rddreg [dreg:$0xe];
	(pc) =	sbr.rel @!p2 .LBB2_5-.Ltmp3, $4  }
0x4a: {  	[spmem:s20], [sflag:s24] =	dma.local [hbm:s18], $0x2700  }
0x4b: {  	_ =	swait.ge [sflag:s14], $0x2700  }
0x4c: {  	[sflag:s14] =	ssyncset.done $0x0  }
0x4d: {  	[sflag:s14] =	ssyncadd.s32 $0xFFFFD900  }
.LBB2_4:
0x4e: {  	s18 =	rddreg [dreg:$0xf]  }
0x4f: {  	s25 =	sadd.s32 $0x27000, s25;
	s26 =	sshrl.u32 s18, $0x3  }
0x50: {  	[spmem:s26], [sflag:s24] =	dma.local [hbm:s25], $0x100  }
0x51: {  	_ =	swait.ge [sflag:s14], $0x100  }
0x52: {  	[sflag:s14] =	ssyncset.done $0x0  }
0x53: {  	[sflag:s14] =	ssyncadd.s32 $0xFFFFFF00  }
.LBB2_5:
0x54: {  	s24 =	simm.s32 $0x200  }
0x55: {  	s25 =	sand.u32 $0x7C00, s24  }
0x56: {  	[bflag:$0x0] =	sbarrier.arrive $0xFFFF;
	s26 =	sand.u32 $0x200, s24;
	s18 =	sadd.s32 s7, s25  }
0x57: {  	_ =	swait.ge [sflag:s9], $0x2800;
	s24 =	sor.u32 s26, s18  }
0x58: {  	[sflag:s9] =	ssyncset.done $0x0;
	s24 =	sshrl.u32 s24, $0x3  }
0x59: {  	[sflag:s9] =	ssyncadd.s32 $0xFFFFD800;
	s24 =	sadd.s32 s5, s24  }
0x5a: {  	[tilespmem:s4], [sflag:$0x5] =	stream.linear.gather [hbm4b:s24+s4], $0x80, $0x38;
	[tilespmem:$0x1F880] =	vst v63  }
0x5b: {  	_ =	swait.ge [sflag:s19], $0x80  }
0x5c: {  	[sflag:s19] =	ssyncset.done $0x0  }
0x5d: {  	s25 =	sadd.s32 s8, s25;
	[sflag:s19] =	ssyncadd.s32 $0xFFFFFF80  }
0x5e: {  	[spmem:s1] =	stream.indirect.scatter.add.f32 [tilespmem:s12], [sflag:$0xD], $0x80, s31, s2, $0xb8;
	[tilespmem:$0x1F880] =	vst v63  }
0x5f: {  	s25 =	sor.u32 s26, s25;
	_ =	swait.ge [sflag:s14], $0x2800  }
0x60: {  	s20 =	simm.s32 $0x0;
	s25 =	sshrl.u32 s25, $0x3;
	[sflag:s14] =	ssyncset.done $0x0  }
0x61: {  	s3 =	smin.u32 s20, $0x77;
	s25 =	sadd.s32 s5, s25;
	[sflag:s14] =	ssyncadd.s32 $0xFFFFD800  }
0x62: {  	[tilespmem:s31], [sflag:$0x9] =	stream.linear.gather [hbm4b:s25+s4], $0x80, $0x38;
	[tilespmem:$0x1F880] =	vst v63  }
0x63: {  	s26 =	sshll.u32 s3, $0x7;
	_ =	swait.ge [sflag:s10], $0x80  }
0x64: {  	s9 =	sadd.s32 $0x280, s26;
	[sflag:s10] =	ssyncset.done $0x0  }
0x65: {  	s26 =	sand.u32 $0x7C00, s9;
	[sflag:s10] =	ssyncadd.s32 $0xFFFFFF80  }
0x66: {  	s28 =	sadd.s32 s7, s26;
	s25 =	sand.u32 $0x280, s9;
	s13 =	rddreg [dreg:$0x0]  }
0x67: {  	[tilespmem:s12], [sflag:$0x1] =	stream.indirect.gather [hbm4b:s13+s2], $0x80, s4, s2, $0xb8;
	[tilespmem:$0x1F880] =	vst v63  }
0x68: {  	s28 =	sor.u32 s25, s28;
	_ =	swait.ge [sflag:s29], $0x2800  }
0x69: {  	s28 =	sshrl.u32 s28, $0x3;
	[sflag:s29] =	ssyncset.done $0x0  }
0x6a: {  	s3 =	simm.s32 $0xA;
	s28 =	sadd.s32 s5, s28;
	[sflag:s29] =	ssyncadd.s32 $0xFFFFD800  }
0x6b: {  	[tilespmem:s6], [sflag:$0x6] =	stream.linear.gather [hbm4b:s28+s4], $0x80, $0x38;
	[tilespmem:$0x1F880] =	vst v63  }
0x6c: {  	_ =	swait.ge [sflag:s3], $0x80  }
0x6d: {  	[sflag:s3] =	ssyncset.done $0x0  }
0x6e: {  	s26 =	sadd.s32 s8, s26;
	[sflag:s3] =	ssyncadd.s32 $0xFFFFFF80  }
0x6f: {  	[spmem:s1] =	stream.indirect.scatter.add.f32 [tilespmem:s16], [sflag:$0xD], $0x80, s11, s2, $0xb8;
	[tilespmem:$0x1F880] =	vst v63  }
0x70: {  	s25 =	sor.u32 s25, s26;
	_ =	swait.ge [sflag:s14], $0x2800  }
0x71: {  	s25 =	sshrl.u32 s25, $0x3;
	s10 =	smin.u32 s20, $0x76;
	[sflag:s14] =	ssyncset.done $0x0  }
0x72: {  	s25 =	sadd.s32 s5, s25;
	s26 =	sshll.u32 s10, $0x7;
	[sflag:s14] =	ssyncadd.s32 $0xFFFFD800  }
0x73: {  	[tilespmem:s11], [sflag:$0xA] =	stream.linear.gather [hbm4b:s25+s4], $0x80, $0x38;
	[tilespmem:$0x1F880] =	vst v63  }
0x74: {  	s12 =	sadd.s32 $0x300, s26;
	_ =	swait.ge [sflag:s15], $0x80  }
0x75: {  	s23 =	simm.s32 $0x3;
	s26 =	sand.u32 $0x7C00, s12;
	[sflag:s15] =	ssyncset.done $0x0  }
0x76: {  	s28 =	sadd.s32 s7, s26;
	s25 =	sand.u32 $0x300, s12;
	[sflag:s15] =	ssyncadd.s32 $0xFFFFFF80  }
0x77: {  	[tilespmem:s16], [sflag:$0x2] =	stream.indirect.gather [hbm4b:s13+s2], $0x80, s6, s2, $0xb8;
	[tilespmem:$0x1F880] =	vst v63  }
0x78: {  	s28 =	sor.u32 s25, s28;
	_ =	swait.ge [sflag:s23], $0x2800  }
0x79: {  	s28 =	sshrl.u32 s28, $0x3;
	[sflag:s23] =	ssyncset.done $0x0  }
0x7a: {  	s3 =	simm.s32 $0xB;
	s28 =	sadd.s32 s5, s28;
	[sflag:s23] =	ssyncadd.s32 $0xFFFFD800  }
0x7b: {  	[tilespmem:s0], [sflag:$0x7] =	stream.linear.gather [hbm4b:s28+s4], $0x80, $0x38;
	[tilespmem:$0x1F880] =	vst v63  }
0x7c: {  	_ =	swait.ge [sflag:s3], $0x80  }
0x7d: {  	[sflag:s3] =	ssyncset.done $0x0  }
0x7e: {  	s18 =	simm.s32 $0x1800;
	s26 =	sadd.s32 s8, s26;
	[sflag:s3] =	ssyncadd.s32 $0xFFFFFF80  }
0x7f: {  	[spmem:s1] =	stream.indirect.scatter.add.f32 [tilespmem:s22], [sflag:$0xD], $0x80, s18, s2, $0xb8;
	[tilespmem:$0x1F880] =	vst v63  }
0x80: {  	s25 =	sor.u32 s25, s26;
	_ =	swait.ge [sflag:s14], $0x2800  }
0x81: {  	s25 =	sshrl.u32 s25, $0x3;
	[sflag:s14] =	ssyncset.done $0x0  }
0x82: {  	s24 =	smin.u32 s20, $0x75;
	s25 =	sadd.s32 s5, s25;
	[sflag:s14] =	ssyncadd.s32 $0xFFFFD800  }
0x83: {  	[tilespmem:s18], [sflag:$0xB] =	stream.linear.gather [hbm4b:s25+s4], $0x80, $0x38;
	[tilespmem:$0x1F880] =	vst v63  }
0x84: {  	s24 =	sshll.u32 s24, $0x7;
	_ =	swait.ge [sflag:s17], $0x80  }
0x85: {  	s24 =	sadd.s32 $0x380, s24;
	[sflag:s17] =	ssyncset.done $0x0  }
0x86: {  	s19 =	sand.u32 $0x7C00, s24;
	[sflag:s17] =	ssyncadd.s32 $0xFFFFFF80  }
0x87: {  	[tilespmem:s22], [sflag:$0x3] =	stream.indirect.gather [hbm4b:s13+s2], $0x80, s0, s2, $0xb8;
	[tilespmem:$0x1F880] =	vst v63  }
0x88: {  	s24 =	sand.u32 $0x380, s24;
	s20 =	sadd.s32 s7, s19;
	s22 =	simm.s32 $0x4  }
0x89: {  	s31 =	simm.s32 $0x400;
	s26 =	sor.u32 s24, s20;
	_ =	swait.ge [sflag:s22], $0x2800  }
0x8a: {  	s29 =	simm.s32 $0xC00;
	s26 =	sshrl.u32 s26, $0x3;
	[sflag:s22] =	ssyncset.done $0x0  }
0x8b: {  	s26 =	sadd.s32 s5, s26;
	s0 =	simm.s32 $0xC;
	[sflag:s22] =	ssyncadd.s32 $0xFFFFD800  }
0x8c: {  	[tilespmem:s29], [sflag:$0x8] =	stream.linear.gather [hbm4b:s26+s4], $0x80, $0x38;
	[tilespmem:$0x1F880] =	vst v63  }
0x8d: {  	s10 =	simm.s32 $0x5;
	s11 =	simm.s32 $0x1400;
	_ =	swait.ge [sflag:s0], $0x80  }
0x8e: {  	s12 =	simm.s32 $0x2;
	s15 =	simm.s32 $0x6;
	[sflag:s0] =	ssyncset.done $0x0  }
0x8f: {  	s16 =	simm.s32 $0x4800;
	s25 =	sadd.s32 s8, s19;
	[sflag:s0] =	ssyncadd.s32 $0xFFFFFF80  }
0x90: {  	[spmem:s1] =	stream.indirect.scatter.add.f32 [tilespmem:s21], [sflag:$0xD], $0x80, s30, s2, $0xb8;
	[tilespmem:$0x1F880] =	vst v63  }
0x91: {  	s28 =	simm.s32 $0x600;
	s24 =	sor.u32 s24, s25;
	_ =	swait.ge [sflag:s14], $0x2800  }
0x92: {  	s25 =	sand.u32 $0x200, s31;
	s24 =	sshrl.u32 s24, $0x3;
	[sflag:s14] =	ssyncset.done $0x0  }
0x93: {  	s24 =	sadd.s32 s5, s24;
	s17 =	simm.s32 $0x7;
	[sflag:s14] =	ssyncadd.s32 $0xFFFFD800  }
0x94: {  	[tilespmem:s30], [sflag:$0xC] =	stream.linear.gather [hbm4b:s24+s4], $0x80, $0x38;
	[tilespmem:$0x1F880] =	vst v63  }
0x95: {  	s26 =	sand.u32 $0x7C00, s31;
	s21 =	simm.s32 $0x8;
	s24 =	simm.s32 $0x4  }
.LBB2_6:
0x96: {  	s30 =	sand.u32 $0x7C00, s28;
	s31 =	sadd.s32 s7, s26  }
0x97: {  	_ =	swait.ge [sflag:s21], $0x80;
	s18 =	smov.u32 s28;
	s29 =	sadd.s32 $0x200, s28  }
0x98: {  	s20 =	simm.s32 $0xC00;
	s9 =	simm.s32 $0x9800;
	p3 =	sne.s32 s28, $0x3E00  }
0x99: {  	s19 =	simm.s32 $0x1;
	s31 =	sor.u32 s25, s31;
	[sflag:s21] =	ssyncset.done $0x0  }
0x9a: {  	s18 =	sand.u32 $0x200, s18;
	s31 =	sshrl.u32 s31, $0x3;
	[sflag:s21] =	ssyncadd.s32 $0xFFFFFF80  }
0x9b: {  	[tilespmem:s9], [sflag:$0x4] =	stream.indirect.gather [hbm4b:s13+s2], $0x80, s20, s2, $0xb8;
	[tilespmem:$0x1F880] =	vst v63  }
0x9c: {  	s28 =	sadd.s32 s5, s31;
	s31 =	simm.s32 $0x1000;
	_ =	swait.ge [sflag:s19], $0x2800  }
0x9d: {  	[sflag:s19] =	ssyncset.done $0x0  }
0x9e: {  	[sflag:s19] =	ssyncadd.s32 $0xFFFFD800;
	s19 =	simm.s32 $0x9  }
0x9f: {  	[tilespmem:s4], [sflag:$0x5] =	stream.linear.gather [hbm4b:s28+s4], $0x80, $0x38;
	[tilespmem:$0x1F880] =	vst v63  }
0xa0: {  	s28 =	sadd.s32 s8, s26;
	s26 =	smov.u32 s30;
	_ =	swait.ge [sflag:s19], $0x80  }
0xa1: {  	s28 =	sor.u32 s25, s28;
	s25 =	smov.u32 s18;
	[sflag:s19] =	ssyncset.done $0x0  }
0xa2: {  	s18 =	sshrl.u32 s28, $0x3;
	[sflag:s19] =	ssyncadd.s32 $0xFFFFFF80;
	s19 =	simm.s32 $0x2000  }
0xa3: {  	[spmem:s1] =	stream.indirect.scatter.add.f32 [tilespmem:s19], [sflag:$0xD], $0x80, s31, s2, $0xb8;
	[tilespmem:$0x1F880] =	vst v63  }
0xa4: {  	s28 =	smin.u32 s24, $0x77;
	s18 =	sadd.s32 s5, s18;
	_ =	swait.ge [sflag:s14], $0x2800  }
0xa5: {  	s28 =	sshll.u32 s28, $0x7;
	[sflag:s14] =	ssyncset.done $0x0  }
0xa6: {  	s28 =	sadd.s32 $0x280, s28;
	[sflag:s14] =	ssyncadd.s32 $0xFFFFD800  }
0xa7: {  	[tilespmem:s31], [sflag:$0x9] =	stream.linear.gather [hbm4b:s18+s4], $0x80, $0x38;
	[tilespmem:$0x1F880] =	vst v63  }
0xa8: {  	s18 =	sand.u32 $0x7C00, s28;
	s28 =	sand.u32 $0x280, s28;
	_ =	swait.ge [sflag:s10], $0x80  }
0xa9: {  	s30 =	sadd.s32 s7, s18;
	s18 =	sadd.s32 s8, s18;
	[sflag:s10] =	ssyncset.done $0x0  }
0xaa: {  	s30 =	sor.u32 s28, s30;
	s18 =	sor.u32 s28, s18;
	[sflag:s10] =	ssyncadd.s32 $0xFFFFFF80  }
0xab: {  	[tilespmem:s19], [sflag:$0x1] =	stream.indirect.gather [hbm4b:s13+s2], $0x80, s4, s2, $0xb8;
	[tilespmem:$0x1F880] =	vst v63  }
0xac: {  	s28 =	sshrl.u32 s30, $0x3;
	s18 =	sshrl.u32 s18, $0x3;
	_ =	swait.ge [sflag:s12], $0x2800  }
0xad: {  	s28 =	sadd.s32 s5, s28;
	[sflag:s12] =	ssyncset.done $0x0  }
0xae: {  	s6 =	simm.s32 $0x400;
	s19 =	simm.s32 $0xA;
	[sflag:s12] =	ssyncadd.s32 $0xFFFFD800  }
0xaf: {  	[tilespmem:s6], [sflag:$0x6] =	stream.linear.gather [hbm4b:s28+s4], $0x80, $0x38;
	[tilespmem:$0x1F880] =	vst v63  }
0xb0: {  	_ =	swait.ge [sflag:s19], $0x80  }
0xb1: {  	[sflag:s19] =	ssyncset.done $0x0  }
0xb2: {  	[sflag:s19] =	ssyncadd.s32 $0xFFFFFF80  }
0xb3: {  	[spmem:s1] =	stream.indirect.scatter.add.f32 [tilespmem:s16], [sflag:$0xD], $0x80, s11, s2, $0xb8;
	[tilespmem:$0x1F880] =	vst v63  }
0xb4: {  	s18 =	sadd.s32 s5, s18;
	_ =	swait.ge [sflag:s14], $0x2800  }
0xb5: {  	s28 =	smin.u32 s24, $0x76;
	[sflag:s14] =	ssyncset.done $0x0  }
0xb6: {  	s28 =	sshll.u32 s28, $0x7;
	[sflag:s14] =	ssyncadd.s32 $0xFFFFD800  }
0xb7: {  	[tilespmem:s11], [sflag:$0xA] =	stream.linear.gather [hbm4b:s18+s4], $0x80, $0x38;
	[tilespmem:$0x1F880] =	vst v63  }
0xb8: {  	s18 =	sadd.s32 $0x300, s28;
	_ =	swait.ge [sflag:s15], $0x80  }
0xb9: {  	s28 =	sand.u32 $0x7C00, s18;
	s18 =	sand.u32 $0x300, s18;
	[sflag:s15] =	ssyncset.done $0x0  }
0xba: {  	s30 =	sadd.s32 s7, s28;
	s28 =	sadd.s32 s8, s28;
	[sflag:s15] =	ssyncadd.s32 $0xFFFFFF80  }
0xbb: {  	[tilespmem:s16], [sflag:$0x2] =	stream.indirect.gather [hbm4b:s13+s2], $0x80, s6, s2, $0xb8;
	[tilespmem:$0x1F880] =	vst v63  }
0xbc: {  	s30 =	sor.u32 s18, s30;
	s18 =	sor.u32 s18, s28;
	_ =	swait.ge [sflag:s23], $0x2800  }
0xbd: {  	s28 =	sshrl.u32 s30, $0x3;
	s18 =	sshrl.u32 s18, $0x3;
	[sflag:s23] =	ssyncset.done $0x0  }
0xbe: {  	s19 =	simm.s32 $0x800;
	s28 =	sadd.s32 s5, s28;
	[sflag:s23] =	ssyncadd.s32 $0xFFFFD800  }
0xbf: {  	[tilespmem:s19], [sflag:$0x7] =	stream.linear.gather [hbm4b:s28+s4], $0x80, $0x38;
	[tilespmem:$0x1F880] =	vst v63  }
0xc0: {  	_ =	swait.ge [sflag:s3], $0x80  }
0xc1: {  	[sflag:s3] =	ssyncset.done $0x0  }
0xc2: {  	s30 =	simm.s32 $0x7000;
	s6 =	simm.s32 $0x1800;
	[sflag:s3] =	ssyncadd.s32 $0xFFFFFF80  }
0xc3: {  	[spmem:s1] =	stream.indirect.scatter.add.f32 [tilespmem:s30], [sflag:$0xD], $0x80, s6, s2, $0xb8;
	[tilespmem:$0x1F880] =	vst v63  }
0xc4: {  	_ =	swait.ge [sflag:s14], $0x2800  }
0xc5: {  	s18 =	sadd.s32 s5, s18;
	[sflag:s14] =	ssyncset.done $0x0  }
0xc6: {  	s28 =	smin.u32 s24, $0x75;
	[sflag:s14] =	ssyncadd.s32 $0xFFFFD800  }
0xc7: {  	[tilespmem:s6], [sflag:$0xB] =	stream.linear.gather [hbm4b:s18+s4], $0x80, $0x38;
	[tilespmem:$0x1F880] =	vst v63  }
0xc8: {  	s18 =	sshll.u32 s28, $0x7;
	_ =	swait.ge [sflag:s17], $0x80  }
0xc9: {  	s18 =	sadd.s32 $0x380, s18;
	[sflag:s17] =	ssyncset.done $0x0  }
0xca: {  	s28 =	sand.u32 $0x7C00, s18;
	s18 =	sand.u32 $0x380, s18;
	[sflag:s17] =	ssyncadd.s32 $0xFFFFFF80  }
0xcb: {  	[tilespmem:s30], [sflag:$0x3] =	stream.indirect.gather [hbm4b:s13+s2], $0x80, s19, s2, $0xb8;
	[tilespmem:$0x1F880] =	vst v63  }
0xcc: {  	s30 =	sadd.s32 s7, s28  }
0xcd: {  	s28 =	sadd.s32 s8, s28;
	_ =	swait.ge [sflag:s22], $0x2800;
	s30 =	sor.u32 s18, s30  }
0xce: {  	s18 =	sor.u32 s18, s28;
	[sflag:s22] =	ssyncset.done $0x0;
	s28 =	sshrl.u32 s30, $0x3  }
0xcf: {  	s30 =	simm.s32 $0x1C00;
	s18 =	sshrl.u32 s18, $0x3;
	[sflag:s22] =	ssyncadd.s32 $0xFFFFD800  }
0xd0: {  	s28 =	sadd.s32 s5, s28  }
0xd1: {  	[tilespmem:s20], [sflag:$0x8] =	stream.linear.gather [hbm4b:s28+s4], $0x80, $0x38;
	[tilespmem:$0x1F880] =	vst v63  }
0xd2: {  	_ =	swait.ge [sflag:s0], $0x80  }
0xd3: {  	[sflag:s0] =	ssyncset.done $0x0  }
0xd4: {  	[sflag:s0] =	ssyncadd.s32 $0xFFFFFF80  }
0xd5: {  	[spmem:s1] =	stream.indirect.scatter.add.f32 [tilespmem:s9], [sflag:$0xD], $0x80, s30, s2, $0xb8;
	[tilespmem:$0x1F880] =	vst v63  }
.Ltmp4:
0xd6: {  	_ = 	snop;
	(pc) =	sbr.rel @p3 .LBB2_6-.Ltmp4, $4  }
0xd7: {  	_ =	swait.ge [sflag:s14], $0x2800  }
0xd8: {  	s18 =	sadd.s32 s5, s18;
	[sflag:s14] =	ssyncset.done $0x0  }
0xd9: {  	s24 =	sadd.s32 $0x4, s24;
	s28 =	smov.u32 s29;
	[sflag:s14] =	ssyncadd.s32 $0xFFFFD800  }
0xda: {  	[tilespmem:s30], [sflag:$0xC] =	stream.linear.gather [hbm4b:s18+s4], $0x80, $0x38;
	[tilespmem:$0x1F880] =	vst v63  }
0xdb: {  	_ =	swait.ge [sflag:s21], $0x80  }
0xdc: {  	s18 =	sadd.s32 s7, s26;
	s20 =	simm.s32 $0xC00;
	[sflag:s21] =	ssyncset.done $0x0  }
0xdd: {  	s9 =	simm.s32 $0x9800;
	s29 =	simm.s32 $0x1;
	[sflag:s21] =	ssyncadd.s32 $0xFFFFFF80  }
0xde: {  	[tilespmem:s9], [sflag:$0x4] =	stream.indirect.gather [hbm4b:s13+s2], $0x80, s20, s2, $0xb8;
	[tilespmem:$0x1F880] =	vst v63  }
0xdf: {  	s18 =	sor.u32 s25, s18;
	_ =	swait.ge [sflag:s29], $0x2800  }
0xe0: {  	s18 =	sshrl.u32 s18, $0x3;
	[sflag:s29] =	ssyncset.done $0x0  }
0xe1: {  	s19 =	simm.s32 $0x9;
	s18 =	sadd.s32 s5, s18;
	[sflag:s29] =	ssyncadd.s32 $0xFFFFD800  }
0xe2: {  	[tilespmem:s4], [sflag:$0x5] =	stream.linear.gather [hbm4b:s18+s4], $0x80, $0x38;
	[tilespmem:$0x1F880] =	vst v63  }
0xe3: {  	_ =	swait.ge [sflag:s19], $0x80  }
0xe4: {  	[sflag:s19] =	ssyncset.done $0x0  }
0xe5: {  	s26 =	sadd.s32 s8, s26;
	s28 =	simm.s32 $0x2000;
	[sflag:s19] =	ssyncadd.s32 $0xFFFFFF80  }
0xe6: {  	[spmem:s1] =	stream.indirect.scatter.add.f32 [tilespmem:s28], [sflag:$0xD], $0x80, s31, s2, $0xb8;
	[tilespmem:$0x1F880] =	vst v63  }
0xe7: {  	s18 =	sor.u32 s25, s26;
	_ =	swait.ge [sflag:s14], $0x2800  }
0xe8: {  	s6 =	smin.u32 s24, $0x77;
	s18 =	sshrl.u32 s18, $0x3;
	[sflag:s14] =	ssyncset.done $0x0  }
0xe9: {  	s25 =	sshll.u32 s6, $0x7;
	s18 =	sadd.s32 s5, s18;
	[sflag:s14] =	ssyncadd.s32 $0xFFFFD800  }
0xea: {  	[tilespmem:s31], [sflag:$0x9] =	stream.linear.gather [hbm4b:s18+s4], $0x80, $0x38;
	[tilespmem:$0x1F880] =	vst v63  }
0xeb: {  	s26 =	sadd.s32 $0x280, s25;
	_ =	swait.ge [sflag:s10], $0x80  }
0xec: {  	s25 =	sand.u32 $0x7C00, s26;
	[sflag:s10] =	ssyncset.done $0x0  }
0xed: {  	s6 =	sadd.s32 s7, s25;
	s18 =	sand.u32 $0x280, s26;
	[sflag:s10] =	ssyncadd.s32 $0xFFFFFF80  }
0xee: {  	[tilespmem:s28], [sflag:$0x1] =	stream.indirect.gather [hbm4b:s13+s2], $0x80, s4, s2, $0xb8;
	[tilespmem:$0x1F880] =	vst v63  }
0xef: {  	s26 =	sor.u32 s18, s6;
	_ =	swait.ge [sflag:s12], $0x2800  }
0xf0: {  	s6 =	simm.s32 $0x400;
	s26 =	sshrl.u32 s26, $0x3;
	[sflag:s12] =	ssyncset.done $0x0  }
0xf1: {  	s26 =	sadd.s32 s5, s26;
	s10 =	simm.s32 $0xA;
	[sflag:s12] =	ssyncadd.s32 $0xFFFFD800  }
0xf2: {  	[tilespmem:s6], [sflag:$0x6] =	stream.linear.gather [hbm4b:s26+s4], $0x80, $0x38;
	[tilespmem:$0x1F880] =	vst v63  }
0xf3: {  	_ =	swait.ge [sflag:s10], $0x80  }
0xf4: {  	[sflag:s10] =	ssyncset.done $0x0  }
0xf5: {  	s25 =	sadd.s32 s8, s25;
	[sflag:s10] =	ssyncadd.s32 $0xFFFFFF80  }
0xf6: {  	[spmem:s1] =	stream.indirect.scatter.add.f32 [tilespmem:s16], [sflag:$0xD], $0x80, s11, s2, $0xb8;
	[tilespmem:$0x1F880] =	vst v63  }
0xf7: {  	s18 =	sor.u32 s18, s25;
	_ =	swait.ge [sflag:s14], $0x2800  }
0xf8: {  	s18 =	sshrl.u32 s18, $0x3;
	s26 =	smin.u32 s24, $0x76;
	[sflag:s14] =	ssyncset.done $0x0  }
0xf9: {  	s18 =	sadd.s32 s5, s18;
	s25 =	sshll.u32 s26, $0x7;
	[sflag:s14] =	ssyncadd.s32 $0xFFFFD800  }
0xfa: {  	[tilespmem:s11], [sflag:$0xA] =	stream.linear.gather [hbm4b:s18+s4], $0x80, $0x38;
	[tilespmem:$0x1F880] =	vst v63  }
0xfb: {  	s11 =	sadd.s32 $0x300, s25;
	_ =	swait.ge [sflag:s15], $0x80  }
0xfc: {  	s25 =	sand.u32 $0x7C00, s11;
	[sflag:s15] =	ssyncset.done $0x0  }
0xfd: {  	s18 =	sand.u32 $0x300, s11;
	[sflag:s15] =	ssyncadd.s32 $0xFFFFFF80;
	s15 =	sadd.s32 s7, s25  }
0xfe: {  	[tilespmem:s16], [sflag:$0x2] =	stream.indirect.gather [hbm4b:s13+s2], $0x80, s6, s2, $0xb8;
	[tilespmem:$0x1F880] =	vst v63  }
0xff: {  	s26 =	sor.u32 s18, s15;
	_ =	swait.ge [sflag:s23], $0x2800  }
0x100: {  	s26 =	sshrl.u32 s26, $0x3;
	[sflag:s23] =	ssyncset.done $0x0  }
0x101: {  	s6 =	simm.s32 $0x800;
	s26 =	sadd.s32 s5, s26;
	[sflag:s23] =	ssyncadd.s32 $0xFFFFD800  }
0x102: {  	[tilespmem:s6], [sflag:$0x7] =	stream.linear.gather [hbm4b:s26+s4], $0x80, $0x38;
	[tilespmem:$0x1F880] =	vst v63  }
0x103: {  	_ =	swait.ge [sflag:s3], $0x80  }
0x104: {  	s11 =	simm.s32 $0x7000;
	[sflag:s3] =	ssyncset.done $0x0  }
0x105: {  	s25 =	sadd.s32 s8, s25;
	s16 =	simm.s32 $0x1800;
	[sflag:s3] =	ssyncadd.s32 $0xFFFFFF80  }
0x106: {  	[spmem:s1] =	stream.indirect.scatter.add.f32 [tilespmem:s11], [sflag:$0xD], $0x80, s16, s2, $0xb8;
	[tilespmem:$0x1F880] =	vst v63  }
0x107: {  	s18 =	sor.u32 s18, s25;
	_ =	swait.ge [sflag:s14], $0x2800  }
0x108: {  	s18 =	sshrl.u32 s18, $0x3;
	s26 =	smin.u32 s24, $0x75;
	[sflag:s14] =	ssyncset.done $0x0  }
0x109: {  	s18 =	sadd.s32 s5, s18;
	s15 =	sshll.u32 s26, $0x7;
	[sflag:s14] =	ssyncadd.s32 $0xFFFFD800  }
0x10a: {  	[tilespmem:s16], [sflag:$0xB] =	stream.linear.gather [hbm4b:s18+s4], $0x80, $0x38;
	[tilespmem:$0x1F880] =	vst v63  }
0x10b: {  	s18 =	sadd.s32 $0x380, s15;
	_ =	swait.ge [sflag:s17], $0x80  }
0x10c: {  	s16 =	sand.u32 $0x7C00, s18;
	[sflag:s17] =	ssyncset.done $0x0  }
0x10d: {  	s18 =	sand.u32 $0x380, s18;
	[sflag:s17] =	ssyncadd.s32 $0xFFFFFF80;
	s17 =	sadd.s32 s7, s16  }
0x10e: {  	[tilespmem:s11], [sflag:$0x3] =	stream.indirect.gather [hbm4b:s13+s2], $0x80, s6, s2, $0xb8;
	[tilespmem:$0x1F880] =	vst v63  }
0x10f: {  	s25 =	sor.u32 s18, s17;
	_ =	swait.ge [sflag:s22], $0x2800  }
0x110: {  	s25 =	sshrl.u32 s25, $0x3;
	[sflag:s22] =	ssyncset.done $0x0  }
0x111: {  	s25 =	sadd.s32 s5, s25;
	[sflag:s22] =	ssyncadd.s32 $0xFFFFD800  }
0x112: {  	[tilespmem:s20], [sflag:$0x8] =	stream.linear.gather [hbm4b:s25+s4], $0x80, $0x38;
	[tilespmem:$0x1F880] =	vst v63  }
0x113: {  	_ =	swait.ge [sflag:s0], $0x80  }
0x114: {  	[sflag:s0] =	ssyncset.done $0x0  }
0x115: {  	s24 =	sadd.s32 s8, s16;
	[sflag:s0] =	ssyncadd.s32 $0xFFFFFF80  }
0x116: {  	[spmem:s1] =	stream.indirect.scatter.add.f32 [tilespmem:s9], [sflag:$0xD], $0x80, s30, s2, $0xb8;
	[tilespmem:$0x1F880] =	vst v63  }
0x117: {  	s18 =	sor.u32 s18, s24;
	_ =	swait.ge [sflag:s14], $0x2800  }
0x118: {  	s18 =	sshrl.u32 s18, $0x3;
	[sflag:s14] =	ssyncset.done $0x0  }
0x119: {  	s18 =	sadd.s32 s5, s18;
	[sflag:s14] =	ssyncadd.s32 $0xFFFFD800  }
0x11a: {  	[tilespmem:s30], [sflag:$0xC] =	stream.linear.gather [hbm4b:s18+s4], $0x80, $0x38;
	[tilespmem:$0x1F880] =	vst v63  }
0x11b: {  	_ =	swait.ge [sflag:s21], $0x80  }
0x11c: {  	[sflag:s21] =	ssyncset.done $0x0  }
0x11d: {  	[sflag:s21] =	ssyncadd.s32 $0xFFFFFF80  }
0x11e: {  	[tilespmem:s9], [sflag:$0x4] =	stream.indirect.gather [hbm4b:s13+s2], $0x80, s20, s2, $0xb8;
	[tilespmem:$0x1F880] =	vst v63  }
0x11f: {  	_ =	swait.ge [sflag:s29], $0x2800  }
0x120: {  	[sflag:s29] =	ssyncset.done $0x0  }
0x121: {  	[sflag:s29] =	ssyncadd.s32 $0xFFFFD800  }
0x122: {  	_ =	swait.ge [sflag:s19], $0x80  }
0x123: {  	[sflag:s19] =	ssyncset.done $0x0  }
0x124: {  	[sflag:s19] =	ssyncadd.s32 $0xFFFFFF80  }
0x125: {  	[spmem:s1] =	stream.indirect.scatter.add.f32 [tilespmem:s28], [sflag:$0xD], $0x80, s31, s2, $0xb8;
	[tilespmem:$0x1F880] =	vst v63  }
0x126: {  	_ =	swait.ge [sflag:s14], $0x2800  }
0x127: {  	[sflag:s14] =	ssyncset.done $0x0  }
0x128: {  	[sflag:s14] =	ssyncadd.s32 $0xFFFFD800  }
0x129: {  	_ =	swait.ge [sflag:s12], $0x2800  }
0x12a: {  	[sflag:s12] =	ssyncset.done $0x0  }
0x12b: {  	[sflag:s12] =	ssyncadd.s32 $0xFFFFD800  }
0x12c: {  	_ =	swait.ge [sflag:s10], $0x80  }
0x12d: {  	[sflag:s10] =	ssyncset.done $0x0  }
0x12e: {  	[sflag:s10] =	ssyncadd.s32 $0xFFFFFF80  }
0x12f: {  	_ =	swait.ge [sflag:s23], $0x2800  }
0x130: {  	[sflag:s23] =	ssyncset.done $0x0  }
0x131: {  	[sflag:s23] =	ssyncadd.s32 $0xFFFFD800  }
0x132: {  	_ =	swait.ge [sflag:s3], $0x80  }
0x133: {  	[sflag:s3] =	ssyncset.done $0x0  }
0x134: {  	[sflag:s3] =	ssyncadd.s32 $0xFFFFFF80  }
0x135: {  	_ =	swait.ge [sflag:s22], $0x2800  }
0x136: {  	[sflag:s22] =	ssyncset.done $0x0  }
0x137: {  	[sflag:s22] =	ssyncadd.s32 $0xFFFFD800  }
0x138: {  	_ =	swait.ge [sflag:s0], $0x80  }
0x139: {  	[sflag:s0] =	ssyncset.done $0x0  }
0x13a: {  	[sflag:s0] =	ssyncadd.s32 $0xFFFFFF80  }
0x13b: {  	[bflag:$0x0] =	sbarrier.arrive $0xFFFF  }
0x13c: {  	s22 =	rddreg [dreg:$0x15]  }
0x13d: {  	s23 =	rddreg [dreg:$0x11]  }
0x13e: {  	s25 =	rddreg [dreg:$0x16];
	s18 =	sor.u32 $0x1C0D, s22  }
0x13f: {  	[hbm:s23], [sflag:s18] =	dma.local [spmem:s25], $0x2700  }
0x140: {  	_ =	swait.ge [sflag:s14], $0x2700  }
0x141: {  	[sflag:s14] =	ssyncset.done $0x0;
	s24 =	rddreg [dreg:$0xf]  }
0x142: {  	s25 =	rddreg [dreg:$0x12];
	[sflag:s14] =	ssyncadd.s32 $0xFFFFD900;
	s24 =	sshrl.u32 @!p1 s24, $0x3  }
0x143: {  	[hbm:s25], [sflag:s18] =	dma.local @!p1 [spmem:s24], $0x100  }
0x144: {  	s18 =	simm.s32 @!p1 $0xD  }
0x145: {  	_ =	swait.ge @!p1 [sflag:s18], $0x100  }
0x146: {  	s15 =	simm.s32 $0x6;
	s16 =	simm.s32 $0x4800;
	s26 =	rddreg [dreg:$0x14]  }
0x147: {  	s6 =	simm.s32 $0x400;
	s28 =	rddreg [dreg:$0x13];
	s3 =	sadd.s32 $0x1, s26  }
0x148: {  	s11 =	simm.s32 $0x1400;
	s17 =	simm.s32 $0x7;
	p3 =	sne.s32 s3, s28  }
.Ltmp5:
0x149: {  	s21 =	simm.s32 $0x8;
	s20 =	simm.s32 $0xC00;
	(pc) =	sbr.rel @p3 .LBB2_1-.Ltmp5, $4  }
0x14a: {  	s9 =	simm.s32 $0x1;
	s29 =	simm.s32 $0x2;
	s19 =	simm.s32 $0x9  }
0x14b: {  	s12 =	simm.s32 $0x2000;
	s10 =	simm.s32 $0x5;
	s0 =	simm.s32 $0x800  }
0x14c: {  	s22 =	simm.s32 $0x7000;
	s23 =	simm.s32 $0x9800;
	[sflag:s18] =	ssyncset.done @!p1 $0x0  }
0x14d: {  	s24 =	simm.s32 $0x1800;
	s25 =	smov.u32 s13;
	[sflag:s18] =	ssyncadd.s32 @!p1 $0xFFFFFF00  }
0x14e: {  	_ =	sfence.sel $0x180000  }
0x14f: {  	[bflag:$0x0] =	sbarrier.arrive $0xFFFF  }
0x150: {  	_ =	strace $0x90000047  }
0x151: {  	[bflag:$0x2] =	sbarrier.arrive $0xFFFF  }
0x152: {  	s0 =	rddreg [dreg:$0x4]  }
0x153: {  	s0 =	sadd.s32 @!p1 $0x100000, s0  }
0x154: {  	[sflag:s0] =	ssyncadd.tile.s32 @!p1 $0x1;
	_ =	shalt  }
.Lfunc_end2:
_tile_overlayer_lowered:
.L_overlay_start_2:
0x155: {  	(tag) =	ssettag $0x2  }
0x156: {  	s0 =	rddreg [dreg:$0x0];
	s2 =	stileid.u32  }
0x157: {  	s1 =	rddreg [dreg:$0x1];
	p0 =	sne.s32 s2, $0x0  }
0x158: {  	s3 =	rddreg [dreg:$0x2];
	[bflag:$0x3] =	sbarrier.arrive $0xFFFF;
	s2 =	simm.s32 @!p0 $0x1C0D  }
0x159: {  	[timem:s3], [sflag:s2] =	dma.local @!p0 [hbm:s0], s1  }
0x15a: {  	s0 =	simm.s32 @!p0 $0xD  }
0x15b: {  	_ =	swait.ge @!p0 [sflag:s0], s1  }
0x15c: {  	s1 =	ssub.s32 @!p0 $0x0, s1;
	[sflag:s0] =	ssyncset.done @!p0 $0x0  }
0x15d: {  	[sflag:s0] =	ssyncadd.s32 @!p0 s1  }
0x15e: {  	[bflag:$0x3] =	sbarrier.arrive $0xFFFF  }
0x15f: {  	_ =	shalt  }

// kernel: kernel.9.cloned.1.call-start
scs
__scs_entry_jumppad:
0x0: {  	(pc) =	sbr.rel $0x88, $3  }
0x1: {  	(tag) =	ssettag $0x0;
	lr =	simm.s32 $0x1  }
0x2: {  	[smem:$0x3F97] =	sst lr;
	_ =	strace $0xD0000000  }
0x3: {  	_ = 	snop  }
0x4: {  	_ = 	snop  }
0x5: {  	_ = 	snop  }
0x6: {  	_ = 	snop  }
0x7: {  	_ = 	snop  }
__scs_overlays_trampoline_lowered:
0x8: {  	[smem:$0x3FA6] =	sst s0  }
0x9: {  	[smem:$0x3FA7] =	sst s1  }
0xa: {  	[smem:$0x3FA8] =	sst s2  }
0xb: {  	[smem:$0x3FA9] =	sst s3  }
0xc: {  	[smem:$0x3FAA] =	sst s4  }
0xd: {  	[smem:$0x3FAB] =	sst s5  }
0xe: {  	[smem:$0x3FAC] =	sst s6  }
0xf: {  	[smem:$0x3FAD] =	sst s7  }
0x10: {  	[smem:$0x3FAE] =	sst s8  }
0x11: {  	[smem:$0x3FAF] =	sst s9;
	s0 =	simm.s32 @!p0 $0x0  }
0x12: {  	s1 =	sld [smem:$0x3F95];
	s0 =	simm.s32 @p0 $0x1  }
0x13: {  	[smem:$0x3FB0] =	sst s0;
	s0 =	simm.s32 @!p1 $0x0  }
0x14: {  	s2 =	sld [smem:$0x3F94];
	s0 =	simm.s32 @p1 $0x1  }
0x15: {  	[smem:$0x3FB1] =	sst s0;
	s0 =	simm.s32 @!p2 $0x0  }
0x16: {  	s3 =	sld [smem:$0x3FDB];
	s0 =	simm.s32 @p2 $0x1  }
0x17: {  	s4 =	simm.s32 $0x1BF5;
	[smem:$0x3FB3] =	sst s0  }
0x18: {  	s0 =	sld [smem:$0x3F96];
	_ =	swait.ge [sflag:s4], $0x0  }
0x19: {  	s7 =	sld [smem:$0x3F97]  }
0x1a: {  	s8 =	sadd.s32 $0xFFFFE003, lr  }
0x1b: {  	s9 =	sadd.s32 $0xFFFFFEF7, lr;
	s5 =	simm.s32 $0xFFFFFFFF;
	p2 =	slt.u32 s8, $0xFFFFF086  }
0x1c: {  	p1 =	slt.u32 s9, $0xF7A;
	s5 =	simm.s32 @!p2 $0x0  }
0x1d: {  	s5 =	simm.s32 @p1 $0x1;
	p0 =	seq.s32 s7, s2  }
0x1e: {  	s7 =	smul.u32 @!p0 $0xF7A, s2;
	p2 =	seq.s32 @!p0 s5, $0x0  }
0x1f: {  	s9 =	smul.u32 $0xF7A, s1;
	s8 =	simm.s32 @!p0 $0x1BF5;
	p2 =	por !p2, p0  }
0x20: {  	[sflag:s8] =	ssyncset.s32 @!p0 $0xFFFFF086;
	s6 =	sadd.s32 @!p0 s3, s7;
	s7 =	simm.s32 @!p0 $0x108  }
0x21: {  	s3 =	sadd.s32 s3, s9;
	s6 =	sadd.s32 @!p0 $0x88, s6;
	s7 =	simm.s32 @p2 $0x1082  }
0x22: {  	[simem:s7], [sflag:s8] =	dma.local @!p0 [hbm:s6], $0xF7A  }
0x23: {  	s9 =	sor.u32 $0xD0000000, s2;
	s6 =	simm.s32 $0x108;
	_ =	swait.ge @!p0 [sflag:s8], $0x0  }
0x24: {  	s3 =	sadd.s32 $0x88, s3;
	s6 =	simm.s32 @!p1 $0x1082;
	[sflag:s4] =	ssyncset.s32 $0xFFFFF086  }
0x25: {  	[simem:s6], [sflag:s4] =	dma.local [hbm:s3], $0xF7A  }
0x26: {  	[smem:$0x3F97] =	sst s1;
	(tag) =	ssettag s2;
	_ =	strace s9  }
0x27: {  	s1 =	sld [smem:$0x3FA7]  }
0x28: {  	s2 =	sld [smem:$0x3FA8]  }
0x29: {  	s4 =	sld [smem:$0x3FAA]  }
0x2a: {  	p0 =	seq.s32 s5, $0x0;
	s5 =	sld [smem:$0x3FAB]  }
0x2b: {  	s6 =	sld [smem:$0x3FAC]  }
0x2c: {  	s7 =	sld [smem:$0x3FAD]  }
0x2d: {  	s3 =	simm.s32 $0x108;
	s8 =	sld [smem:$0x3FAE]  }
0x2e: {  	s3 =	simm.s32 @!p0 $0x1082;
	s9 =	sld [smem:$0x3FAF]  }
0x2f: {  	lr =	sadd.s32 s0, s3;
	s0 =	sld [smem:$0x3FA6]  }
0x30: {  	s3 =	sld [smem:$0x3FA9]  }
0x31: {  	[smem:$0x3FB2] =	sst s10  }
0x32: {  	s10 =	sld [smem:$0x3FB0];
	_ =	sdelay $0x3  }
0x33: {  	p0 =	seq.s32 s10, $0x1;
	s10 =	sld [smem:$0x3FB2];
	_ =	sdelay $0x3  }
0x34: {  	[smem:$0x3FB2] =	sst s10  }
0x35: {  	s10 =	sld [smem:$0x3FB1];
	_ =	sdelay $0x3  }
0x36: {  	p1 =	seq.s32 s10, $0x1;
	s10 =	sld [smem:$0x3FB2];
	_ =	sdelay $0x3  }
0x37: {  	[smem:$0x3FB2] =	sst s10  }
0x38: {  	s10 =	sld [smem:$0x3FB3]  }
0x39: {  	_ = 	snop;
	(pc) =	sbr.ind lr, $3  }
0x3a: {  	_ = 	snop  }
0x3b: {  	_ = 	snop  }
0x3c: {  	p2 =	seq.s32 s10, $0x1;
	s10 =	sld [smem:$0x3FB2]  }
0x3d: {  	_ =	shalt  }
0x3e: {  	_ =	shalt  }
0x3f: {  	_ =	shalt  }
0x40: {  	_ =	shalt  }
0x41: {  	_ =	shalt  }
0x42: {  	_ =	shalt  }
0x43: {  	_ =	shalt  }
0x44: {  	_ =	shalt  }
0x45: {  	_ =	shalt  }
0x46: {  	_ =	shalt  }
0x47: {  	_ =	shalt  }
0x48: {  	_ =	shalt  }
0x49: {  	_ =	shalt  }
0x4a: {  	_ =	shalt  }
0x4b: {  	_ =	shalt  }
0x4c: {  	_ =	shalt  }
0x4d: {  	_ =	shalt  }
0x4e: {  	_ =	shalt  }
0x4f: {  	_ =	shalt  }
0x50: {  	_ =	shalt  }
0x51: {  	_ =	shalt  }
0x52: {  	_ =	shalt  }
0x53: {  	_ =	shalt  }
0x54: {  	_ =	shalt  }
0x55: {  	_ =	shalt  }
0x56: {  	_ =	shalt  }
0x57: {  	_ =	shalt  }
0x58: {  	_ =	shalt  }
0x59: {  	_ =	shalt  }
0x5a: {  	_ =	shalt  }
0x5b: {  	_ =	shalt  }
0x5c: {  	_ =	shalt  }
0x5d: {  	_ =	shalt  }
0x5e: {  	_ =	shalt  }
0x5f: {  	_ =	shalt  }
0x60: {  	_ =	shalt  }
0x61: {  	_ =	shalt  }
0x62: {  	_ =	shalt  }
0x63: {  	_ =	shalt  }
0x64: {  	_ =	shalt  }
0x65: {  	_ =	shalt  }
0x66: {  	_ =	shalt  }
0x67: {  	_ =	shalt  }
0x68: {  	_ =	shalt  }
0x69: {  	_ =	shalt  }
0x6a: {  	_ =	shalt  }
0x6b: {  	_ =	shalt  }
0x6c: {  	_ =	shalt  }
0x6d: {  	_ =	shalt  }
0x6e: {  	_ =	shalt  }
0x6f: {  	_ =	shalt  }
0x70: {  	_ =	shalt  }
0x71: {  	_ =	shalt  }
0x72: {  	_ =	shalt  }
0x73: {  	_ =	shalt  }
0x74: {  	_ =	shalt  }
0x75: {  	_ =	shalt  }
0x76: {  	_ =	shalt  }
0x77: {  	_ =	shalt  }
0x78: {  	_ =	shalt  }
0x79: {  	_ =	shalt  }
0x7a: {  	_ =	shalt  }
0x7b: {  	_ =	shalt  }
0x7c: {  	_ =	shalt  }
0x7d: {  	_ =	shalt  }
0x7e: {  	_ =	shalt  }
0x7f: {  	_ =	shalt  }
0x80: {  	_ =	shalt  }
0x81: {  	_ =	shalt  }
0x82: {  	_ =	shalt  }
0x83: {  	_ =	shalt  }
0x84: {  	_ =	shalt  }
0x85: {  	_ =	shalt  }
0x86: {  	_ =	shalt  }
0x87: {  	_ =	shalt  }
.Lfunc_end0:
.L_simem_size_0:
called_computation.1_lowered:
.L_overlay_start_0:
0x88: {  	s2 =	sld [smem:$0x3FD9]  }
0x89: {  	s3 =	sld [smem:$0x3FFE];
	_ =	sdelay $0x1  }
0x8a: {  	s1 =	srdreg.scid  }
0x8b: {  	s0 =	sand.u32 $0x1, s1  }
0x8c: {  	s17 =	sshll.u32 s0, $0xA;
	s2 =	sadd.s32 s3, s2  }
0x8d: {  	s2 =	sadd.s32 s2, s17  }
0x8e: {  	[smem:$0x3FBE] =	sst s2  }
0x8f: {  	_ = 	snop  }
0x90: {  	s2 =	sld [smem:$0x3FD0];
	(tm) =	ssettm $0x1  }
0x91: {  	s18 =	sld [smem:$0x3FFB];
	_ =	sdelay $0x3  }
0x92: {  	_ =	strace s18  }
0x93: {  	s3 =	sld [smem:$0x3FFC];
	_ =	sdelay $0x3  }
0x94: {  	_ =	strace s3  }
0x95: {  	s3 =	sld [smem:$0x3FFD];
	_ =	sdelay $0x3  }
0x96: {  	_ =	strace s3  }
0x97: {  	_ =	strace $0x8FFFFFFF  }
0x98: {  	s19 =	sld [smem:$0x3FDB];
	_ =	sdelay $0x1  }
0x99: {  	s4 =	simm.s32 $_scs_section_size  }
0x9a: {  	s5 =	simm.s32 $_size__tile_overlayer_lowered;
	s6 =	simm.s32 $_tile_overlayer_lowered  }
0x9b: {  	s22 =	simm.s32 $0x1BFF;
	s21 =	sshll.u32 s6, $0x1;
	s3 =	sadd.s32 s4, s19  }
0x9c: {  	s7 =	simm.s32 $0x0;
	s20 =	sshll.u32 s5, $0x1;
	s5 =	sadd.s32 s21, s3  }
0x9d: {  	[timem:s7], [sflag:s22] =	dma.local [hbm:s5], s20  }
0x9e: {  	_ =	swait.ge [sflag:s22], s20  }
0x9f: {  	s4 =	ssub.s32 $0x0, s20;
	[sflag:s22] =	ssyncset.done $0x0  }
0xa0: {  	[sflag:s22] =	ssyncadd.s32 s4;
	_ =	sdelay $0x1  }
0xa1: {  	s23 =	simm.s32 $0x1B8B  }
0xa2: {  	_ =	swait.ge [sflag:s23], $0x1  }
0xa3: {  	[sflag:s23] =	ssyncset.done $0x0  }
0xa4: {  	s25 =	simm.s32 $0x1B8E;
	s24 =	sld [smem:$0x3FFE];
	[sflag:s23] =	ssyncadd.s32 $0xFFFFFFFF  }
0xa5: {  	s26 =	simm.s32 $execute0_lowered;
	[smem:$0x3FD2] =	sst s25  }
0xa6: {  	s5 =	sshll.u32 s26, $0x1;
	_ =	strace $0x80000049;
	[dreg:$0x1] =	wrdreg $0xFFFFFFFF  }
0xa7: {  	s28 =	simm.s32 $_size_execute0_lowered;
	s3 =	sadd.s32 s3, s5;
	[dreg:$0x0] =	wrdreg $0x0  }
0xa8: {  	s5 =	sshll.u32 s28, $0x1;
	[dreg:$0x2] =	wrdreg s3  }
0xa9: {  	[dreg:$0x3] =	wrdreg s5  }
0xaa: {  	[dreg:$0x4] =	wrdreg $0xC0  }
0xab: {  	_ =	task [dreg:s7], $0x5FFFF  }
0xac: {  	[dreg:$0x1] =	wrdreg $0xFFFFFFFF  }
0xad: {  	[dreg:$0x0] =	wrdreg $0x60  }
0xae: {  	[dreg:$0x2] =	wrdreg s24  }
0xaf: {  	[dreg:$0x3] =	wrdreg s2  }
0xb0: {  	[dreg:$0x4] =	wrdreg $0xC0000  }
0xb1: {  	[dreg:$0x5] =	wrdreg $0x9  }
0xb2: {  	_ =	task.clear_ibuf [dreg:s7], $0x6FFFF;
	_ =	strace $0x90000049  }
0xb3: {  	s29 =	simm.s32 $0x9;
	_ =	strace $0x8000004B  }
0xb4: {  	_ =	swait.ge [sflag:s29], $0x1  }
0xb5: {  	[sflag:s29] =	ssyncadd.s32 $0xFFFFFFFF  }
0xb6: {  	_ =	strace $0x9000004B  }
0xb7: {  	_ =	sfence  }
0xb8: {  	s30 =	sld [smem:$0x0];
	_ =	sdelay $0x2  }
0xb9: {  	s31 =	sshll.u32 s1, $0xD;
	s1 =	sshrl.u32 s1, $0x2  }
0xba: {  	s3 =	sand.u32 $0x4000, s31;
	s1 =	sadd.s32 s1, s30  }
0xbb: {  	s0 =	sor.u32 s3, s0;
	s1 =	sshll.u32 s1, $0x11  }
0xbc: {  	s0 =	sor.u32 s1, s0  }
0xbd: {  	s0 =	sadd.s32 $0x8F2B, s0  }
0xbe: {  	[sflag:s0] =	ssyncadd.remote.s32 $0x1  }
0xbf: {  	_ =	sfence.sel $0xFFFF  }
0xc0: {  	[dreg:$0x0] =	wrdreg $0xFFFFFFFF;
	(pc) =	sbr.abs _section_cstart, $3  }
0xc1: {  	[dreg:$0x1] =	wrdreg $0xFFFFFFFF  }
0xc2: {  	_ =	task.clear_ibuf [dreg:s7], $0x2FFFF;
	_ =	strace $0x9FFFFFFF  }
0xc3: {  	(tm) =	ssettm $0x7FFFFFFF  }
tec
execute0_lowered:
.L_overlay_start_1:
0x0: {  	(tag) =	ssettag $0x1  }
0x1: {  	s0 =	rddreg [dreg:$0x0]  }
0x2: {  	s13 =	rddreg [dreg:$0x1]  }
0x3: {  	s2 =	rddreg [dreg:$0x2]  }
0x4: {  	s3 =	simm.s32 $0x0;
	s1 =	srdreg.scid;
	s14 =	stileid.u32  }
0x5: {  	s31 =	simm.s32 $0x1000;
	s30 =	simm.s32 $0x1C00;
	s29 =	simm.s32 $0x2  }
0x6: {  	[smem:$0x7FF] =	sst s3;
	s4 =	sadd.s32 $0x21E00, s0;
	s10 =	smul.u32 $0x4E000, s14  }
0x7: {  	s5 =	sadd.s32 $0x1E00, s0;
	s1 =	sand.u32 $0x1, s1;
	s17 =	smul.u32 $0x2700, s14  }
0x8: {  	s7 =	sshll.u32 s14, $0xF;
	s0 =	sadd.s32 $0x49000, s0;
	s21 =	smul.u32 $0x13800, s14  }
0x9: {  	s25 =	sadd.s32 $0x138000, s2;
	p1 =	sne.s32 s14, $0x0;
	p2 =	seq.s32 s14, $0x0  }
0xa: {  	s14 =	simm.s32 $0xD;
	_ =	strace $0x8000004A;
	s6 =	ssub.s32 $0x2, s1  }
0xb: {  	s8 =	sshll.u32 s1, $0xE;
	s19 =	smul.u32 $0x138800, s1;
	p0 =	seq.s32 s1, $0x1  }
0xc: {  	[dreg:$0xe] =	wrdreg s25;
	s25 =	simm.s32 $0x1800;
	s9 =	sshrl.u32 s6, $0x1  }
0xd: {  	s7 =	sor.u32 s8, s7;
	s22 =	sshrl.u32 s10, $0x2;
	s23 =	sadd.s32 s4, s17  }
0xe: {  	s10 =	simm.s32 $0x5;
	s6 =	ssub.s32 s6, s9;
	s11 =	sshrl.u32 s7, $0x3  }
0xf: {  	s8 =	sor.u32 $0x80000, s7;
	s1 =	sadd.s32 s22, s2;
	[dreg:$0xd] =	wrdreg s23  }
0x10: {  	s24 =	sadd.s32 s21, s19;
	s15 =	sadd.s32 s5, s11;
	[dreg:$0xc] =	wrdreg s1  }
0x11: {  	s12 =	sshrl.u32 s8, $0x3;
	s28 =	smax.u32 s6, $0x1;
	[dreg:$0x4] =	wrdreg s15  }
0x12: {  	s26 =	sshrl.u32 s19, $0x3;
	s9 =	sadd.s32 s5, s12;
	[dreg:$0x12] =	wrdreg s28  }
0x13: {  	s23 =	simm.s32 $0xC00;
	s16 =	sadd.s32 $0x10, s15;
	[dreg:$0x5] =	wrdreg s9  }
0x14: {  	s22 =	simm.s32 $0x7000;
	s11 =	sadd.s32 $0x10010, s15;
	[dreg:$0x6] =	wrdreg s16  }
0x15: {  	s21 =	simm.s32 $0x8;
	s18 =	sadd.s32 $0x20, s15;
	[dreg:$0x7] =	wrdreg s11  }
0x16: {  	s19 =	simm.s32 $0x9;
	s12 =	sadd.s32 $0x10020, s15;
	[dreg:$0x8] =	wrdreg s18  }
0x17: {  	s1 =	sshrl.u32 s24, $0x3;
	s20 =	sadd.s32 $0x30, s15;
	[dreg:$0x9] =	wrdreg s12  }
0x18: {  	s6 =	simm.s32 $0x400;
	s15 =	sadd.s32 $0x10030, s15;
	[dreg:$0xa] =	wrdreg s20  }
0x19: {  	s24 =	simm.s32 $0x9800;
	s1 =	sadd.s32 s0, s1;
	[dreg:$0xb] =	wrdreg s15  }
0x1a: {  	s0 =	sadd.s32 s0, s26;
	s9 =	sadd.s32 s13, s17;
	[dreg:$0x10] =	wrdreg s1  }
0x1b: {  	s0 =	sadd.s32 $0x27000, s0;
	s11 =	simm.s32 $0x1400;
	s1 =	simm.s32 $0x50  }
0x1c: {  	s12 =	simm.s32 $0x2000;
	s15 =	simm.s32 $0x6;
	s16 =	simm.s32 $0x4800  }
0x1d: {  	s17 =	simm.s32 $0x7;
	s20 =	simm.s32 $0x0;
	[dreg:$0xf] =	wrdreg s9  }
0x1e: {  	[dreg:$0x11] =	wrdreg s0;
	s0 =	simm.s32 $0x800;
	s9 =	simm.s32 $0x1  }
.LBB2_1:
0x1f: {  	s18 =	rddreg [dreg:$0x4]  }
0x20: {  	[tilespmem:s3], [sflag:$0x5] =	stream.linear.gather [hbm4b:s18+s3], $0x80, $0x38;
	[tilespmem:$0x1F880] =	vst v63  }
0x21: {  	s26 =	rddreg [dreg:$0x5]  }
0x22: {  	[tilespmem:s31], [sflag:$0x9] =	stream.linear.gather [hbm4b:s26+s3], $0x80, $0x38;
	[tilespmem:$0x1F880] =	vst v63  }
0x23: {  	s28 =	rddreg [dreg:$0x6]  }
0x24: {  	[tilespmem:s6], [sflag:$0x6] =	stream.linear.gather [hbm4b:s28+s3], $0x80, $0x38;
	[tilespmem:$0x1F880] =	vst v63  }
0x25: {  	s13 =	rddreg [dreg:$0x7]  }
0x26: {  	[tilespmem:s11], [sflag:$0xA] =	stream.linear.gather [hbm4b:s13+s3], $0x80, $0x38;
	[tilespmem:$0x1F880] =	vst v63  }
0x27: {  	s26 =	rddreg [dreg:$0x8]  }
0x28: {  	[tilespmem:s0], [sflag:$0x7] =	stream.linear.gather [hbm4b:s26+s3], $0x80, $0x38;
	[tilespmem:$0x1F880] =	vst v63  }
0x29: {  	s28 =	rddreg [dreg:$0x9]  }
0x2a: {  	[tilespmem:s25], [sflag:$0xB] =	stream.linear.gather [hbm4b:s28+s3], $0x80, $0x38;
	[tilespmem:$0x1F880] =	vst v63  }
0x2b: {  	s13 =	rddreg [dreg:$0xa]  }
0x2c: {  	[tilespmem:s23], [sflag:$0x8] =	stream.linear.gather [hbm4b:s13+s3], $0x80, $0x38;
	[tilespmem:$0x1F880] =	vst v63  }
0x2d: {  	s25 =	rddreg [dreg:$0xb]  }
0x2e: {  	[tilespmem:s30], [sflag:$0xC] =	stream.linear.gather [hbm4b:s25+s3], $0x80, $0x38;
	[tilespmem:$0x1F880] =	vst v63  }
0x2f: {  	_ =	swait.ge [sflag:s10], $0x80  }
0x30: {  	[sflag:s10] =	ssyncset.done $0x0  }
0x31: {  	[sflag:s10] =	ssyncadd.s32 $0xFFFFFF80  }
0x32: {  	[tilespmem:s12], [sflag:$0x1] =	stream.indirect.gather [hbm4b:s4+s1], $0x80, s3, s1, $0xb8;
	[tilespmem:$0x1F880] =	vst v63  }
0x33: {  	_ =	swait.ge [sflag:s15], $0x80  }
0x34: {  	[sflag:s15] =	ssyncset.done $0x0  }
0x35: {  	[sflag:s15] =	ssyncadd.s32 $0xFFFFFF80  }
0x36: {  	[tilespmem:s16], [sflag:$0x2] =	stream.indirect.gather [hbm4b:s4+s1], $0x80, s6, s1, $0xb8;
	[tilespmem:$0x1F880] =	vst v63  }
0x37: {  	_ =	swait.ge [sflag:s17], $0x80  }
0x38: {  	[sflag:s17] =	ssyncset.done $0x0  }
0x39: {  	s26 =	stileid.u32;
	[sflag:s17] =	ssyncadd.s32 $0xFFFFFF80  }
0x3a: {  	[tilespmem:s22], [sflag:$0x3] =	stream.indirect.gather [hbm4b:s4+s1], $0x80, s0, s1, $0xb8;
	[tilespmem:$0x1F880] =	vst v63  }
.Ltmp0:
0x3b: {  	_ =	swait.ge [sflag:s21], $0x80;
	[dreg:$0x13] =	wrdreg s20;
	(pc) =	sbr.rel @!p0 .LBB2_2-.Ltmp0, $4  }
0x3c: {  	s13 =	sshll.u32 s26, $0x6;
	[sflag:s21] =	ssyncset.done $0x0;
	s28 =	rddreg [dreg:$0xc]  }
0x3d: {  	[dreg:$0x14] =	wrdreg s13;
	[sflag:s21] =	ssyncadd.s32 $0xFFFFFF80;
	s21 =	sshrl.u32 s28, $0x3  }
0x3e: {  	[tilespmem:s24], [sflag:$0x4] =	stream.indirect.gather [hbm4b:s4+s1], $0x80, s23, s1, $0xb8;
	[tilespmem:$0x1F880] =	vst v63  }
0x3f: {  	s24 =	sor.u32 $0x1C0D, s13;
	[dreg:$0x15] =	wrdreg s21  }
0x40: {  	s24 =	sor.u32 $0x1C0D, s13;
	s18 =	rddreg [dreg:$0xf]  }
0x41: {  	[spmem:s21], [sflag:s24] =	dma.local [hbm:s18], $0x2700  }
.Ltmp1:
0x42: {  	_ = 	snop;
	(pc) =	sbr.rel @p1 .LBB2_5-.Ltmp1, $4  }
.Ltmp2:
0x43: {  	_ =	swait.ge [sflag:s14], $0x2700;
	(pc) =	sbr.rel @!p1 .LBB2_4-.Ltmp2, $4  }
0x44: {  	[sflag:s14] =	ssyncset.done $0x0  }
0x45: {  	[sflag:s14] =	ssyncadd.s32 $0xFFFFD900  }
0x46: {  	s25 =	rddreg [dreg:$0x1]  }
0x47: {  	_ = 	snop  }
.LBB2_2:
.Ltmp3:
0x48: {  	s18 =	rddreg [dreg:$0xd];
	(pc) =	sbr.rel @!p2 .LBB2_5-.Ltmp3, $4  }
0x49: {  	[spmem:s21], [sflag:s24] =	dma.local [hbm:s18], $0x2700  }
0x4a: {  	_ =	swait.ge [sflag:s14], $0x2700  }
0x4b: {  	[sflag:s14] =	ssyncset.done $0x0  }
0x4c: {  	s25 =	smov.u32 s4;
	[sflag:s14] =	ssyncadd.s32 $0xFFFFD900  }
.LBB2_4:
0x4d: {  	s18 =	rddreg [dreg:$0xe]  }
0x4e: {  	s25 =	sadd.s32 $0x27000, s25;
	s26 =	sshrl.u32 s18, $0x3  }
0x4f: {  	[spmem:s26], [sflag:s24] =	dma.local [hbm:s25], $0x100  }
0x50: {  	_ =	swait.ge [sflag:s14], $0x100  }
0x51: {  	[sflag:s14] =	ssyncset.done $0x0  }
0x52: {  	[sflag:s14] =	ssyncadd.s32 $0xFFFFFF00  }
.LBB2_5:
0x53: {  	s24 =	simm.s32 $0x200  }
0x54: {  	s25 =	sand.u32 $0x7C00, s24  }
0x55: {  	[bflag:$0x0] =	sbarrier.arrive $0xFFFF;
	s26 =	sand.u32 $0x200, s24;
	s20 =	sadd.s32 s7, s25  }
0x56: {  	_ =	swait.ge [sflag:s9], $0x2800;
	s24 =	sor.u32 s26, s20  }
0x57: {  	[sflag:s9] =	ssyncset.done $0x0;
	s24 =	sshrl.u32 s24, $0x3  }
0x58: {  	[sflag:s9] =	ssyncadd.s32 $0xFFFFD800;
	s24 =	sadd.s32 s5, s24  }
0x59: {  	[tilespmem:s3], [sflag:$0x5] =	stream.linear.gather [hbm4b:s24+s3], $0x80, $0x38;
	[tilespmem:$0x1F880] =	vst v63  }
0x5a: {  	_ =	swait.ge [sflag:s19], $0x80  }
0x5b: {  	[sflag:s19] =	ssyncset.done $0x0  }
0x5c: {  	s25 =	sadd.s32 s8, s25;
	[sflag:s19] =	ssyncadd.s32 $0xFFFFFF80  }
0x5d: {  	[spmem:s2] =	stream.indirect.scatter.add.f32 [tilespmem:s12], [sflag:$0xD], $0x80, s31, s1, $0xb8;
	[tilespmem:$0x1F880] =	vst v63  }
0x5e: {  	s21 =	simm.s32 $0x0;
	s25 =	sor.u32 s26, s25;
	_ =	swait.ge [sflag:s14], $0x2800  }
0x5f: {  	s23 =	smin.u32 s21, $0x77;
	s25 =	sshrl.u32 s25, $0x3;
	[sflag:s14] =	ssyncset.done $0x0  }
0x60: {  	s26 =	sshll.u32 s23, $0x7;
	s25 =	sadd.s32 s5, s25;
	[sflag:s14] =	ssyncadd.s32 $0xFFFFD800  }
0x61: {  	[tilespmem:s31], [sflag:$0x9] =	stream.linear.gather [hbm4b:s25+s3], $0x80, $0x38;
	[tilespmem:$0x1F880] =	vst v63  }
0x62: {  	s31 =	sadd.s32 $0x280, s26;
	_ =	swait.ge [sflag:s10], $0x80  }
0x63: {  	s26 =	sand.u32 $0x7C00, s31;
	[sflag:s10] =	ssyncset.done $0x0  }
0x64: {  	s25 =	sand.u32 $0x280, s31;
	s28 =	sadd.s32 s7, s26;
	[sflag:s10] =	ssyncadd.s32 $0xFFFFFF80  }
0x65: {  	[tilespmem:s12], [sflag:$0x1] =	stream.indirect.gather [hbm4b:s4+s1], $0x80, s3, s1, $0xb8;
	[tilespmem:$0x1F880] =	vst v63  }
0x66: {  	s28 =	sor.u32 s25, s28;
	_ =	swait.ge [sflag:s29], $0x2800  }
0x67: {  	s28 =	sshrl.u32 s28, $0x3;
	[sflag:s29] =	ssyncset.done $0x0  }
0x68: {  	s9 =	simm.s32 $0xA;
	s28 =	sadd.s32 s5, s28;
	[sflag:s29] =	ssyncadd.s32 $0xFFFFD800  }
0x69: {  	[tilespmem:s6], [sflag:$0x6] =	stream.linear.gather [hbm4b:s28+s3], $0x80, $0x38;
	[tilespmem:$0x1F880] =	vst v63  }
0x6a: {  	_ =	swait.ge [sflag:s9], $0x80  }
0x6b: {  	[sflag:s9] =	ssyncset.done $0x0  }
0x6c: {  	s13 =	smov.u32 s2;
	s26 =	sadd.s32 s8, s26;
	[sflag:s9] =	ssyncadd.s32 $0xFFFFFF80  }
0x6d: {  	[spmem:s13] =	stream.indirect.scatter.add.f32 [tilespmem:s16], [sflag:$0xD], $0x80, s11, s1, $0xb8;
	[tilespmem:$0x1F880] =	vst v63  }
0x6e: {  	s25 =	sor.u32 s25, s26;
	_ =	swait.ge [sflag:s14], $0x2800  }
0x6f: {  	s10 =	smin.u32 s21, $0x76;
	s25 =	sshrl.u32 s25, $0x3;
	[sflag:s14] =	ssyncset.done $0x0  }
0x70: {  	s26 =	sshll.u32 s10, $0x7;
	s25 =	sadd.s32 s5, s25;
	[sflag:s14] =	ssyncadd.s32 $0xFFFFD800  }
0x71: {  	[tilespmem:s11], [sflag:$0xA] =	stream.linear.gather [hbm4b:s25+s3], $0x80, $0x38;
	[tilespmem:$0x1F880] =	vst v63  }
0x72: {  	s12 =	sadd.s32 $0x300, s26;
	_ =	swait.ge [sflag:s15], $0x80  }
0x73: {  	s23 =	simm.s32 $0x3;
	s26 =	sand.u32 $0x7C00, s12;
	[sflag:s15] =	ssyncset.done $0x0  }
0x74: {  	s28 =	sadd.s32 s7, s26;
	s25 =	sand.u32 $0x300, s12;
	[sflag:s15] =	ssyncadd.s32 $0xFFFFFF80  }
0x75: {  	[tilespmem:s16], [sflag:$0x2] =	stream.indirect.gather [hbm4b:s4+s1], $0x80, s6, s1, $0xb8;
	[tilespmem:$0x1F880] =	vst v63  }
0x76: {  	s28 =	sor.u32 s25, s28;
	_ =	swait.ge [sflag:s23], $0x2800  }
0x77: {  	s28 =	sshrl.u32 s28, $0x3;
	[sflag:s23] =	ssyncset.done $0x0  }
0x78: {  	s2 =	simm.s32 $0xB;
	s28 =	sadd.s32 s5, s28;
	[sflag:s23] =	ssyncadd.s32 $0xFFFFD800  }
0x79: {  	[tilespmem:s0], [sflag:$0x7] =	stream.linear.gather [hbm4b:s28+s3], $0x80, $0x38;
	[tilespmem:$0x1F880] =	vst v63  }
0x7a: {  	_ =	swait.ge [sflag:s2], $0x80  }
0x7b: {  	[sflag:s2] =	ssyncset.done $0x0  }
0x7c: {  	s18 =	simm.s32 $0x1800;
	s26 =	sadd.s32 s8, s26;
	[sflag:s2] =	ssyncadd.s32 $0xFFFFFF80  }
0x7d: {  	[spmem:s13] =	stream.indirect.scatter.add.f32 [tilespmem:s22], [sflag:$0xD], $0x80, s18, s1, $0xb8;
	[tilespmem:$0x1F880] =	vst v63  }
0x7e: {  	s25 =	sor.u32 s25, s26;
	_ =	swait.ge [sflag:s14], $0x2800  }
0x7f: {  	s25 =	sshrl.u32 s25, $0x3;
	[sflag:s14] =	ssyncset.done $0x0  }
0x80: {  	s24 =	smin.u32 s21, $0x75;
	s25 =	sadd.s32 s5, s25;
	[sflag:s14] =	ssyncadd.s32 $0xFFFFD800  }
0x81: {  	[tilespmem:s18], [sflag:$0xB] =	stream.linear.gather [hbm4b:s25+s3], $0x80, $0x38;
	[tilespmem:$0x1F880] =	vst v63  }
0x82: {  	s24 =	sshll.u32 s24, $0x7;
	_ =	swait.ge [sflag:s17], $0x80  }
0x83: {  	s24 =	sadd.s32 $0x380, s24;
	[sflag:s17] =	ssyncset.done $0x0  }
0x84: {  	s19 =	sand.u32 $0x7C00, s24;
	s24 =	sand.u32 $0x380, s24;
	[sflag:s17] =	ssyncadd.s32 $0xFFFFFF80  }
0x85: {  	[tilespmem:s22], [sflag:$0x3] =	stream.indirect.gather [hbm4b:s4+s1], $0x80, s0, s1, $0xb8;
	[tilespmem:$0x1F880] =	vst v63  }
0x86: {  	s20 =	sadd.s32 s7, s19;
	s31 =	simm.s32 $0x400;
	s22 =	simm.s32 $0x4  }
0x87: {  	s21 =	simm.s32 $0xC00;
	s26 =	sor.u32 s24, s20;
	_ =	swait.ge [sflag:s22], $0x2800  }
0x88: {  	s10 =	simm.s32 $0x5;
	s26 =	sshrl.u32 s26, $0x3;
	[sflag:s22] =	ssyncset.done $0x0  }
0x89: {  	s26 =	sadd.s32 s5, s26;
	s0 =	simm.s32 $0xC;
	[sflag:s22] =	ssyncadd.s32 $0xFFFFD800  }
0x8a: {  	[tilespmem:s21], [sflag:$0x8] =	stream.linear.gather [hbm4b:s26+s3], $0x80, $0x38;
	[tilespmem:$0x1F880] =	vst v63  }
0x8b: {  	s29 =	simm.s32 $0x9800;
	s11 =	simm.s32 $0x1400;
	_ =	swait.ge [sflag:s0], $0x80  }
0x8c: {  	s12 =	simm.s32 $0x2;
	s15 =	simm.s32 $0x6;
	[sflag:s0] =	ssyncset.done $0x0  }
0x8d: {  	s16 =	simm.s32 $0x4800;
	s25 =	sadd.s32 s8, s19;
	[sflag:s0] =	ssyncadd.s32 $0xFFFFFF80  }
0x8e: {  	[spmem:s13] =	stream.indirect.scatter.add.f32 [tilespmem:s29], [sflag:$0xD], $0x80, s30, s1, $0xb8;
	[tilespmem:$0x1F880] =	vst v63  }
0x8f: {  	s28 =	simm.s32 $0x600;
	s24 =	sor.u32 s24, s25;
	_ =	swait.ge [sflag:s14], $0x2800  }
0x90: {  	s25 =	sand.u32 $0x200, s31;
	s24 =	sshrl.u32 s24, $0x3;
	[sflag:s14] =	ssyncset.done $0x0  }
0x91: {  	s24 =	sadd.s32 s5, s24;
	s17 =	simm.s32 $0x7;
	[sflag:s14] =	ssyncadd.s32 $0xFFFFD800  }
0x92: {  	[tilespmem:s30], [sflag:$0xC] =	stream.linear.gather [hbm4b:s24+s3], $0x80, $0x38;
	[tilespmem:$0x1F880] =	vst v63  }
0x93: {  	s26 =	sand.u32 $0x7C00, s31;
	s21 =	simm.s32 $0x8;
	s24 =	simm.s32 $0x4  }
.LBB2_6:
0x94: {  	s30 =	sand.u32 $0x7C00, s28;
	s31 =	sadd.s32 s7, s26  }
0x95: {  	_ =	swait.ge [sflag:s21], $0x80;
	s18 =	smov.u32 s28;
	s29 =	sadd.s32 $0x200, s28  }
0x96: {  	s20 =	simm.s32 $0xC00;
	s9 =	simm.s32 $0x9800;
	p3 =	sne.s32 s28, $0x3E00  }
0x97: {  	s19 =	simm.s32 $0x1;
	s31 =	sor.u32 s25, s31;
	[sflag:s21] =	ssyncset.done $0x0  }
0x98: {  	s18 =	sand.u32 $0x200, s18;
	s31 =	sshrl.u32 s31, $0x3;
	[sflag:s21] =	ssyncadd.s32 $0xFFFFFF80  }
0x99: {  	[tilespmem:s9], [sflag:$0x4] =	stream.indirect.gather [hbm4b:s4+s1], $0x80, s20, s1, $0xb8;
	[tilespmem:$0x1F880] =	vst v63  }
0x9a: {  	s28 =	sadd.s32 s5, s31;
	s31 =	simm.s32 $0x1000;
	_ =	swait.ge [sflag:s19], $0x2800  }
0x9b: {  	[sflag:s19] =	ssyncset.done $0x0  }
0x9c: {  	[sflag:s19] =	ssyncadd.s32 $0xFFFFD800;
	s19 =	simm.s32 $0x9  }
0x9d: {  	[tilespmem:s3], [sflag:$0x5] =	stream.linear.gather [hbm4b:s28+s3], $0x80, $0x38;
	[tilespmem:$0x1F880] =	vst v63  }
0x9e: {  	s28 =	sadd.s32 s8, s26;
	s26 =	smov.u32 s30;
	_ =	swait.ge [sflag:s19], $0x80  }
0x9f: {  	s28 =	sor.u32 s25, s28;
	s25 =	smov.u32 s18;
	[sflag:s19] =	ssyncset.done $0x0  }
0xa0: {  	s18 =	sshrl.u32 s28, $0x3;
	[sflag:s19] =	ssyncadd.s32 $0xFFFFFF80;
	s19 =	simm.s32 $0x2000  }
0xa1: {  	[spmem:s13] =	stream.indirect.scatter.add.f32 [tilespmem:s19], [sflag:$0xD], $0x80, s31, s1, $0xb8;
	[tilespmem:$0x1F880] =	vst v63  }
0xa2: {  	s28 =	smin.u32 s24, $0x77;
	s18 =	sadd.s32 s5, s18;
	_ =	swait.ge [sflag:s14], $0x2800  }
0xa3: {  	s28 =	sshll.u32 s28, $0x7;
	[sflag:s14] =	ssyncset.done $0x0  }
0xa4: {  	s28 =	sadd.s32 $0x280, s28;
	[sflag:s14] =	ssyncadd.s32 $0xFFFFD800  }
0xa5: {  	[tilespmem:s31], [sflag:$0x9] =	stream.linear.gather [hbm4b:s18+s3], $0x80, $0x38;
	[tilespmem:$0x1F880] =	vst v63  }
0xa6: {  	s18 =	sand.u32 $0x7C00, s28;
	s28 =	sand.u32 $0x280, s28;
	_ =	swait.ge [sflag:s10], $0x80  }
0xa7: {  	s30 =	sadd.s32 s7, s18;
	s18 =	sadd.s32 s8, s18;
	[sflag:s10] =	ssyncset.done $0x0  }
0xa8: {  	s30 =	sor.u32 s28, s30;
	s18 =	sor.u32 s28, s18;
	[sflag:s10] =	ssyncadd.s32 $0xFFFFFF80  }
0xa9: {  	[tilespmem:s19], [sflag:$0x1] =	stream.indirect.gather [hbm4b:s4+s1], $0x80, s3, s1, $0xb8;
	[tilespmem:$0x1F880] =	vst v63  }
0xaa: {  	s28 =	sshrl.u32 s30, $0x3;
	s18 =	sshrl.u32 s18, $0x3;
	_ =	swait.ge [sflag:s12], $0x2800  }
0xab: {  	s28 =	sadd.s32 s5, s28;
	[sflag:s12] =	ssyncset.done $0x0  }
0xac: {  	s6 =	simm.s32 $0x400;
	s19 =	simm.s32 $0xA;
	[sflag:s12] =	ssyncadd.s32 $0xFFFFD800  }
0xad: {  	[tilespmem:s6], [sflag:$0x6] =	stream.linear.gather [hbm4b:s28+s3], $0x80, $0x38;
	[tilespmem:$0x1F880] =	vst v63  }
0xae: {  	_ =	swait.ge [sflag:s19], $0x80  }
0xaf: {  	[sflag:s19] =	ssyncset.done $0x0  }
0xb0: {  	[sflag:s19] =	ssyncadd.s32 $0xFFFFFF80  }
0xb1: {  	[spmem:s13] =	stream.indirect.scatter.add.f32 [tilespmem:s16], [sflag:$0xD], $0x80, s11, s1, $0xb8;
	[tilespmem:$0x1F880] =	vst v63  }
0xb2: {  	s18 =	sadd.s32 s5, s18;
	_ =	swait.ge [sflag:s14], $0x2800  }
0xb3: {  	s28 =	smin.u32 s24, $0x76;
	[sflag:s14] =	ssyncset.done $0x0  }
0xb4: {  	s28 =	sshll.u32 s28, $0x7;
	[sflag:s14] =	ssyncadd.s32 $0xFFFFD800  }
0xb5: {  	[tilespmem:s11], [sflag:$0xA] =	stream.linear.gather [hbm4b:s18+s3], $0x80, $0x38;
	[tilespmem:$0x1F880] =	vst v63  }
0xb6: {  	s18 =	sadd.s32 $0x300, s28;
	_ =	swait.ge [sflag:s15], $0x80  }
0xb7: {  	s28 =	sand.u32 $0x7C00, s18;
	s18 =	sand.u32 $0x300, s18;
	[sflag:s15] =	ssyncset.done $0x0  }
0xb8: {  	s30 =	sadd.s32 s7, s28;
	s28 =	sadd.s32 s8, s28;
	[sflag:s15] =	ssyncadd.s32 $0xFFFFFF80  }
0xb9: {  	[tilespmem:s16], [sflag:$0x2] =	stream.indirect.gather [hbm4b:s4+s1], $0x80, s6, s1, $0xb8;
	[tilespmem:$0x1F880] =	vst v63  }
0xba: {  	s30 =	sor.u32 s18, s30;
	s18 =	sor.u32 s18, s28;
	_ =	swait.ge [sflag:s23], $0x2800  }
0xbb: {  	s28 =	sshrl.u32 s30, $0x3;
	s18 =	sshrl.u32 s18, $0x3;
	[sflag:s23] =	ssyncset.done $0x0  }
0xbc: {  	s19 =	simm.s32 $0x800;
	s28 =	sadd.s32 s5, s28;
	[sflag:s23] =	ssyncadd.s32 $0xFFFFD800  }
0xbd: {  	[tilespmem:s19], [sflag:$0x7] =	stream.linear.gather [hbm4b:s28+s3], $0x80, $0x38;
	[tilespmem:$0x1F880] =	vst v63  }
0xbe: {  	_ =	swait.ge [sflag:s2], $0x80  }
0xbf: {  	[sflag:s2] =	ssyncset.done $0x0  }
0xc0: {  	s30 =	simm.s32 $0x7000;
	s6 =	simm.s32 $0x1800;
	[sflag:s2] =	ssyncadd.s32 $0xFFFFFF80  }
0xc1: {  	[spmem:s13] =	stream.indirect.scatter.add.f32 [tilespmem:s30], [sflag:$0xD], $0x80, s6, s1, $0xb8;
	[tilespmem:$0x1F880] =	vst v63  }
0xc2: {  	_ =	swait.ge [sflag:s14], $0x2800  }
0xc3: {  	s18 =	sadd.s32 s5, s18;
	[sflag:s14] =	ssyncset.done $0x0  }
0xc4: {  	s28 =	smin.u32 s24, $0x75;
	[sflag:s14] =	ssyncadd.s32 $0xFFFFD800  }
0xc5: {  	[tilespmem:s6], [sflag:$0xB] =	stream.linear.gather [hbm4b:s18+s3], $0x80, $0x38;
	[tilespmem:$0x1F880] =	vst v63  }
0xc6: {  	s18 =	sshll.u32 s28, $0x7;
	_ =	swait.ge [sflag:s17], $0x80  }
0xc7: {  	s18 =	sadd.s32 $0x380, s18;
	[sflag:s17] =	ssyncset.done $0x0  }
0xc8: {  	s28 =	sand.u32 $0x7C00, s18;
	s18 =	sand.u32 $0x380, s18;
	[sflag:s17] =	ssyncadd.s32 $0xFFFFFF80  }
0xc9: {  	[tilespmem:s30], [sflag:$0x3] =	stream.indirect.gather [hbm4b:s4+s1], $0x80, s19, s1, $0xb8;
	[tilespmem:$0x1F880] =	vst v63  }
0xca: {  	s30 =	sadd.s32 s7, s28  }
0xcb: {  	s28 =	sadd.s32 s8, s28;
	_ =	swait.ge [sflag:s22], $0x2800;
	s30 =	sor.u32 s18, s30  }
0xcc: {  	s18 =	sor.u32 s18, s28;
	[sflag:s22] =	ssyncset.done $0x0;
	s28 =	sshrl.u32 s30, $0x3  }
0xcd: {  	s30 =	simm.s32 $0x1C00;
	s18 =	sshrl.u32 s18, $0x3;
	[sflag:s22] =	ssyncadd.s32 $0xFFFFD800  }
0xce: {  	s28 =	sadd.s32 s5, s28  }
0xcf: {  	[tilespmem:s20], [sflag:$0x8] =	stream.linear.gather [hbm4b:s28+s3], $0x80, $0x38;
	[tilespmem:$0x1F880] =	vst v63  }
0xd0: {  	_ =	swait.ge [sflag:s0], $0x80  }
0xd1: {  	[sflag:s0] =	ssyncset.done $0x0  }
0xd2: {  	[sflag:s0] =	ssyncadd.s32 $0xFFFFFF80  }
0xd3: {  	[spmem:s13] =	stream.indirect.scatter.add.f32 [tilespmem:s9], [sflag:$0xD], $0x80, s30, s1, $0xb8;
	[tilespmem:$0x1F880] =	vst v63  }
.Ltmp4:
0xd4: {  	_ = 	snop;
	(pc) =	sbr.rel @p3 .LBB2_6-.Ltmp4, $4  }
0xd5: {  	_ =	swait.ge [sflag:s14], $0x2800  }
0xd6: {  	s18 =	sadd.s32 s5, s18;
	[sflag:s14] =	ssyncset.done $0x0  }
0xd7: {  	s24 =	sadd.s32 $0x4, s24;
	s28 =	smov.u32 s29;
	[sflag:s14] =	ssyncadd.s32 $0xFFFFD800  }
0xd8: {  	[tilespmem:s30], [sflag:$0xC] =	stream.linear.gather [hbm4b:s18+s3], $0x80, $0x38;
	[tilespmem:$0x1F880] =	vst v63  }
0xd9: {  	_ =	swait.ge [sflag:s21], $0x80  }
0xda: {  	s18 =	sadd.s32 s7, s26;
	s20 =	simm.s32 $0xC00;
	[sflag:s21] =	ssyncset.done $0x0  }
0xdb: {  	s9 =	simm.s32 $0x9800;
	s29 =	simm.s32 $0x1;
	[sflag:s21] =	ssyncadd.s32 $0xFFFFFF80  }
0xdc: {  	[tilespmem:s9], [sflag:$0x4] =	stream.indirect.gather [hbm4b:s4+s1], $0x80, s20, s1, $0xb8;
	[tilespmem:$0x1F880] =	vst v63  }
0xdd: {  	s18 =	sor.u32 s25, s18;
	_ =	swait.ge [sflag:s29], $0x2800  }
0xde: {  	s18 =	sshrl.u32 s18, $0x3;
	[sflag:s29] =	ssyncset.done $0x0  }
0xdf: {  	s19 =	simm.s32 $0x9;
	s18 =	sadd.s32 s5, s18;
	[sflag:s29] =	ssyncadd.s32 $0xFFFFD800  }
0xe0: {  	[tilespmem:s3], [sflag:$0x5] =	stream.linear.gather [hbm4b:s18+s3], $0x80, $0x38;
	[tilespmem:$0x1F880] =	vst v63  }
0xe1: {  	_ =	swait.ge [sflag:s19], $0x80  }
0xe2: {  	[sflag:s19] =	ssyncset.done $0x0  }
0xe3: {  	s26 =	sadd.s32 s8, s26;
	s28 =	simm.s32 $0x2000;
	[sflag:s19] =	ssyncadd.s32 $0xFFFFFF80  }
0xe4: {  	[spmem:s13] =	stream.indirect.scatter.add.f32 [tilespmem:s28], [sflag:$0xD], $0x80, s31, s1, $0xb8;
	[tilespmem:$0x1F880] =	vst v63  }
0xe5: {  	s18 =	sor.u32 s25, s26;
	_ =	swait.ge [sflag:s14], $0x2800  }
0xe6: {  	s6 =	smin.u32 s24, $0x77;
	s18 =	sshrl.u32 s18, $0x3;
	[sflag:s14] =	ssyncset.done $0x0  }
0xe7: {  	s25 =	sshll.u32 s6, $0x7;
	s18 =	sadd.s32 s5, s18;
	[sflag:s14] =	ssyncadd.s32 $0xFFFFD800  }
0xe8: {  	[tilespmem:s31], [sflag:$0x9] =	stream.linear.gather [hbm4b:s18+s3], $0x80, $0x38;
	[tilespmem:$0x1F880] =	vst v63  }
0xe9: {  	s26 =	sadd.s32 $0x280, s25;
	_ =	swait.ge [sflag:s10], $0x80  }
0xea: {  	s25 =	sand.u32 $0x7C00, s26;
	[sflag:s10] =	ssyncset.done $0x0  }
0xeb: {  	s6 =	sadd.s32 s7, s25;
	s18 =	sand.u32 $0x280, s26;
	[sflag:s10] =	ssyncadd.s32 $0xFFFFFF80  }
0xec: {  	[tilespmem:s28], [sflag:$0x1] =	stream.indirect.gather [hbm4b:s4+s1], $0x80, s3, s1, $0xb8;
	[tilespmem:$0x1F880] =	vst v63  }
0xed: {  	s26 =	sor.u32 s18, s6;
	_ =	swait.ge [sflag:s12], $0x2800  }
0xee: {  	s6 =	simm.s32 $0x400;
	s26 =	sshrl.u32 s26, $0x3;
	[sflag:s12] =	ssyncset.done $0x0  }
0xef: {  	s26 =	sadd.s32 s5, s26;
	s10 =	simm.s32 $0xA;
	[sflag:s12] =	ssyncadd.s32 $0xFFFFD800  }
0xf0: {  	[tilespmem:s6], [sflag:$0x6] =	stream.linear.gather [hbm4b:s26+s3], $0x80, $0x38;
	[tilespmem:$0x1F880] =	vst v63  }
0xf1: {  	_ =	swait.ge [sflag:s10], $0x80  }
0xf2: {  	[sflag:s10] =	ssyncset.done $0x0  }
0xf3: {  	s25 =	sadd.s32 s8, s25;
	[sflag:s10] =	ssyncadd.s32 $0xFFFFFF80  }
0xf4: {  	[spmem:s13] =	stream.indirect.scatter.add.f32 [tilespmem:s16], [sflag:$0xD], $0x80, s11, s1, $0xb8;
	[tilespmem:$0x1F880] =	vst v63  }
0xf5: {  	s18 =	sor.u32 s18, s25;
	_ =	swait.ge [sflag:s14], $0x2800  }
0xf6: {  	s18 =	sshrl.u32 s18, $0x3;
	s26 =	smin.u32 s24, $0x76;
	[sflag:s14] =	ssyncset.done $0x0  }
0xf7: {  	s18 =	sadd.s32 s5, s18;
	s25 =	sshll.u32 s26, $0x7;
	[sflag:s14] =	ssyncadd.s32 $0xFFFFD800  }
0xf8: {  	[tilespmem:s11], [sflag:$0xA] =	stream.linear.gather [hbm4b:s18+s3], $0x80, $0x38;
	[tilespmem:$0x1F880] =	vst v63  }
0xf9: {  	s11 =	sadd.s32 $0x300, s25;
	_ =	swait.ge [sflag:s15], $0x80  }
0xfa: {  	s25 =	sand.u32 $0x7C00, s11;
	[sflag:s15] =	ssyncset.done $0x0  }
0xfb: {  	s18 =	sand.u32 $0x300, s11;
	[sflag:s15] =	ssyncadd.s32 $0xFFFFFF80;
	s15 =	sadd.s32 s7, s25  }
0xfc: {  	[tilespmem:s16], [sflag:$0x2] =	stream.indirect.gather [hbm4b:s4+s1], $0x80, s6, s1, $0xb8;
	[tilespmem:$0x1F880] =	vst v63  }
0xfd: {  	s26 =	sor.u32 s18, s15;
	_ =	swait.ge [sflag:s23], $0x2800  }
0xfe: {  	s26 =	sshrl.u32 s26, $0x3;
	[sflag:s23] =	ssyncset.done $0x0  }
0xff: {  	s6 =	simm.s32 $0x800;
	s26 =	sadd.s32 s5, s26;
	[sflag:s23] =	ssyncadd.s32 $0xFFFFD800  }
0x100: {  	[tilespmem:s6], [sflag:$0x7] =	stream.linear.gather [hbm4b:s26+s3], $0x80, $0x38;
	[tilespmem:$0x1F880] =	vst v63  }
0x101: {  	_ =	swait.ge [sflag:s2], $0x80  }
0x102: {  	s11 =	simm.s32 $0x7000;
	[sflag:s2] =	ssyncset.done $0x0  }
0x103: {  	s25 =	sadd.s32 s8, s25;
	s16 =	simm.s32 $0x1800;
	[sflag:s2] =	ssyncadd.s32 $0xFFFFFF80  }
0x104: {  	[spmem:s13] =	stream.indirect.scatter.add.f32 [tilespmem:s11], [sflag:$0xD], $0x80, s16, s1, $0xb8;
	[tilespmem:$0x1F880] =	vst v63  }
0x105: {  	s18 =	sor.u32 s18, s25;
	_ =	swait.ge [sflag:s14], $0x2800  }
0x106: {  	s18 =	sshrl.u32 s18, $0x3;
	s26 =	smin.u32 s24, $0x75;
	[sflag:s14] =	ssyncset.done $0x0  }
0x107: {  	s18 =	sadd.s32 s5, s18;
	s15 =	sshll.u32 s26, $0x7;
	[sflag:s14] =	ssyncadd.s32 $0xFFFFD800  }
0x108: {  	[tilespmem:s16], [sflag:$0xB] =	stream.linear.gather [hbm4b:s18+s3], $0x80, $0x38;
	[tilespmem:$0x1F880] =	vst v63  }
0x109: {  	s18 =	sadd.s32 $0x380, s15;
	_ =	swait.ge [sflag:s17], $0x80  }
0x10a: {  	s16 =	sand.u32 $0x7C00, s18;
	[sflag:s17] =	ssyncset.done $0x0  }
0x10b: {  	s18 =	sand.u32 $0x380, s18;
	[sflag:s17] =	ssyncadd.s32 $0xFFFFFF80;
	s17 =	sadd.s32 s7, s16  }
0x10c: {  	[tilespmem:s11], [sflag:$0x3] =	stream.indirect.gather [hbm4b:s4+s1], $0x80, s6, s1, $0xb8;
	[tilespmem:$0x1F880] =	vst v63  }
0x10d: {  	s25 =	sor.u32 s18, s17;
	_ =	swait.ge [sflag:s22], $0x2800  }
0x10e: {  	s25 =	sshrl.u32 s25, $0x3;
	[sflag:s22] =	ssyncset.done $0x0  }
0x10f: {  	s25 =	sadd.s32 s5, s25;
	[sflag:s22] =	ssyncadd.s32 $0xFFFFD800  }
0x110: {  	[tilespmem:s20], [sflag:$0x8] =	stream.linear.gather [hbm4b:s25+s3], $0x80, $0x38;
	[tilespmem:$0x1F880] =	vst v63  }
0x111: {  	_ =	swait.ge [sflag:s0], $0x80  }
0x112: {  	[sflag:s0] =	ssyncset.done $0x0  }
0x113: {  	s24 =	sadd.s32 s8, s16;
	[sflag:s0] =	ssyncadd.s32 $0xFFFFFF80  }
0x114: {  	[spmem:s13] =	stream.indirect.scatter.add.f32 [tilespmem:s9], [sflag:$0xD], $0x80, s30, s1, $0xb8;
	[tilespmem:$0x1F880] =	vst v63  }
0x115: {  	s18 =	sor.u32 s18, s24;
	_ =	swait.ge [sflag:s14], $0x2800  }
0x116: {  	s18 =	sshrl.u32 s18, $0x3;
	[sflag:s14] =	ssyncset.done $0x0  }
0x117: {  	s18 =	sadd.s32 s5, s18;
	[sflag:s14] =	ssyncadd.s32 $0xFFFFD800  }
0x118: {  	[tilespmem:s30], [sflag:$0xC] =	stream.linear.gather [hbm4b:s18+s3], $0x80, $0x38;
	[tilespmem:$0x1F880] =	vst v63  }
0x119: {  	_ =	swait.ge [sflag:s21], $0x80  }
0x11a: {  	[sflag:s21] =	ssyncset.done $0x0  }
0x11b: {  	[sflag:s21] =	ssyncadd.s32 $0xFFFFFF80  }
0x11c: {  	[tilespmem:s9], [sflag:$0x4] =	stream.indirect.gather [hbm4b:s4+s1], $0x80, s20, s1, $0xb8;
	[tilespmem:$0x1F880] =	vst v63  }
0x11d: {  	_ =	swait.ge [sflag:s29], $0x2800  }
0x11e: {  	[sflag:s29] =	ssyncset.done $0x0  }
0x11f: {  	[sflag:s29] =	ssyncadd.s32 $0xFFFFD800  }
0x120: {  	_ =	swait.ge [sflag:s19], $0x80  }
0x121: {  	[sflag:s19] =	ssyncset.done $0x0  }
0x122: {  	[sflag:s19] =	ssyncadd.s32 $0xFFFFFF80  }
0x123: {  	[spmem:s13] =	stream.indirect.scatter.add.f32 [tilespmem:s28], [sflag:$0xD], $0x80, s31, s1, $0xb8;
	[tilespmem:$0x1F880] =	vst v63  }
0x124: {  	_ =	swait.ge [sflag:s14], $0x2800  }
0x125: {  	[sflag:s14] =	ssyncset.done $0x0  }
0x126: {  	[sflag:s14] =	ssyncadd.s32 $0xFFFFD800  }
0x127: {  	_ =	swait.ge [sflag:s12], $0x2800  }
0x128: {  	[sflag:s12] =	ssyncset.done $0x0  }
0x129: {  	[sflag:s12] =	ssyncadd.s32 $0xFFFFD800  }
0x12a: {  	_ =	swait.ge [sflag:s10], $0x80  }
0x12b: {  	[sflag:s10] =	ssyncset.done $0x0  }
0x12c: {  	[sflag:s10] =	ssyncadd.s32 $0xFFFFFF80  }
0x12d: {  	_ =	swait.ge [sflag:s23], $0x2800  }
0x12e: {  	[sflag:s23] =	ssyncset.done $0x0  }
0x12f: {  	[sflag:s23] =	ssyncadd.s32 $0xFFFFD800  }
0x130: {  	_ =	swait.ge [sflag:s2], $0x80  }
0x131: {  	[sflag:s2] =	ssyncset.done $0x0  }
0x132: {  	[sflag:s2] =	ssyncadd.s32 $0xFFFFFF80  }
0x133: {  	_ =	swait.ge [sflag:s22], $0x2800  }
0x134: {  	[sflag:s22] =	ssyncset.done $0x0  }
0x135: {  	[sflag:s22] =	ssyncadd.s32 $0xFFFFD800  }
0x136: {  	_ =	swait.ge [sflag:s0], $0x80  }
0x137: {  	[sflag:s0] =	ssyncset.done $0x0  }
0x138: {  	[sflag:s0] =	ssyncadd.s32 $0xFFFFFF80  }
0x139: {  	[bflag:$0x0] =	sbarrier.arrive $0xFFFF  }
0x13a: {  	s22 =	rddreg [dreg:$0x14]  }
0x13b: {  	s23 =	rddreg [dreg:$0x10]  }
0x13c: {  	s25 =	rddreg [dreg:$0x15];
	s18 =	sor.u32 $0x1C0D, s22  }
0x13d: {  	[hbm:s23], [sflag:s18] =	dma.local [spmem:s25], $0x2700  }
0x13e: {  	_ =	swait.ge [sflag:s14], $0x2700  }
0x13f: {  	[sflag:s14] =	ssyncset.done $0x0;
	s24 =	rddreg [dreg:$0xe]  }
0x140: {  	s25 =	rddreg [dreg:$0x11];
	[sflag:s14] =	ssyncadd.s32 $0xFFFFD900;
	s24 =	sshrl.u32 @!p1 s24, $0x3  }
0x141: {  	[hbm:s25], [sflag:s18] =	dma.local @!p1 [spmem:s24], $0x100  }
0x142: {  	s18 =	simm.s32 @!p1 $0xD  }
0x143: {  	_ =	swait.ge @!p1 [sflag:s18], $0x100  }
0x144: {  	s15 =	simm.s32 $0x6;
	s16 =	simm.s32 $0x4800;
	s26 =	rddreg [dreg:$0x13]  }
0x145: {  	s6 =	simm.s32 $0x400;
	s28 =	rddreg [dreg:$0x12];
	s20 =	sadd.s32 $0x1, s26  }
0x146: {  	s11 =	simm.s32 $0x1400;
	s17 =	simm.s32 $0x7;
	p3 =	sne.s32 s20, s28  }
.Ltmp5:
0x147: {  	s21 =	simm.s32 $0x8;
	s9 =	simm.s32 $0x1;
	(pc) =	sbr.rel @p3 .LBB2_1-.Ltmp5, $4  }
0x148: {  	s29 =	simm.s32 $0x2;
	s19 =	simm.s32 $0x9;
	s12 =	simm.s32 $0x2000  }
0x149: {  	s10 =	simm.s32 $0x5;
	s2 =	smov.u32 s13;
	s0 =	simm.s32 $0x800  }
0x14a: {  	s22 =	simm.s32 $0x7000;
	s23 =	simm.s32 $0xC00;
	[sflag:s18] =	ssyncset.done @!p1 $0x0  }
0x14b: {  	s25 =	simm.s32 $0x1800;
	s24 =	simm.s32 $0x9800;
	[sflag:s18] =	ssyncadd.s32 @!p1 $0xFFFFFF00  }
0x14c: {  	_ =	sfence.sel $0x180000  }
0x14d: {  	[bflag:$0x0] =	sbarrier.arrive $0xFFFF  }
0x14e: {  	_ =	strace $0x9000004A  }
0x14f: {  	[bflag:$0x2] =	sbarrier.arrive $0xFFFF  }
0x150: {  	s0 =	rddreg [dreg:$0x3]  }
0x151: {  	s0 =	sadd.s32 @!p1 $0x100000, s0  }
0x152: {  	[sflag:s0] =	ssyncadd.tile.s32 @!p1 $0x1;
	_ =	shalt  }
.Lfunc_end2:
_tile_overlayer_lowered:
.L_overlay_start_2:
0x153: {  	(tag) =	ssettag $0x2  }
0x154: {  	s0 =	rddreg [dreg:$0x0];
	s2 =	stileid.u32  }
0x155: {  	s1 =	rddreg [dreg:$0x1];
	p0 =	sne.s32 s2, $0x0  }
0x156: {  	s3 =	rddreg [dreg:$0x2];
	[bflag:$0x3] =	sbarrier.arrive $0xFFFF;
	s2 =	simm.s32 @!p0 $0x1C0D  }
0x157: {  	[timem:s3], [sflag:s2] =	dma.local @!p0 [hbm:s0], s1  }
0x158: {  	s0 =	simm.s32 @!p0 $0xD  }
0x159: {  	_ =	swait.ge @!p0 [sflag:s0], s1  }
0x15a: {  	s1 =	ssub.s32 @!p0 $0x0, s1;
	[sflag:s0] =	ssyncset.done @!p0 $0x0  }
0x15b: {  	[sflag:s0] =	ssyncadd.s32 @!p0 s1  }
0x15c: {  	[bflag:$0x3] =	sbarrier.arrive $0xFFFF  }
0x15d: {  	_ =	shalt  }

</sc_bundles>
